<compile_context>
chip_gen: v7x
topology: tpu7x:2x2x1
jax: 0.10.2.dev20260603
libtpu: 0.0.44.dev20260713+nightly
codegen_flags: <defaults>
</compile_context>

<pallas_src>
import jax
import jax.numpy as jnp
from jax import lax
from jax.experimental import pallas as pl
from jax.experimental.pallas import tpu as pltpu
from jax.experimental.pallas import tpu_sc as plsc

NC = 2
NS = 16
CHUNK = 128
NBUF = 4


def _make_sc_agg(n, n_pad, d2, e_pad, with_deg):
  t_steps = e_pad // (NS * CHUNK)
  assert t_steps % NBUF == 0
  rowch = n_pad // CHUNK
  mesh = plsc.VectorSubcoreMesh(
      core_axis_name="c", subcore_axis_name="s",
      num_cores=NC, num_subcores=NS)

  out_type = [jax.ShapeDtypeStruct((NC, n_pad, d2), jnp.float32)]
  if with_deg:
    out_type.append(jax.ShapeDtypeStruct((n_pad,), jnp.float32))

  scratch = [
      [pltpu.VMEM((CHUNK,), jnp.int32) for _ in range(2 * NBUF)],
      [pltpu.VMEM((CHUNK, d2), jnp.float32) for _ in range(NBUF)],
      pltpu.VMEM((CHUNK,), jnp.float32),
      pltpu.VMEM_SHARED((n_pad, d2), jnp.float32),
      pltpu.VMEM_SHARED((n_pad,), jnp.float32),
      [pltpu.SemaphoreType.DMA for _ in range(NBUF)],
      [pltpu.SemaphoreType.DMA for _ in range(NBUF)],
      pltpu.SemaphoreType.DMA,
  ]

  def body(feats, srci, dsti, z2d, ones_in, *rest):
    if with_deg:
      acc_out, deg_out = rest[0], rest[1]
      rest = rest[2:]
    else:
      acc_out = rest[0]
      deg_out = None
      rest = rest[1:]
    ibufs, rows, ones_v, acc_sh, deg_sh, isems, rsems, dsem = rest
    sbuf = ibufs[:NBUF]
    dbuf = ibufs[NBUF:]

    c = lax.axis_index("c")
    s = lax.axis_index("s")

    pltpu.sync_copy(ones_in, ones_v)
    pltpu.sync_copy(z2d, rows[0])
    for jj in range((rowch + NS - 1) // NS):
      j = jj * NS + s

      @pl.when(j < rowch)
      def _():
        pltpu.sync_copy(rows[0], acc_sh.at[pl.ds(j * CHUNK, CHUNK)])
        if with_deg:
          @pl.when(c == 0)
          def _():
            pltpu.sync_copy(rows[0].at[0],
                            deg_sh.at[pl.ds(j * CHUNK, d2)])
            pltpu.sync_copy(rows[0].at[0],
                            deg_sh.at[pl.ds(j * CHUNK + d2, d2)])

    plsc.subcore_barrier()

    def idx_fetch(t, i):
      pltpu.async_copy(srci.at[c, s, t], sbuf[i], isems[i])
      pltpu.async_copy(dsti.at[s, t], dbuf[i], isems[i])

    def idx_wait(t, i):
      pltpu.make_async_copy(srci.at[c, s, t], sbuf[i], isems[i]).wait()
      pltpu.make_async_copy(dsti.at[s, t], dbuf[i], isems[i]).wait()

    def gather_start(i, r):
      pltpu.async_copy(feats.at[sbuf[i]], rows[r], rsems[r])

    def gather_wait(i, r):
      pltpu.make_async_copy(feats.at[sbuf[i]], rows[r], rsems[r]).wait()

    def deg_fire(i):
      pltpu.async_copy(ones_v, deg_sh.at[dbuf[i]], dsem, add=True)

    def deg_wait(i):
      pltpu.make_async_copy(ones_v, deg_sh.at[dbuf[i]], dsem).wait()

    for t in range(NBUF - 1):
      idx_fetch(t, t)
    idx_wait(0, 0)
    gather_start(0, 0)
    idx_wait(1, 1)
    gather_start(1, 1)

    def step(k, carry):
      for b in range(NBUF):
        t = NBUF * k + b

        if with_deg:
          @pl.when((c == 0) & (t > 0))
          def _():
            deg_wait((b - 1) % NBUF)

        @pl.when(t + NBUF - 1 < t_steps)
        def _():
          idx_fetch(t + NBUF - 1, (b + NBUF - 1) % NBUF)
        gather_wait(b, b)

        @pl.when(t + 2 < t_steps)
        def _():
          idx_wait(t + 2, (b + 2) % NBUF)
          gather_start((b + 2) % NBUF, (b + 2) % NBUF)
        pltpu.sync_copy(rows[b], acc_sh.at[dbuf[b]], add=True)
        if with_deg:
          @pl.when(c == 0)
          def _():
            deg_fire(b)
      return carry

    lax.fori_loop(0, t_steps // NBUF, step, 0)
    if with_deg:
      @pl.when(c == 0)
      def _():
        deg_wait((t_steps - 1) % NBUF)

    plsc.subcore_barrier()

    for jj in range((rowch + NS - 1) // NS):
      j = jj * NS + s

      @pl.when(j < rowch)
      def _():
        pltpu.sync_copy(acc_sh.at[pl.ds(j * CHUNK, CHUNK)],
                        acc_out.at[c, pl.ds(j * CHUNK, CHUNK)])
        if with_deg:
          @pl.when(c == 0)
          def _():
            pltpu.sync_copy(deg_sh.at[pl.ds(j * CHUNK, CHUNK)],
                            deg_out.at[pl.ds(j * CHUNK, CHUNK)])

  return pl.kernel(
      body, out_type=out_type, mesh=mesh, scratch_types=scratch,
      compiler_params=pltpu.CompilerParams(use_tc_tiling_on_sc=False))


def _tc_layer(acc, deg3, xin, wl, wr, b, row_blk):
  n, d = xin.shape
  d2 = d // 2
  nb = n // row_blk

  def body(acc_ref, deg_ref, x_ref, wl_ref, wr_ref, b_ref, o_ref):
    dtot = jnp.maximum(deg_ref[0, 0], 1.0)
    agg = jnp.concatenate([acc_ref[0], acc_ref[1]], axis=-1) / dtot[:, None]
    h = (jnp.dot(agg, wl_ref[...], preferred_element_type=jnp.float32)
         + jnp.dot(x_ref[...], wr_ref[...], preferred_element_type=jnp.float32)
         + b_ref[...])
    h = jnp.maximum(h, 0.0)
    o_ref[0] = h[:, :d2]
    o_ref[1] = h[:, d2:]

  return pl.pallas_call(
      body,
      grid=(nb,),
      in_specs=[
          pl.BlockSpec((NC, row_blk, d2), lambda i: (0, i, 0)),
          pl.BlockSpec((1, 1, row_blk), lambda i: (i, 0, 0)),
          pl.BlockSpec((row_blk, d), lambda i: (i, 0)),
          pl.BlockSpec((d, d), lambda i: (0, 0)),
          pl.BlockSpec((d, d), lambda i: (0, 0)),
          pl.BlockSpec((1, d), lambda i: (0, 0)),
      ],
      out_specs=pl.BlockSpec((NC, row_blk, d2), lambda i: (0, i, 0)),
      out_shape=jax.ShapeDtypeStruct((NC, n, d2), jnp.float32),
  )(acc, deg3, xin, wl, wr, b)


def _tc_final(acc, deg3, h1s, wl, wr, b, bat3, wlin_p, blin_p, n_graphs,
              row_blk):
  nc, n, d2 = h1s.shape
  d = d2 * 2
  nb = n // row_blk

  def body(acc_ref, deg_ref, h1_ref, wl_ref, wr_ref, b_ref, bat_ref,
           wlin_ref, blin_ref, o_ref, pool_s, cnt_s):
    i = pl.program_id(0)
    dtot = jnp.maximum(deg_ref[0, 0], 1.0)
    agg = jnp.concatenate([acc_ref[0], acc_ref[1]], axis=-1) / dtot[:, None]
    xin = jnp.concatenate([h1_ref[0], h1_ref[1]], axis=-1)
    h2 = jnp.maximum(
        jnp.dot(agg, wl_ref[...], preferred_element_type=jnp.float32)
        + jnp.dot(xin, wr_ref[...], preferred_element_type=jnp.float32)
        + b_ref[...], 0.0)

    bat = bat_ref[0, 0, :]
    seg = lax.broadcasted_iota(jnp.int32, (n_graphs, row_blk), 0)
    m = (seg == bat[None, :]).astype(jnp.float32)
    p_part = jnp.dot(m, h2, preferred_element_type=jnp.float32)
    c_part = jnp.broadcast_to(
        jnp.sum(m, axis=1, keepdims=True), (n_graphs, d))

    @pl.when(i == 0)
    def _():
      pool_s[...] = p_part
      cnt_s[...] = c_part

    @pl.when(i > 0)
    def _():
      pool_s[...] = pool_s[...] + p_part
      cnt_s[...] = cnt_s[...] + c_part

    @pl.when(i == nb - 1)
    def _():
      pooled = pool_s[...] / jnp.maximum(cnt_s[...], 1.0)
      o_ref[...] = (jnp.dot(pooled, wlin_ref[...],
                            preferred_element_type=jnp.float32)
                    + blin_ref[...])

  return pl.pallas_call(
      body,
      grid=(nb,),
      in_specs=[
          pl.BlockSpec((NC, row_blk, d2), lambda i: (0, i, 0)),
          pl.BlockSpec((1, 1, row_blk), lambda i: (i, 0, 0)),
          pl.BlockSpec((NC, row_blk, d2), lambda i: (0, i, 0)),
          pl.BlockSpec((d, d), lambda i: (0, 0)),
          pl.BlockSpec((d, d), lambda i: (0, 0)),
          pl.BlockSpec((1, d), lambda i: (0, 0)),
          pl.BlockSpec((1, 1, row_blk), lambda i: (i, 0, 0)),
          pl.BlockSpec((d, d), lambda i: (0, 0)),
          pl.BlockSpec((1, d), lambda i: (0, 0)),
      ],
      out_specs=pl.BlockSpec((n_graphs, d), lambda i: (0, 0)),
      out_shape=jax.ShapeDtypeStruct((n_graphs, d), jnp.float32),
      scratch_shapes=[
          pltpu.VMEM((n_graphs, d), jnp.float32),
          pltpu.VMEM((n_graphs, d), jnp.float32),
      ],
  )(acc, deg3, h1s, wl, wr, b, bat3, wlin_p, blin_p)


def kernel(x, edge_index, batch, W0l, W0r, b0, W1l, W1r, b1, Wlin, blin):
  n, d = x.shape
  d2 = d // 2
  e = edge_index.shape[1]
  n_cls = Wlin.shape[1]
  n_graphs = 64
  row_blk = 400
  nb = n // row_blk

  grain = NS * CHUNK * NBUF
  e_pad = ((e + grain - 1) // grain) * grain
  n_pad = ((n + 1 + CHUNK - 1) // CHUNK) * CHUNK
  t_steps = e_pad // (NS * CHUNK)

  src = edge_index[0]
  dst = edge_index[1]
  pad = e_pad - e
  if pad:
    src = jnp.concatenate([src, jnp.zeros((pad,), jnp.int32)])
    dst = jnp.concatenate([dst, jnp.full((pad,), n, jnp.int32)])
  src = src.reshape(NS, t_steps, CHUNK)
  dst = dst.reshape(NS, t_steps, CHUNK)
  z2d = jnp.zeros((CHUNK, d2), jnp.float32)
  ones1 = jnp.ones((CHUNK,), jnp.float32)

  src2 = jnp.stack([src, src + n])
  xh = x.reshape(n, NC, d2).transpose(1, 0, 2).reshape(NC * n, d2)
  acc0, deg = _make_sc_agg(n, n_pad, d2, e_pad, True)(
      xh, src2, dst, z2d, ones1)
  deg3 = deg[:n].reshape(nb, 1, row_blk)

  b0r = b0.reshape(1, d)
  b1r = b1.reshape(1, d)
  h1s = _tc_layer(acc0, deg3, x, W0l, W0r, b0r, row_blk)

  (acc1,) = _make_sc_agg(n, n_pad, d2, e_pad, False)(
      h1s.reshape(NC * n, d2), src2, dst, z2d, ones1)

  bat3 = batch.reshape(nb, 1, row_blk)
  wlin_p = jnp.zeros((d, d), jnp.float32).at[:, :n_cls].set(Wlin)
  blin_p = jnp.zeros((1, d), jnp.float32).at[0, :n_cls].set(blin)

  logits = _tc_final(acc1, deg3, h1s, W1l, W1r, b1r, bat3, wlin_p, blin_p,
                     n_graphs, row_blk)
  return logits[:, :n_cls]

# --- scband reference (transcript-rebuilt; emitter-appended) ---
"""Pipeline reference for scband-graph-sage-81801947120093 (READ-ONLY COPY).

The authoritative reference and input builder live on the scoring server;
editing this copy changes nothing except your own understanding.
"""

import jax, jax.numpy as jnp
import numpy as np

N = 10000
E = 320000
D = 128
H = 128
C = 8
G = 64


def setup_inputs(seed: int = 0) -> dict:
    key = jax.random.key(seed)
    ks = jax.random.split(key, 12)
    x = jax.random.normal(ks[0], (N, D), dtype=jnp.float32)
    edge_index = jax.random.randint(ks[1], (2, E), 0, N, dtype=jnp.int32)
    batch = jnp.sort(jax.random.randint(ks[2], (N,), 0, G, dtype=jnp.int32))
    s_d = 1.0 / np.sqrt(D)
    s_h = 1.0 / np.sqrt(H)
    W0l = jax.random.normal(ks[3], (D, H), dtype=jnp.float32) * s_d
    W0r = jax.random.normal(ks[4], (D, H), dtype=jnp.float32) * s_d
    b0 = jnp.zeros((H,), dtype=jnp.float32)
    W1l = jax.random.normal(ks[5], (H, H), dtype=jnp.float32) * s_h
    W1r = jax.random.normal(ks[6], (H, H), dtype=jnp.float32) * s_h
    b1 = jnp.zeros((H,), dtype=jnp.float32)
    Wlin = jax.random.normal(ks[7], (H, C), dtype=jnp.float32) * s_h
    blin = jnp.zeros((C,), dtype=jnp.float32)
    return {"x": x, "edge_index": edge_index, "batch": batch,
            "W0l": W0l, "W0r": W0r, "b0": b0,
            "W1l": W1l, "W1r": W1r, "b1": b1,
            "Wlin": Wlin, "blin": blin}


def _sage_conv(x, src, dst, Wl, Wr, b):
    # PyG SAGEConv: out = Wl @ mean_{j in N(i)} x_j + Wr @ x_i + b
    msgs = x[src]  # gather source node feats per edge
    agg = jax.ops.segment_sum(msgs, dst, num_segments=N)
    deg = jax.ops.segment_sum(jnp.ones((src.shape[0], 1), x.dtype), dst, num_segments=N)
    agg = agg / jnp.maximum(deg, 1.0)
    return agg @ Wl + x @ Wr + b


def reference(x, edge_index, batch, W0l, W0r, b0, W1l, W1r, b1, Wlin, blin):
    src = edge_index[0]
    dst = edge_index[1]
    h = _sage_conv(x, src, dst, W0l, W0r, b0)
    h = jax.nn.relu(h)
    h = _sage_conv(h, src, dst, W1l, W1r, b1)
    h = jax.nn.relu(h)
    # global_mean_pool over `batch` segment ids
    sums = jax.ops.segment_sum(h, batch, num_segments=G)
    counts = jax.ops.segment_sum(jnp.ones((N, 1), h.dtype), batch, num_segments=G)
    pooled = sums / jnp.maximum(counts, 1.0)
    logits = pooled @ Wlin + blin
    return jnp.squeeze(logits)

if __name__ == "__main__":
    import jax
    _d = setup_inputs()
    print(jax.jit(kernel)(*tuple(_d.values())))

</pallas_src>

<mosaic_0001>
#map = affine_map<(d0, d1) -> (0, 0)>
#map1 = affine_map<(d0, d1) -> (0, 0, 0, 0)>
#map2 = affine_map<(d0, d1) -> (0, 0, 0)>
#map3 = affine_map<(d0, d1) -> (0)>
module attributes {stable_mosaic.version = 14 : i64} {
  func.func @body(%arg0: i32, %arg1: i32, %arg2: memref<20000x64xf32, #tpu.memory_space<hbm>>, %arg3: memref<2x16x160x128xi32, #tpu.memory_space<hbm>>, %arg4: memref<16x160x128xi32, #tpu.memory_space<hbm>>, %arg5: memref<128x64xf32, #tpu.memory_space<hbm>>, %arg6: memref<128xf32, #tpu.memory_space<hbm>>, %arg7: memref<2x10112x64xf32, #tpu.memory_space<hbm>>, %arg8: memref<10112xf32, #tpu.memory_space<hbm>>, %arg9: memref<128xi32, #tpu.memory_space<vmem>>, %arg10: memref<128xi32, #tpu.memory_space<vmem>>, %arg11: memref<128xi32, #tpu.memory_space<vmem>>, %arg12: memref<128xi32, #tpu.memory_space<vmem>>, %arg13: memref<128xi32, #tpu.memory_space<vmem>>, %arg14: memref<128xi32, #tpu.memory_space<vmem>>, %arg15: memref<128xi32, #tpu.memory_space<vmem>>, %arg16: memref<128xi32, #tpu.memory_space<vmem>>, %arg17: memref<128x64xf32, #tpu.memory_space<vmem>>, %arg18: memref<128x64xf32, #tpu.memory_space<vmem>>, %arg19: memref<128x64xf32, #tpu.memory_space<vmem>>, %arg20: memref<128x64xf32, #tpu.memory_space<vmem>>, %arg21: memref<128xf32, #tpu.memory_space<vmem>>, %arg22: memref<10112x64xf32, #tpu.memory_space<vmem_shared>>, %arg23: memref<10112xf32, #tpu.memory_space<vmem_shared>>, %arg24: memref<!tpu.dma_semaphore, #tpu.memory_space<semaphore_mem>>, %arg25: memref<!tpu.dma_semaphore, #tpu.memory_space<semaphore_mem>>, %arg26: memref<!tpu.dma_semaphore, #tpu.memory_space<semaphore_mem>>, %arg27: memref<!tpu.dma_semaphore, #tpu.memory_space<semaphore_mem>>, %arg28: memref<!tpu.dma_semaphore, #tpu.memory_space<semaphore_mem>>, %arg29: memref<!tpu.dma_semaphore, #tpu.memory_space<semaphore_mem>>, %arg30: memref<!tpu.dma_semaphore, #tpu.memory_space<semaphore_mem>>, %arg31: memref<!tpu.dma_semaphore, #tpu.memory_space<semaphore_mem>>, %arg32: memref<!tpu.dma_semaphore, #tpu.memory_space<semaphore_mem>>) attributes {dimension_semantics = [#tpu.dimension_semantics<core_parallel>, #tpu.dimension_semantics<subcore_parallel>], iteration_bounds = array<i64: 2, 16>, scalar_prefetch = 0 : i64, scratch_operands = 24 : i64, tpu.core_type = #tpu.core_type<sc_vector_subcore>, window_params = [{transform_indices = #map}, {transform_indices = #map1}, {transform_indices = #map2}, {transform_indices = #map}, {transform_indices = #map3}, {transform_indices = #map2}, {transform_indices = #map3}]} {
    "tpu.region"() ({
      %run_scoped3A = tpu.sem_alloc : memref<!tpu.dma_semaphore, #tpu.memory_space<semaphore_mem>>
      tpu.enqueue_dma source(%arg6 : memref<128xf32, #tpu.memory_space<hbm>>) target(%arg21 : memref<128xf32, #tpu.memory_space<vmem>>) target_semaphore(%run_scoped3A : memref<!tpu.dma_semaphore, #tpu.memory_space<semaphore_mem>>)
      tpu.wait_dma2 semaphore(%run_scoped3A : memref<!tpu.dma_semaphore, #tpu.memory_space<semaphore_mem>>) src(%arg6 : memref<128xf32, #tpu.memory_space<hbm>>) dst(%arg21 : memref<128xf32, #tpu.memory_space<vmem>>)
      tpu.yield
    }) : () -> ()
    "tpu.region"() ({
      %run_scoped3A = tpu.sem_alloc : memref<!tpu.dma_semaphore, #tpu.memory_space<semaphore_mem>>
      tpu.enqueue_dma source(%arg5 : memref<128x64xf32, #tpu.memory_space<hbm>>) target(%arg17 : memref<128x64xf32, #tpu.memory_space<vmem>>) target_semaphore(%run_scoped3A : memref<!tpu.dma_semaphore, #tpu.memory_space<semaphore_mem>>)
      tpu.wait_dma2 semaphore(%run_scoped3A : memref<!tpu.dma_semaphore, #tpu.memory_space<semaphore_mem>>) src(%arg5 : memref<128x64xf32, #tpu.memory_space<hbm>>) dst(%arg17 : memref<128x64xf32, #tpu.memory_space<vmem>>)
      tpu.yield
    }) : () -> ()
    %add3A = arith.constant 0 : i32
    %add3A_0 = arith.addi %add3A, %arg1 : i32
    %lt3A = arith.constant 79 : i32
    %lt3A_1 = arith.cmpi slt, %add3A_0, %lt3A : i32
    %convert_element_type3A = arith.extui %lt3A_1 : i1 to i32
    %cond3A = arith.constant 0 : i32
    %cond3A_2 = arith.cmpi ne, %convert_element_type3A, %cond3A : i32
    scf.if %cond3A_2 {
      %mul3A = arith.constant 128 : i32
      %mul3A_150 = arith.muli %add3A_0, %mul3A : i32
      "tpu.region"() ({
        %run_scoped3A = tpu.sem_alloc : memref<!tpu.dma_semaphore, #tpu.memory_space<semaphore_mem>>
        %dma_start3A_156 = arith.constant 0 : i32
        %dma_start3A_157 = tpu.memref_slice %arg22[%mul3A_150, %dma_start3A_156] : memref<10112x64xf32, #tpu.memory_space<vmem_shared>> -> memref<128x64xf32, #tpu.memory_space<vmem_shared>>
        %dma_start3A_158 = arith.constant 0 : i32
        %dma_start3A_159 = tpu.memref_slice %arg22[%mul3A_150, %dma_start3A_158] : memref<10112x64xf32, #tpu.memory_space<vmem_shared>> -> memref<128x64xf32, #tpu.memory_space<vmem_shared>>
        tpu.enqueue_dma source(%arg17 : memref<128x64xf32, #tpu.memory_space<vmem>>) target(%dma_start3A_159 : memref<128x64xf32, #tpu.memory_space<vmem_shared>>) target_semaphore(%run_scoped3A : memref<!tpu.dma_semaphore, #tpu.memory_space<semaphore_mem>>)
        %dma_wait3A_160 = arith.constant 0 : i32
        %dma_wait3A_161 = tpu.memref_slice %arg22[%mul3A_150, %dma_wait3A_160] : memref<10112x64xf32, #tpu.memory_space<vmem_shared>> -> memref<128x64xf32, #tpu.memory_space<vmem_shared>>
        %dma_wait3A_162 = arith.constant 0 : i32
        %dma_wait3A_163 = tpu.memref_slice %arg22[%mul3A_150, %dma_wait3A_162] : memref<10112x64xf32, #tpu.memory_space<vmem_shared>> -> memref<128x64xf32, #tpu.memory_space<vmem_shared>>
        tpu.wait_dma2 semaphore(%run_scoped3A : memref<!tpu.dma_semaphore, #tpu.memory_space<semaphore_mem>>) src(%arg17 : memref<128x64xf32, #tpu.memory_space<vmem>>) dst(%dma_wait3A_163 : memref<128x64xf32, #tpu.memory_space<vmem_shared>>)
        tpu.yield
      }) : () -> ()
      %eq3A_151 = arith.constant 0 : i32
      %eq3A_152 = arith.cmpi eq, %arg0, %eq3A_151 : i32
      %convert_element_type3A_153 = arith.extui %eq3A_152 : i1 to i32
      %cond3A_154 = arith.constant 0 : i32
      %cond3A_155 = arith.cmpi ne, %convert_element_type3A_153, %cond3A_154 : i32
      scf.if %cond3A_155 {
        %mul3A_156 = arith.constant 128 : i32
        %mul3A_157 = arith.muli %add3A_0, %mul3A_156 : i32
        %run_scoped3A = arith.constant 0 : i32
        "tpu.region"() ({
          %run_scoped3A_163 = tpu.sem_alloc : memref<!tpu.dma_semaphore, #tpu.memory_space<semaphore_mem>>
          %dma_start3A_164 = arith.constant 0 : i32
          %dma_start3A_165 = tpu.memref_slice %arg17[%run_scoped3A, %dma_start3A_164] : memref<128x64xf32, #tpu.memory_space<vmem>> -> memref<1x64xf32, #tpu.memory_space<vmem>>
          %dma_start3A_166 = tpu.memref_squeeze %dma_start3A_165 : memref<1x64xf32, #tpu.memory_space<vmem>> -> memref<64xf32, #tpu.memory_space<vmem>>
          %dma_start3A_167 = tpu.memref_slice %arg23[%mul3A_157] : memref<10112xf32, #tpu.memory_space<vmem_shared>> -> memref<64xf32, #tpu.memory_space<vmem_shared>>
          %dma_start3A_168 = tpu.memref_slice %arg23[%mul3A_157] : memref<10112xf32, #tpu.memory_space<vmem_shared>> -> memref<64xf32, #tpu.memory_space<vmem_shared>>
          %dma_start3A_169 = arith.constant 0 : i32
          %dma_start3A_170 = tpu.memref_slice %arg17[%run_scoped3A, %dma_start3A_169] : memref<128x64xf32, #tpu.memory_space<vmem>> -> memref<1x64xf32, #tpu.memory_space<vmem>>
          %dma_start3A_171 = tpu.memref_squeeze %dma_start3A_170 : memref<1x64xf32, #tpu.memory_space<vmem>> -> memref<64xf32, #tpu.memory_space<vmem>>
          tpu.enqueue_dma source(%dma_start3A_171 : memref<64xf32, #tpu.memory_space<vmem>>) target(%dma_start3A_168 : memref<64xf32, #tpu.memory_space<vmem_shared>>) target_semaphore(%run_scoped3A_163 : memref<!tpu.dma_semaphore, #tpu.memory_space<semaphore_mem>>)
          %dma_wait3A_172 = arith.constant 0 : i32
          %dma_wait3A_173 = tpu.memref_slice %arg17[%run_scoped3A, %dma_wait3A_172] : memref<128x64xf32, #tpu.memory_space<vmem>> -> memref<1x64xf32, #tpu.memory_space<vmem>>
          %dma_wait3A_174 = tpu.memref_squeeze %dma_wait3A_173 : memref<1x64xf32, #tpu.memory_space<vmem>> -> memref<64xf32, #tpu.memory_space<vmem>>
          %dma_wait3A_175 = tpu.memref_slice %arg23[%mul3A_157] : memref<10112xf32, #tpu.memory_space<vmem_shared>> -> memref<64xf32, #tpu.memory_space<vmem_shared>>
          %dma_wait3A_176 = tpu.memref_slice %arg23[%mul3A_157] : memref<10112xf32, #tpu.memory_space<vmem_shared>> -> memref<64xf32, #tpu.memory_space<vmem_shared>>
          %dma_wait3A_177 = arith.constant 0 : i32
          %dma_wait3A_178 = tpu.memref_slice %arg17[%run_scoped3A, %dma_wait3A_177] : memref<128x64xf32, #tpu.memory_space<vmem>> -> memref<1x64xf32, #tpu.memory_space<vmem>>
          %dma_wait3A_179 = tpu.memref_squeeze %dma_wait3A_178 : memref<1x64xf32, #tpu.memory_space<vmem>> -> memref<64xf32, #tpu.memory_space<vmem>>
          tpu.wait_dma2 semaphore(%run_scoped3A_163 : memref<!tpu.dma_semaphore, #tpu.memory_space<semaphore_mem>>) src(%dma_wait3A_179 : memref<64xf32, #tpu.memory_space<vmem>>) dst(%dma_wait3A_176 : memref<64xf32, #tpu.memory_space<vmem_shared>>)
          tpu.yield
        }) : () -> ()
        %mul3A_158 = arith.constant 128 : i32
        %mul3A_159 = arith.muli %add3A_0, %mul3A_158 : i32
        %add3A_160 = arith.constant 64 : i32
        %add3A_161 = arith.addi %mul3A_159, %add3A_160 : i32
        %run_scoped3A_162 = arith.constant 0 : i32
        "tpu.region"() ({
          %run_scoped3A_163 = tpu.sem_alloc : memref<!tpu.dma_semaphore, #tpu.memory_space<semaphore_mem>>
          %dma_start3A_164 = arith.constant 0 : i32
          %dma_start3A_165 = tpu.memref_slice %arg17[%run_scoped3A_162, %dma_start3A_164] : memref<128x64xf32, #tpu.memory_space<vmem>> -> memref<1x64xf32, #tpu.memory_space<vmem>>
          %dma_start3A_166 = tpu.memref_squeeze %dma_start3A_165 : memref<1x64xf32, #tpu.memory_space<vmem>> -> memref<64xf32, #tpu.memory_space<vmem>>
          %dma_start3A_167 = tpu.memref_slice %arg23[%add3A_161] : memref<10112xf32, #tpu.memory_space<vmem_shared>> -> memref<64xf32, #tpu.memory_space<vmem_shared>>
          %dma_start3A_168 = tpu.memref_slice %arg23[%add3A_161] : memref<10112xf32, #tpu.memory_space<vmem_shared>> -> memref<64xf32, #tpu.memory_space<vmem_shared>>
          %dma_start3A_169 = arith.constant 0 : i32
          %dma_start3A_170 = tpu.memref_slice %arg17[%run_scoped3A_162, %dma_start3A_169] : memref<128x64xf32, #tpu.memory_space<vmem>> -> memref<1x64xf32, #tpu.memory_space<vmem>>
          %dma_start3A_171 = tpu.memref_squeeze %dma_start3A_170 : memref<1x64xf32, #tpu.memory_space<vmem>> -> memref<64xf32, #tpu.memory_space<vmem>>
          tpu.enqueue_dma source(%dma_start3A_171 : memref<64xf32, #tpu.memory_space<vmem>>) target(%dma_start3A_168 : memref<64xf32, #tpu.memory_space<vmem_shared>>) target_semaphore(%run_scoped3A_163 : memref<!tpu.dma_semaphore, #tpu.memory_space<semaphore_mem>>)
          %dma_wait3A_172 = arith.constant 0 : i32
          %dma_wait3A_173 = tpu.memref_slice %arg17[%run_scoped3A_162, %dma_wait3A_172] : memref<128x64xf32, #tpu.memory_space<vmem>> -> memref<1x64xf32, #tpu.memory_space<vmem>>
          %dma_wait3A_174 = tpu.memref_squeeze %dma_wait3A_173 : memref<1x64xf32, #tpu.memory_space<vmem>> -> memref<64xf32, #tpu.memory_space<vmem>>
          %dma_wait3A_175 = tpu.memref_slice %arg23[%add3A_161] : memref<10112xf32, #tpu.memory_space<vmem_shared>> -> memref<64xf32, #tpu.memory_space<vmem_shared>>
          %dma_wait3A_176 = tpu.memref_slice %arg23[%add3A_161] : memref<10112xf32, #tpu.memory_space<vmem_shared>> -> memref<64xf32, #tpu.memory_space<vmem_shared>>
          %dma_wait3A_177 = arith.constant 0 : i32
          %dma_wait3A_178 = tpu.memref_slice %arg17[%run_scoped3A_162, %dma_wait3A_177] : memref<128x64xf32, #tpu.memory_space<vmem>> -> memref<1x64xf32, #tpu.memory_space<vmem>>
          %dma_wait3A_179 = tpu.memref_squeeze %dma_wait3A_178 : memref<1x64xf32, #tpu.memory_space<vmem>> -> memref<64xf32, #tpu.memory_space<vmem>>
          tpu.wait_dma2 semaphore(%run_scoped3A_163 : memref<!tpu.dma_semaphore, #tpu.memory_space<semaphore_mem>>) src(%dma_wait3A_179 : memref<64xf32, #tpu.memory_space<vmem>>) dst(%dma_wait3A_176 : memref<64xf32, #tpu.memory_space<vmem_shared>>)
          tpu.yield
        }) : () -> ()
      } else {
      }
    } else {
    }
    %add3A_3 = arith.constant 16 : i32
    %add3A_4 = arith.addi %add3A_3, %arg1 : i32
    %lt3A_5 = arith.constant 79 : i32
    %lt3A_6 = arith.cmpi slt, %add3A_4, %lt3A_5 : i32
    %convert_element_type3A_7 = arith.extui %lt3A_6 : i1 to i32
    %cond3A_8 = arith.constant 0 : i32
    %cond3A_9 = arith.cmpi ne, %convert_element_type3A_7, %cond3A_8 : i32
    scf.if %cond3A_9 {
      %mul3A = arith.constant 128 : i32
      %mul3A_150 = arith.muli %add3A_4, %mul3A : i32
      "tpu.region"() ({
        %run_scoped3A = tpu.sem_alloc : memref<!tpu.dma_semaphore, #tpu.memory_space<semaphore_mem>>
        %dma_start3A_156 = arith.constant 0 : i32
        %dma_start3A_157 = tpu.memref_slice %arg22[%mul3A_150, %dma_start3A_156] : memref<10112x64xf32, #tpu.memory_space<vmem_shared>> -> memref<128x64xf32, #tpu.memory_space<vmem_shared>>
        %dma_start3A_158 = arith.constant 0 : i32
        %dma_start3A_159 = tpu.memref_slice %arg22[%mul3A_150, %dma_start3A_158] : memref<10112x64xf32, #tpu.memory_space<vmem_shared>> -> memref<128x64xf32, #tpu.memory_space<vmem_shared>>
        tpu.enqueue_dma source(%arg17 : memref<128x64xf32, #tpu.memory_space<vmem>>) target(%dma_start3A_159 : memref<128x64xf32, #tpu.memory_space<vmem_shared>>) target_semaphore(%run_scoped3A : memref<!tpu.dma_semaphore, #tpu.memory_space<semaphore_mem>>)
        %dma_wait3A_160 = arith.constant 0 : i32
        %dma_wait3A_161 = tpu.memref_slice %arg22[%mul3A_150, %dma_wait3A_160] : memref<10112x64xf32, #tpu.memory_space<vmem_shared>> -> memref<128x64xf32, #tpu.memory_space<vmem_shared>>
        %dma_wait3A_162 = arith.constant 0 : i32
        %dma_wait3A_163 = tpu.memref_slice %arg22[%mul3A_150, %dma_wait3A_162] : memref<10112x64xf32, #tpu.memory_space<vmem_shared>> -> memref<128x64xf32, #tpu.memory_space<vmem_shared>>
        tpu.wait_dma2 semaphore(%run_scoped3A : memref<!tpu.dma_semaphore, #tpu.memory_space<semaphore_mem>>) src(%arg17 : memref<128x64xf32, #tpu.memory_space<vmem>>) dst(%dma_wait3A_163 : memref<128x64xf32, #tpu.memory_space<vmem_shared>>)
        tpu.yield
      }) : () -> ()
      %eq3A_151 = arith.constant 0 : i32
      %eq3A_152 = arith.cmpi eq, %arg0, %eq3A_151 : i32
      %convert_element_type3A_153 = arith.extui %eq3A_152 : i1 to i32
      %cond3A_154 = arith.constant 0 : i32
      %cond3A_155 = arith.cmpi ne, %convert_element_type3A_153, %cond3A_154 : i32
      scf.if %cond3A_155 {
        %mul3A_156 = arith.constant 128 : i32
        %mul3A_157 = arith.muli %add3A_4, %mul3A_156 : i32
        %run_scoped3A = arith.constant 0 : i32
        "tpu.region"() ({
          %run_scoped3A_163 = tpu.sem_alloc : memref<!tpu.dma_semaphore, #tpu.memory_space<semaphore_mem>>
          %dma_start3A_164 = arith.constant 0 : i32
          %dma_start3A_165 = tpu.memref_slice %arg17[%run_scoped3A, %dma_start3A_164] : memref<128x64xf32, #tpu.memory_space<vmem>> -> memref<1x64xf32, #tpu.memory_space<vmem>>
          %dma_start3A_166 = tpu.memref_squeeze %dma_start3A_165 : memref<1x64xf32, #tpu.memory_space<vmem>> -> memref<64xf32, #tpu.memory_space<vmem>>
          %dma_start3A_167 = tpu.memref_slice %arg23[%mul3A_157] : memref<10112xf32, #tpu.memory_space<vmem_shared>> -> memref<64xf32, #tpu.memory_space<vmem_shared>>
          %dma_start3A_168 = tpu.memref_slice %arg23[%mul3A_157] : memref<10112xf32, #tpu.memory_space<vmem_shared>> -> memref<64xf32, #tpu.memory_space<vmem_shared>>
          %dma_start3A_169 = arith.constant 0 : i32
          %dma_start3A_170 = tpu.memref_slice %arg17[%run_scoped3A, %dma_start3A_169] : memref<128x64xf32, #tpu.memory_space<vmem>> -> memref<1x64xf32, #tpu.memory_space<vmem>>
          %dma_start3A_171 = tpu.memref_squeeze %dma_start3A_170 : memref<1x64xf32, #tpu.memory_space<vmem>> -> memref<64xf32, #tpu.memory_space<vmem>>
          tpu.enqueue_dma source(%dma_start3A_171 : memref<64xf32, #tpu.memory_space<vmem>>) target(%dma_start3A_168 : memref<64xf32, #tpu.memory_space<vmem_shared>>) target_semaphore(%run_scoped3A_163 : memref<!tpu.dma_semaphore, #tpu.memory_space<semaphore_mem>>)
          %dma_wait3A_172 = arith.constant 0 : i32
          %dma_wait3A_173 = tpu.memref_slice %arg17[%run_scoped3A, %dma_wait3A_172] : memref<128x64xf32, #tpu.memory_space<vmem>> -> memref<1x64xf32, #tpu.memory_space<vmem>>
          %dma_wait3A_174 = tpu.memref_squeeze %dma_wait3A_173 : memref<1x64xf32, #tpu.memory_space<vmem>> -> memref<64xf32, #tpu.memory_space<vmem>>
          %dma_wait3A_175 = tpu.memref_slice %arg23[%mul3A_157] : memref<10112xf32, #tpu.memory_space<vmem_shared>> -> memref<64xf32, #tpu.memory_space<vmem_shared>>
          %dma_wait3A_176 = tpu.memref_slice %arg23[%mul3A_157] : memref<10112xf32, #tpu.memory_space<vmem_shared>> -> memref<64xf32, #tpu.memory_space<vmem_shared>>
          %dma_wait3A_177 = arith.constant 0 : i32
          %dma_wait3A_178 = tpu.memref_slice %arg17[%run_scoped3A, %dma_wait3A_177] : memref<128x64xf32, #tpu.memory_space<vmem>> -> memref<1x64xf32, #tpu.memory_space<vmem>>
          %dma_wait3A_179 = tpu.memref_squeeze %dma_wait3A_178 : memref<1x64xf32, #tpu.memory_space<vmem>> -> memref<64xf32, #tpu.memory_space<vmem>>
          tpu.wait_dma2 semaphore(%run_scoped3A_163 : memref<!tpu.dma_semaphore, #tpu.memory_space<semaphore_mem>>) src(%dma_wait3A_179 : memref<64xf32, #tpu.memory_space<vmem>>) dst(%dma_wait3A_176 : memref<64xf32, #tpu.memory_space<vmem_shared>>)
          tpu.yield
        }) : () -> ()
        %mul3A_158 = arith.constant 128 : i32
        %mul3A_159 = arith.muli %add3A_4, %mul3A_158 : i32
        %add3A_160 = arith.constant 64 : i32
        %add3A_161 = arith.addi %mul3A_159, %add3A_160 : i32
        %run_scoped3A_162 = arith.constant 0 : i32
        "tpu.region"() ({
          %run_scoped3A_163 = tpu.sem_alloc : memref<!tpu.dma_semaphore, #tpu.memory_space<semaphore_mem>>
          %dma_start3A_164 = arith.constant 0 : i32
          %dma_start3A_165 = tpu.memref_slice %arg17[%run_scoped3A_162, %dma_start3A_164] : memref<128x64xf32, #tpu.memory_space<vmem>> -> memref<1x64xf32, #tpu.memory_space<vmem>>
          %dma_start3A_166 = tpu.memref_squeeze %dma_start3A_165 : memref<1x64xf32, #tpu.memory_space<vmem>> -> memref<64xf32, #tpu.memory_space<vmem>>
          %dma_start3A_167 = tpu.memref_slice %arg23[%add3A_161] : memref<10112xf32, #tpu.memory_space<vmem_shared>> -> memref<64xf32, #tpu.memory_space<vmem_shared>>
          %dma_start3A_168 = tpu.memref_slice %arg23[%add3A_161] : memref<10112xf32, #tpu.memory_space<vmem_shared>> -> memref<64xf32, #tpu.memory_space<vmem_shared>>
          %dma_start3A_169 = arith.constant 0 : i32
          %dma_start3A_170 = tpu.memref_slice %arg17[%run_scoped3A_162, %dma_start3A_169] : memref<128x64xf32, #tpu.memory_space<vmem>> -> memref<1x64xf32, #tpu.memory_space<vmem>>
          %dma_start3A_171 = tpu.memref_squeeze %dma_start3A_170 : memref<1x64xf32, #tpu.memory_space<vmem>> -> memref<64xf32, #tpu.memory_space<vmem>>
          tpu.enqueue_dma source(%dma_start3A_171 : memref<64xf32, #tpu.memory_space<vmem>>) target(%dma_start3A_168 : memref<64xf32, #tpu.memory_space<vmem_shared>>) target_semaphore(%run_scoped3A_163 : memref<!tpu.dma_semaphore, #tpu.memory_space<semaphore_mem>>)
          %dma_wait3A_172 = arith.constant 0 : i32
          %dma_wait3A_173 = tpu.memref_slice %arg17[%run_scoped3A_162, %dma_wait3A_172] : memref<128x64xf32, #tpu.memory_space<vmem>> -> memref<1x64xf32, #tpu.memory_space<vmem>>
          %dma_wait3A_174 = tpu.memref_squeeze %dma_wait3A_173 : memref<1x64xf32, #tpu.memory_space<vmem>> -> memref<64xf32, #tpu.memory_space<vmem>>
          %dma_wait3A_175 = tpu.memref_slice %arg23[%add3A_161] : memref<10112xf32, #tpu.memory_space<vmem_shared>> -> memref<64xf32, #tpu.memory_space<vmem_shared>>
          %dma_wait3A_176 = tpu.memref_slice %arg23[%add3A_161] : memref<10112xf32, #tpu.memory_space<vmem_shared>> -> memref<64xf32, #tpu.memory_space<vmem_shared>>
          %dma_wait3A_177 = arith.constant 0 : i32
          %dma_wait3A_178 = tpu.memref_slice %arg17[%run_scoped3A_162, %dma_wait3A_177] : memref<128x64xf32, #tpu.memory_space<vmem>> -> memref<1x64xf32, #tpu.memory_space<vmem>>
          %dma_wait3A_179 = tpu.memref_squeeze %dma_wait3A_178 : memref<1x64xf32, #tpu.memory_space<vmem>> -> memref<64xf32, #tpu.memory_space<vmem>>
          tpu.wait_dma2 semaphore(%run_scoped3A_163 : memref<!tpu.dma_semaphore, #tpu.memory_space<semaphore_mem>>) src(%dma_wait3A_179 : memref<64xf32, #tpu.memory_space<vmem>>) dst(%dma_wait3A_176 : memref<64xf32, #tpu.memory_space<vmem_shared>>)
          tpu.yield
        }) : () -> ()
      } else {
      }
    } else {
    }
    %add3A_10 = arith.constant 32 : i32
    %add3A_11 = arith.addi %add3A_10, %arg1 : i32
    %lt3A_12 = arith.constant 79 : i32
    %lt3A_13 = arith.cmpi slt, %add3A_11, %lt3A_12 : i32
    %convert_element_type3A_14 = arith.extui %lt3A_13 : i1 to i32
    %cond3A_15 = arith.constant 0 : i32
    %cond3A_16 = arith.cmpi ne, %convert_element_type3A_14, %cond3A_15 : i32
    scf.if %cond3A_16 {
      %mul3A = arith.constant 128 : i32
      %mul3A_150 = arith.muli %add3A_11, %mul3A : i32
      "tpu.region"() ({
        %run_scoped3A = tpu.sem_alloc : memref<!tpu.dma_semaphore, #tpu.memory_space<semaphore_mem>>
        %dma_start3A_156 = arith.constant 0 : i32
        %dma_start3A_157 = tpu.memref_slice %arg22[%mul3A_150, %dma_start3A_156] : memref<10112x64xf32, #tpu.memory_space<vmem_shared>> -> memref<128x64xf32, #tpu.memory_space<vmem_shared>>
        %dma_start3A_158 = arith.constant 0 : i32
        %dma_start3A_159 = tpu.memref_slice %arg22[%mul3A_150, %dma_start3A_158] : memref<10112x64xf32, #tpu.memory_space<vmem_shared>> -> memref<128x64xf32, #tpu.memory_space<vmem_shared>>
        tpu.enqueue_dma source(%arg17 : memref<128x64xf32, #tpu.memory_space<vmem>>) target(%dma_start3A_159 : memref<128x64xf32, #tpu.memory_space<vmem_shared>>) target_semaphore(%run_scoped3A : memref<!tpu.dma_semaphore, #tpu.memory_space<semaphore_mem>>)
        %dma_wait3A_160 = arith.constant 0 : i32
        %dma_wait3A_161 = tpu.memref_slice %arg22[%mul3A_150, %dma_wait3A_160] : memref<10112x64xf32, #tpu.memory_space<vmem_shared>> -> memref<128x64xf32, #tpu.memory_space<vmem_shared>>
        %dma_wait3A_162 = arith.constant 0 : i32
        %dma_wait3A_163 = tpu.memref_slice %arg22[%mul3A_150, %dma_wait3A_162] : memref<10112x64xf32, #tpu.memory_space<vmem_shared>> -> memref<128x64xf32, #tpu.memory_space<vmem_shared>>
        tpu.wait_dma2 semaphore(%run_scoped3A : memref<!tpu.dma_semaphore, #tpu.memory_space<semaphore_mem>>) src(%arg17 : memref<128x64xf32, #tpu.memory_space<vmem>>) dst(%dma_wait3A_163 : memref<128x64xf32, #tpu.memory_space<vmem_shared>>)
        tpu.yield
      }) : () -> ()
      %eq3A_151 = arith.constant 0 : i32
      %eq3A_152 = arith.cmpi eq, %arg0, %eq3A_151 : i32
      %convert_element_type3A_153 = arith.extui %eq3A_152 : i1 to i32
      %cond3A_154 = arith.constant 0 : i32
      %cond3A_155 = arith.cmpi ne, %convert_element_type3A_153, %cond3A_154 : i32
      scf.if %cond3A_155 {
        %mul3A_156 = arith.constant 128 : i32
        %mul3A_157 = arith.muli %add3A_11, %mul3A_156 : i32
        %run_scoped3A = arith.constant 0 : i32
        "tpu.region"() ({
          %run_scoped3A_163 = tpu.sem_alloc : memref<!tpu.dma_semaphore, #tpu.memory_space<semaphore_mem>>
          %dma_start3A_164 = arith.constant 0 : i32
          %dma_start3A_165 = tpu.memref_slice %arg17[%run_scoped3A, %dma_start3A_164] : memref<128x64xf32, #tpu.memory_space<vmem>> -> memref<1x64xf32, #tpu.memory_space<vmem>>
          %dma_start3A_166 = tpu.memref_squeeze %dma_start3A_165 : memref<1x64xf32, #tpu.memory_space<vmem>> -> memref<64xf32, #tpu.memory_space<vmem>>
          %dma_start3A_167 = tpu.memref_slice %arg23[%mul3A_157] : memref<10112xf32, #tpu.memory_space<vmem_shared>> -> memref<64xf32, #tpu.memory_space<vmem_shared>>
          %dma_start3A_168 = tpu.memref_slice %arg23[%mul3A_157] : memref<10112xf32, #tpu.memory_space<vmem_shared>> -> memref<64xf32, #tpu.memory_space<vmem_shared>>
          %dma_start3A_169 = arith.constant 0 : i32
          %dma_start3A_170 = tpu.memref_slice %arg17[%run_scoped3A, %dma_start3A_169] : memref<128x64xf32, #tpu.memory_space<vmem>> -> memref<1x64xf32, #tpu.memory_space<vmem>>
          %dma_start3A_171 = tpu.memref_squeeze %dma_start3A_170 : memref<1x64xf32, #tpu.memory_space<vmem>> -> memref<64xf32, #tpu.memory_space<vmem>>
          tpu.enqueue_dma source(%dma_start3A_171 : memref<64xf32, #tpu.memory_space<vmem>>) target(%dma_start3A_168 : memref<64xf32, #tpu.memory_space<vmem_shared>>) target_semaphore(%run_scoped3A_163 : memref<!tpu.dma_semaphore, #tpu.memory_space<semaphore_mem>>)
          %dma_wait3A_172 = arith.constant 0 : i32
          %dma_wait3A_173 = tpu.memref_slice %arg17[%run_scoped3A, %dma_wait3A_172] : memref<128x64xf32, #tpu.memory_space<vmem>> -> memref<1x64xf32, #tpu.memory_space<vmem>>
          %dma_wait3A_174 = tpu.memref_squeeze %dma_wait3A_173 : memref<1x64xf32, #tpu.memory_space<vmem>> -> memref<64xf32, #tpu.memory_space<vmem>>
          %dma_wait3A_175 = tpu.memref_slice %arg23[%mul3A_157] : memref<10112xf32, #tpu.memory_space<vmem_shared>> -> memref<64xf32, #tpu.memory_space<vmem_shared>>
          %dma_wait3A_176 = tpu.memref_slice %arg23[%mul3A_157] : memref<10112xf32, #tpu.memory_space<vmem_shared>> -> memref<64xf32, #tpu.memory_space<vmem_shared>>
          %dma_wait3A_177 = arith.constant 0 : i32
          %dma_wait3A_178 = tpu.memref_slice %arg17[%run_scoped3A, %dma_wait3A_177] : memref<128x64xf32, #tpu.memory_space<vmem>> -> memref<1x64xf32, #tpu.memory_space<vmem>>
          %dma_wait3A_179 = tpu.memref_squeeze %dma_wait3A_178 : memref<1x64xf32, #tpu.memory_space<vmem>> -> memref<64xf32, #tpu.memory_space<vmem>>
          tpu.wait_dma2 semaphore(%run_scoped3A_163 : memref<!tpu.dma_semaphore, #tpu.memory_space<semaphore_mem>>) src(%dma_wait3A_179 : memref<64xf32, #tpu.memory_space<vmem>>) dst(%dma_wait3A_176 : memref<64xf32, #tpu.memory_space<vmem_shared>>)
          tpu.yield
        }) : () -> ()
        %mul3A_158 = arith.constant 128 : i32
        %mul3A_159 = arith.muli %add3A_11, %mul3A_158 : i32
        %add3A_160 = arith.constant 64 : i32
        %add3A_161 = arith.addi %mul3A_159, %add3A_160 : i32
        %run_scoped3A_162 = arith.constant 0 : i32
        "tpu.region"() ({
          %run_scoped3A_163 = tpu.sem_alloc : memref<!tpu.dma_semaphore, #tpu.memory_space<semaphore_mem>>
          %dma_start3A_164 = arith.constant 0 : i32
          %dma_start3A_165 = tpu.memref_slice %arg17[%run_scoped3A_162, %dma_start3A_164] : memref<128x64xf32, #tpu.memory_space<vmem>> -> memref<1x64xf32, #tpu.memory_space<vmem>>
          %dma_start3A_166 = tpu.memref_squeeze %dma_start3A_165 : memref<1x64xf32, #tpu.memory_space<vmem>> -> memref<64xf32, #tpu.memory_space<vmem>>
          %dma_start3A_167 = tpu.memref_slice %arg23[%add3A_161] : memref<10112xf32, #tpu.memory_space<vmem_shared>> -> memref<64xf32, #tpu.memory_space<vmem_shared>>
          %dma_start3A_168 = tpu.memref_slice %arg23[%add3A_161] : memref<10112xf32, #tpu.memory_space<vmem_shared>> -> memref<64xf32, #tpu.memory_space<vmem_shared>>
          %dma_start3A_169 = arith.constant 0 : i32
          %dma_start3A_170 = tpu.memref_slice %arg17[%run_scoped3A_162, %dma_start3A_169] : memref<128x64xf32, #tpu.memory_space<vmem>> -> memref<1x64xf32, #tpu.memory_space<vmem>>
          %dma_start3A_171 = tpu.memref_squeeze %dma_start3A_170 : memref<1x64xf32, #tpu.memory_space<vmem>> -> memref<64xf32, #tpu.memory_space<vmem>>
          tpu.enqueue_dma source(%dma_start3A_171 : memref<64xf32, #tpu.memory_space<vmem>>) target(%dma_start3A_168 : memref<64xf32, #tpu.memory_space<vmem_shared>>) target_semaphore(%run_scoped3A_163 : memref<!tpu.dma_semaphore, #tpu.memory_space<semaphore_mem>>)
          %dma_wait3A_172 = arith.constant 0 : i32
          %dma_wait3A_173 = tpu.memref_slice %arg17[%run_scoped3A_162, %dma_wait3A_172] : memref<128x64xf32, #tpu.memory_space<vmem>> -> memref<1x64xf32, #tpu.memory_space<vmem>>
          %dma_wait3A_174 = tpu.memref_squeeze %dma_wait3A_173 : memref<1x64xf32, #tpu.memory_space<vmem>> -> memref<64xf32, #tpu.memory_space<vmem>>
          %dma_wait3A_175 = tpu.memref_slice %arg23[%add3A_161] : memref<10112xf32, #tpu.memory_space<vmem_shared>> -> memref<64xf32, #tpu.memory_space<vmem_shared>>
          %dma_wait3A_176 = tpu.memref_slice %arg23[%add3A_161] : memref<10112xf32, #tpu.memory_space<vmem_shared>> -> memref<64xf32, #tpu.memory_space<vmem_shared>>
          %dma_wait3A_177 = arith.constant 0 : i32
          %dma_wait3A_178 = tpu.memref_slice %arg17[%run_scoped3A_162, %dma_wait3A_177] : memref<128x64xf32, #tpu.memory_space<vmem>> -> memref<1x64xf32, #tpu.memory_space<vmem>>
          %dma_wait3A_179 = tpu.memref_squeeze %dma_wait3A_178 : memref<1x64xf32, #tpu.memory_space<vmem>> -> memref<64xf32, #tpu.memory_space<vmem>>
          tpu.wait_dma2 semaphore(%run_scoped3A_163 : memref<!tpu.dma_semaphore, #tpu.memory_space<semaphore_mem>>) src(%dma_wait3A_179 : memref<64xf32, #tpu.memory_space<vmem>>) dst(%dma_wait3A_176 : memref<64xf32, #tpu.memory_space<vmem_shared>>)
          tpu.yield
        }) : () -> ()
      } else {
      }
    } else {
    }
    %add3A_17 = arith.constant 48 : i32
    %add3A_18 = arith.addi %add3A_17, %arg1 : i32
    %lt3A_19 = arith.constant 79 : i32
    %lt3A_20 = arith.cmpi slt, %add3A_18, %lt3A_19 : i32
    %convert_element_type3A_21 = arith.extui %lt3A_20 : i1 to i32
    %cond3A_22 = arith.constant 0 : i32
    %cond3A_23 = arith.cmpi ne, %convert_element_type3A_21, %cond3A_22 : i32
    scf.if %cond3A_23 {
      %mul3A = arith.constant 128 : i32
      %mul3A_150 = arith.muli %add3A_18, %mul3A : i32
      "tpu.region"() ({
        %run_scoped3A = tpu.sem_alloc : memref<!tpu.dma_semaphore, #tpu.memory_space<semaphore_mem>>
        %dma_start3A_156 = arith.constant 0 : i32
        %dma_start3A_157 = tpu.memref_slice %arg22[%mul3A_150, %dma_start3A_156] : memref<10112x64xf32, #tpu.memory_space<vmem_shared>> -> memref<128x64xf32, #tpu.memory_space<vmem_shared>>
        %dma_start3A_158 = arith.constant 0 : i32
        %dma_start3A_159 = tpu.memref_slice %arg22[%mul3A_150, %dma_start3A_158] : memref<10112x64xf32, #tpu.memory_space<vmem_shared>> -> memref<128x64xf32, #tpu.memory_space<vmem_shared>>
        tpu.enqueue_dma source(%arg17 : memref<128x64xf32, #tpu.memory_space<vmem>>) target(%dma_start3A_159 : memref<128x64xf32, #tpu.memory_space<vmem_shared>>) target_semaphore(%run_scoped3A : memref<!tpu.dma_semaphore, #tpu.memory_space<semaphore_mem>>)
        %dma_wait3A_160 = arith.constant 0 : i32
        %dma_wait3A_161 = tpu.memref_slice %arg22[%mul3A_150, %dma_wait3A_160] : memref<10112x64xf32, #tpu.memory_space<vmem_shared>> -> memref<128x64xf32, #tpu.memory_space<vmem_shared>>
        %dma_wait3A_162 = arith.constant 0 : i32
        %dma_wait3A_163 = tpu.memref_slice %arg22[%mul3A_150, %dma_wait3A_162] : memref<10112x64xf32, #tpu.memory_space<vmem_shared>> -> memref<128x64xf32, #tpu.memory_space<vmem_shared>>
        tpu.wait_dma2 semaphore(%run_scoped3A : memref<!tpu.dma_semaphore, #tpu.memory_space<semaphore_mem>>) src(%arg17 : memref<128x64xf32, #tpu.memory_space<vmem>>) dst(%dma_wait3A_163 : memref<128x64xf32, #tpu.memory_space<vmem_shared>>)
        tpu.yield
      }) : () -> ()
      %eq3A_151 = arith.constant 0 : i32
      %eq3A_152 = arith.cmpi eq, %arg0, %eq3A_151 : i32
      %convert_element_type3A_153 = arith.extui %eq3A_152 : i1 to i32
      %cond3A_154 = arith.constant 0 : i32
      %cond3A_155 = arith.cmpi ne, %convert_element_type3A_153, %cond3A_154 : i32
      scf.if %cond3A_155 {
        %mul3A_156 = arith.constant 128 : i32
        %mul3A_157 = arith.muli %add3A_18, %mul3A_156 : i32
        %run_scoped3A = arith.constant 0 : i32
        "tpu.region"() ({
          %run_scoped3A_163 = tpu.sem_alloc : memref<!tpu.dma_semaphore, #tpu.memory_space<semaphore_mem>>
          %dma_start3A_164 = arith.constant 0 : i32
          %dma_start3A_165 = tpu.memref_slice %arg17[%run_scoped3A, %dma_start3A_164] : memref<128x64xf32, #tpu.memory_space<vmem>> -> memref<1x64xf32, #tpu.memory_space<vmem>>
          %dma_start3A_166 = tpu.memref_squeeze %dma_start3A_165 : memref<1x64xf32, #tpu.memory_space<vmem>> -> memref<64xf32, #tpu.memory_space<vmem>>
          %dma_start3A_167 = tpu.memref_slice %arg23[%mul3A_157] : memref<10112xf32, #tpu.memory_space<vmem_shared>> -> memref<64xf32, #tpu.memory_space<vmem_shared>>
          %dma_start3A_168 = tpu.memref_slice %arg23[%mul3A_157] : memref<10112xf32, #tpu.memory_space<vmem_shared>> -> memref<64xf32, #tpu.memory_space<vmem_shared>>
          %dma_start3A_169 = arith.constant 0 : i32
          %dma_start3A_170 = tpu.memref_slice %arg17[%run_scoped3A, %dma_start3A_169] : memref<128x64xf32, #tpu.memory_space<vmem>> -> memref<1x64xf32, #tpu.memory_space<vmem>>
          %dma_start3A_171 = tpu.memref_squeeze %dma_start3A_170 : memref<1x64xf32, #tpu.memory_space<vmem>> -> memref<64xf32, #tpu.memory_space<vmem>>
          tpu.enqueue_dma source(%dma_start3A_171 : memref<64xf32, #tpu.memory_space<vmem>>) target(%dma_start3A_168 : memref<64xf32, #tpu.memory_space<vmem_shared>>) target_semaphore(%run_scoped3A_163 : memref<!tpu.dma_semaphore, #tpu.memory_space<semaphore_mem>>)
          %dma_wait3A_172 = arith.constant 0 : i32
          %dma_wait3A_173 = tpu.memref_slice %arg17[%run_scoped3A, %dma_wait3A_172] : memref<128x64xf32, #tpu.memory_space<vmem>> -> memref<1x64xf32, #tpu.memory_space<vmem>>
          %dma_wait3A_174 = tpu.memref_squeeze %dma_wait3A_173 : memref<1x64xf32, #tpu.memory_space<vmem>> -> memref<64xf32, #tpu.memory_space<vmem>>
          %dma_wait3A_175 = tpu.memref_slice %arg23[%mul3A_157] : memref<10112xf32, #tpu.memory_space<vmem_shared>> -> memref<64xf32, #tpu.memory_space<vmem_shared>>
          %dma_wait3A_176 = tpu.memref_slice %arg23[%mul3A_157] : memref<10112xf32, #tpu.memory_space<vmem_shared>> -> memref<64xf32, #tpu.memory_space<vmem_shared>>
          %dma_wait3A_177 = arith.constant 0 : i32
          %dma_wait3A_178 = tpu.memref_slice %arg17[%run_scoped3A, %dma_wait3A_177] : memref<128x64xf32, #tpu.memory_space<vmem>> -> memref<1x64xf32, #tpu.memory_space<vmem>>
          %dma_wait3A_179 = tpu.memref_squeeze %dma_wait3A_178 : memref<1x64xf32, #tpu.memory_space<vmem>> -> memref<64xf32, #tpu.memory_space<vmem>>
          tpu.wait_dma2 semaphore(%run_scoped3A_163 : memref<!tpu.dma_semaphore, #tpu.memory_space<semaphore_mem>>) src(%dma_wait3A_179 : memref<64xf32, #tpu.memory_space<vmem>>) dst(%dma_wait3A_176 : memref<64xf32, #tpu.memory_space<vmem_shared>>)
          tpu.yield
        }) : () -> ()
        %mul3A_158 = arith.constant 128 : i32
        %mul3A_159 = arith.muli %add3A_18, %mul3A_158 : i32
        %add3A_160 = arith.constant 64 : i32
        %add3A_161 = arith.addi %mul3A_159, %add3A_160 : i32
        %run_scoped3A_162 = arith.constant 0 : i32
        "tpu.region"() ({
          %run_scoped3A_163 = tpu.sem_alloc : memref<!tpu.dma_semaphore, #tpu.memory_space<semaphore_mem>>
          %dma_start3A_164 = arith.constant 0 : i32
          %dma_start3A_165 = tpu.memref_slice %arg17[%run_scoped3A_162, %dma_start3A_164] : memref<128x64xf32, #tpu.memory_space<vmem>> -> memref<1x64xf32, #tpu.memory_space<vmem>>
          %dma_start3A_166 = tpu.memref_squeeze %dma_start3A_165 : memref<1x64xf32, #tpu.memory_space<vmem>> -> memref<64xf32, #tpu.memory_space<vmem>>
          %dma_start3A_167 = tpu.memref_slice %arg23[%add3A_161] : memref<10112xf32, #tpu.memory_space<vmem_shared>> -> memref<64xf32, #tpu.memory_space<vmem_shared>>
          %dma_start3A_168 = tpu.memref_slice %arg23[%add3A_161] : memref<10112xf32, #tpu.memory_space<vmem_shared>> -> memref<64xf32, #tpu.memory_space<vmem_shared>>
          %dma_start3A_169 = arith.constant 0 : i32
          %dma_start3A_170 = tpu.memref_slice %arg17[%run_scoped3A_162, %dma_start3A_169] : memref<128x64xf32, #tpu.memory_space<vmem>> -> memref<1x64xf32, #tpu.memory_space<vmem>>
          %dma_start3A_171 = tpu.memref_squeeze %dma_start3A_170 : memref<1x64xf32, #tpu.memory_space<vmem>> -> memref<64xf32, #tpu.memory_space<vmem>>
          tpu.enqueue_dma source(%dma_start3A_171 : memref<64xf32, #tpu.memory_space<vmem>>) target(%dma_start3A_168 : memref<64xf32, #tpu.memory_space<vmem_shared>>) target_semaphore(%run_scoped3A_163 : memref<!tpu.dma_semaphore, #tpu.memory_space<semaphore_mem>>)
          %dma_wait3A_172 = arith.constant 0 : i32
          %dma_wait3A_173 = tpu.memref_slice %arg17[%run_scoped3A_162, %dma_wait3A_172] : memref<128x64xf32, #tpu.memory_space<vmem>> -> memref<1x64xf32, #tpu.memory_space<vmem>>
          %dma_wait3A_174 = tpu.memref_squeeze %dma_wait3A_173 : memref<1x64xf32, #tpu.memory_space<vmem>> -> memref<64xf32, #tpu.memory_space<vmem>>
          %dma_wait3A_175 = tpu.memref_slice %arg23[%add3A_161] : memref<10112xf32, #tpu.memory_space<vmem_shared>> -> memref<64xf32, #tpu.memory_space<vmem_shared>>
          %dma_wait3A_176 = tpu.memref_slice %arg23[%add3A_161] : memref<10112xf32, #tpu.memory_space<vmem_shared>> -> memref<64xf32, #tpu.memory_space<vmem_shared>>
          %dma_wait3A_177 = arith.constant 0 : i32
          %dma_wait3A_178 = tpu.memref_slice %arg17[%run_scoped3A_162, %dma_wait3A_177] : memref<128x64xf32, #tpu.memory_space<vmem>> -> memref<1x64xf32, #tpu.memory_space<vmem>>
          %dma_wait3A_179 = tpu.memref_squeeze %dma_wait3A_178 : memref<1x64xf32, #tpu.memory_space<vmem>> -> memref<64xf32, #tpu.memory_space<vmem>>
          tpu.wait_dma2 semaphore(%run_scoped3A_163 : memref<!tpu.dma_semaphore, #tpu.memory_space<semaphore_mem>>) src(%dma_wait3A_179 : memref<64xf32, #tpu.memory_space<vmem>>) dst(%dma_wait3A_176 : memref<64xf32, #tpu.memory_space<vmem_shared>>)
          tpu.yield
        }) : () -> ()
      } else {
      }
    } else {
    }
    %add3A_24 = arith.constant 64 : i32
    %add3A_25 = arith.addi %add3A_24, %arg1 : i32
    %lt3A_26 = arith.constant 79 : i32
    %lt3A_27 = arith.cmpi slt, %add3A_25, %lt3A_26 : i32
    %convert_element_type3A_28 = arith.extui %lt3A_27 : i1 to i32
    %cond3A_29 = arith.constant 0 : i32
    %cond3A_30 = arith.cmpi ne, %convert_element_type3A_28, %cond3A_29 : i32
    scf.if %cond3A_30 {
      %mul3A = arith.constant 128 : i32
      %mul3A_150 = arith.muli %add3A_25, %mul3A : i32
      "tpu.region"() ({
        %run_scoped3A = tpu.sem_alloc : memref<!tpu.dma_semaphore, #tpu.memory_space<semaphore_mem>>
        %dma_start3A_156 = arith.constant 0 : i32
        %dma_start3A_157 = tpu.memref_slice %arg22[%mul3A_150, %dma_start3A_156] : memref<10112x64xf32, #tpu.memory_space<vmem_shared>> -> memref<128x64xf32, #tpu.memory_space<vmem_shared>>
        %dma_start3A_158 = arith.constant 0 : i32
        %dma_start3A_159 = tpu.memref_slice %arg22[%mul3A_150, %dma_start3A_158] : memref<10112x64xf32, #tpu.memory_space<vmem_shared>> -> memref<128x64xf32, #tpu.memory_space<vmem_shared>>
        tpu.enqueue_dma source(%arg17 : memref<128x64xf32, #tpu.memory_space<vmem>>) target(%dma_start3A_159 : memref<128x64xf32, #tpu.memory_space<vmem_shared>>) target_semaphore(%run_scoped3A : memref<!tpu.dma_semaphore, #tpu.memory_space<semaphore_mem>>)
        %dma_wait3A_160 = arith.constant 0 : i32
        %dma_wait3A_161 = tpu.memref_slice %arg22[%mul3A_150, %dma_wait3A_160] : memref<10112x64xf32, #tpu.memory_space<vmem_shared>> -> memref<128x64xf32, #tpu.memory_space<vmem_shared>>
        %dma_wait3A_162 = arith.constant 0 : i32
        %dma_wait3A_163 = tpu.memref_slice %arg22[%mul3A_150, %dma_wait3A_162] : memref<10112x64xf32, #tpu.memory_space<vmem_shared>> -> memref<128x64xf32, #tpu.memory_space<vmem_shared>>
        tpu.wait_dma2 semaphore(%run_scoped3A : memref<!tpu.dma_semaphore, #tpu.memory_space<semaphore_mem>>) src(%arg17 : memref<128x64xf32, #tpu.memory_space<vmem>>) dst(%dma_wait3A_163 : memref<128x64xf32, #tpu.memory_space<vmem_shared>>)
        tpu.yield
      }) : () -> ()
      %eq3A_151 = arith.constant 0 : i32
      %eq3A_152 = arith.cmpi eq, %arg0, %eq3A_151 : i32
      %convert_element_type3A_153 = arith.extui %eq3A_152 : i1 to i32
      %cond3A_154 = arith.constant 0 : i32
      %cond3A_155 = arith.cmpi ne, %convert_element_type3A_153, %cond3A_154 : i32
      scf.if %cond3A_155 {
        %mul3A_156 = arith.constant 128 : i32
        %mul3A_157 = arith.muli %add3A_25, %mul3A_156 : i32
        %run_scoped3A = arith.constant 0 : i32
        "tpu.region"() ({
          %run_scoped3A_163 = tpu.sem_alloc : memref<!tpu.dma_semaphore, #tpu.memory_space<semaphore_mem>>
          %dma_start3A_164 = arith.constant 0 : i32
          %dma_start3A_165 = tpu.memref_slice %arg17[%run_scoped3A, %dma_start3A_164] : memref<128x64xf32, #tpu.memory_space<vmem>> -> memref<1x64xf32, #tpu.memory_space<vmem>>
          %dma_start3A_166 = tpu.memref_squeeze %dma_start3A_165 : memref<1x64xf32, #tpu.memory_space<vmem>> -> memref<64xf32, #tpu.memory_space<vmem>>
          %dma_start3A_167 = tpu.memref_slice %arg23[%mul3A_157] : memref<10112xf32, #tpu.memory_space<vmem_shared>> -> memref<64xf32, #tpu.memory_space<vmem_shared>>
          %dma_start3A_168 = tpu.memref_slice %arg23[%mul3A_157] : memref<10112xf32, #tpu.memory_space<vmem_shared>> -> memref<64xf32, #tpu.memory_space<vmem_shared>>
          %dma_start3A_169 = arith.constant 0 : i32
          %dma_start3A_170 = tpu.memref_slice %arg17[%run_scoped3A, %dma_start3A_169] : memref<128x64xf32, #tpu.memory_space<vmem>> -> memref<1x64xf32, #tpu.memory_space<vmem>>
          %dma_start3A_171 = tpu.memref_squeeze %dma_start3A_170 : memref<1x64xf32, #tpu.memory_space<vmem>> -> memref<64xf32, #tpu.memory_space<vmem>>
          tpu.enqueue_dma source(%dma_start3A_171 : memref<64xf32, #tpu.memory_space<vmem>>) target(%dma_start3A_168 : memref<64xf32, #tpu.memory_space<vmem_shared>>) target_semaphore(%run_scoped3A_163 : memref<!tpu.dma_semaphore, #tpu.memory_space<semaphore_mem>>)
          %dma_wait3A_172 = arith.constant 0 : i32
          %dma_wait3A_173 = tpu.memref_slice %arg17[%run_scoped3A, %dma_wait3A_172] : memref<128x64xf32, #tpu.memory_space<vmem>> -> memref<1x64xf32, #tpu.memory_space<vmem>>
          %dma_wait3A_174 = tpu.memref_squeeze %dma_wait3A_173 : memref<1x64xf32, #tpu.memory_space<vmem>> -> memref<64xf32, #tpu.memory_space<vmem>>
          %dma_wait3A_175 = tpu.memref_slice %arg23[%mul3A_157] : memref<10112xf32, #tpu.memory_space<vmem_shared>> -> memref<64xf32, #tpu.memory_space<vmem_shared>>
          %dma_wait3A_176 = tpu.memref_slice %arg23[%mul3A_157] : memref<10112xf32, #tpu.memory_space<vmem_shared>> -> memref<64xf32, #tpu.memory_space<vmem_shared>>
          %dma_wait3A_177 = arith.constant 0 : i32
          %dma_wait3A_178 = tpu.memref_slice %arg17[%run_scoped3A, %dma_wait3A_177] : memref<128x64xf32, #tpu.memory_space<vmem>> -> memref<1x64xf32, #tpu.memory_space<vmem>>
          %dma_wait3A_179 = tpu.memref_squeeze %dma_wait3A_178 : memref<1x64xf32, #tpu.memory_space<vmem>> -> memref<64xf32, #tpu.memory_space<vmem>>
          tpu.wait_dma2 semaphore(%run_scoped3A_163 : memref<!tpu.dma_semaphore, #tpu.memory_space<semaphore_mem>>) src(%dma_wait3A_179 : memref<64xf32, #tpu.memory_space<vmem>>) dst(%dma_wait3A_176 : memref<64xf32, #tpu.memory_space<vmem_shared>>)
          tpu.yield
        }) : () -> ()
        %mul3A_158 = arith.constant 128 : i32
        %mul3A_159 = arith.muli %add3A_25, %mul3A_158 : i32
        %add3A_160 = arith.constant 64 : i32
        %add3A_161 = arith.addi %mul3A_159, %add3A_160 : i32
        %run_scoped3A_162 = arith.constant 0 : i32
        "tpu.region"() ({
          %run_scoped3A_163 = tpu.sem_alloc : memref<!tpu.dma_semaphore, #tpu.memory_space<semaphore_mem>>
          %dma_start3A_164 = arith.constant 0 : i32
          %dma_start3A_165 = tpu.memref_slice %arg17[%run_scoped3A_162, %dma_start3A_164] : memref<128x64xf32, #tpu.memory_space<vmem>> -> memref<1x64xf32, #tpu.memory_space<vmem>>
          %dma_start3A_166 = tpu.memref_squeeze %dma_start3A_165 : memref<1x64xf32, #tpu.memory_space<vmem>> -> memref<64xf32, #tpu.memory_space<vmem>>
          %dma_start3A_167 = tpu.memref_slice %arg23[%add3A_161] : memref<10112xf32, #tpu.memory_space<vmem_shared>> -> memref<64xf32, #tpu.memory_space<vmem_shared>>
          %dma_start3A_168 = tpu.memref_slice %arg23[%add3A_161] : memref<10112xf32, #tpu.memory_space<vmem_shared>> -> memref<64xf32, #tpu.memory_space<vmem_shared>>
          %dma_start3A_169 = arith.constant 0 : i32
          %dma_start3A_170 = tpu.memref_slice %arg17[%run_scoped3A_162, %dma_start3A_169] : memref<128x64xf32, #tpu.memory_space<vmem>> -> memref<1x64xf32, #tpu.memory_space<vmem>>
          %dma_start3A_171 = tpu.memref_squeeze %dma_start3A_170 : memref<1x64xf32, #tpu.memory_space<vmem>> -> memref<64xf32, #tpu.memory_space<vmem>>
          tpu.enqueue_dma source(%dma_start3A_171 : memref<64xf32, #tpu.memory_space<vmem>>) target(%dma_start3A_168 : memref<64xf32, #tpu.memory_space<vmem_shared>>) target_semaphore(%run_scoped3A_163 : memref<!tpu.dma_semaphore, #tpu.memory_space<semaphore_mem>>)
          %dma_wait3A_172 = arith.constant 0 : i32
          %dma_wait3A_173 = tpu.memref_slice %arg17[%run_scoped3A_162, %dma_wait3A_172] : memref<128x64xf32, #tpu.memory_space<vmem>> -> memref<1x64xf32, #tpu.memory_space<vmem>>
          %dma_wait3A_174 = tpu.memref_squeeze %dma_wait3A_173 : memref<1x64xf32, #tpu.memory_space<vmem>> -> memref<64xf32, #tpu.memory_space<vmem>>
          %dma_wait3A_175 = tpu.memref_slice %arg23[%add3A_161] : memref<10112xf32, #tpu.memory_space<vmem_shared>> -> memref<64xf32, #tpu.memory_space<vmem_shared>>
          %dma_wait3A_176 = tpu.memref_slice %arg23[%add3A_161] : memref<10112xf32, #tpu.memory_space<vmem_shared>> -> memref<64xf32, #tpu.memory_space<vmem_shared>>
          %dma_wait3A_177 = arith.constant 0 : i32
          %dma_wait3A_178 = tpu.memref_slice %arg17[%run_scoped3A_162, %dma_wait3A_177] : memref<128x64xf32, #tpu.memory_space<vmem>> -> memref<1x64xf32, #tpu.memory_space<vmem>>
          %dma_wait3A_179 = tpu.memref_squeeze %dma_wait3A_178 : memref<1x64xf32, #tpu.memory_space<vmem>> -> memref<64xf32, #tpu.memory_space<vmem>>
          tpu.wait_dma2 semaphore(%run_scoped3A_163 : memref<!tpu.dma_semaphore, #tpu.memory_space<semaphore_mem>>) src(%dma_wait3A_179 : memref<64xf32, #tpu.memory_space<vmem>>) dst(%dma_wait3A_176 : memref<64xf32, #tpu.memory_space<vmem_shared>>)
          tpu.yield
        }) : () -> ()
      } else {
      }
    } else {
    }
    %barrier3A = arith.constant 0 : index
    tpu.barrier barrier_id(%barrier3A)
    %dma_start3A = arith.constant 0 : i32
    %dma_start3A_31 = arith.constant 0 : i32
    %dma_start3A_32 = tpu.memref_slice %arg3[%arg0, %arg1, %dma_start3A, %dma_start3A_31] : memref<2x16x160x128xi32, #tpu.memory_space<hbm>> -> memref<1x1x1x128xi32, #tpu.memory_space<hbm>>
    %dma_start3A_33 = tpu.memref_squeeze %dma_start3A_32 : memref<1x1x1x128xi32, #tpu.memory_space<hbm>> -> memref<128xi32, #tpu.memory_space<hbm>>
    %dma_start3A_34 = arith.constant 0 : i32
    %dma_start3A_35 = tpu.memref_slice %arg3[%arg0, %arg1, %dma_start3A, %dma_start3A_34] : memref<2x16x160x128xi32, #tpu.memory_space<hbm>> -> memref<1x1x1x128xi32, #tpu.memory_space<hbm>>
    %dma_start3A_36 = tpu.memref_squeeze %dma_start3A_35 : memref<1x1x1x128xi32, #tpu.memory_space<hbm>> -> memref<128xi32, #tpu.memory_space<hbm>>
    tpu.enqueue_dma source(%dma_start3A_36 : memref<128xi32, #tpu.memory_space<hbm>>) target(%arg9 : memref<128xi32, #tpu.memory_space<vmem>>) target_semaphore(%arg24 : memref<!tpu.dma_semaphore, #tpu.memory_space<semaphore_mem>>)
    %dma_start3A_37 = arith.constant 0 : i32
    %dma_start3A_38 = arith.constant 0 : i32
    %dma_start3A_39 = tpu.memref_slice %arg4[%arg1, %dma_start3A_37, %dma_start3A_38] : memref<16x160x128xi32, #tpu.memory_space<hbm>> -> memref<1x1x128xi32, #tpu.memory_space<hbm>>
    %dma_start3A_40 = tpu.memref_squeeze %dma_start3A_39 : memref<1x1x128xi32, #tpu.memory_space<hbm>> -> memref<128xi32, #tpu.memory_space<hbm>>
    %dma_start3A_41 = arith.constant 0 : i32
    %dma_start3A_42 = tpu.memref_slice %arg4[%arg1, %dma_start3A_37, %dma_start3A_41] : memref<16x160x128xi32, #tpu.memory_space<hbm>> -> memref<1x1x128xi32, #tpu.memory_space<hbm>>
    %dma_start3A_43 = tpu.memref_squeeze %dma_start3A_42 : memref<1x1x128xi32, #tpu.memory_space<hbm>> -> memref<128xi32, #tpu.memory_space<hbm>>
    tpu.enqueue_dma source(%dma_start3A_43 : memref<128xi32, #tpu.memory_space<hbm>>) target(%arg13 : memref<128xi32, #tpu.memory_space<vmem>>) target_semaphore(%arg24 : memref<!tpu.dma_semaphore, #tpu.memory_space<semaphore_mem>>)
    %dma_start3A_44 = arith.constant 1 : i32
    %dma_start3A_45 = arith.constant 0 : i32
    %dma_start3A_46 = tpu.memref_slice %arg3[%arg0, %arg1, %dma_start3A_44, %dma_start3A_45] : memref<2x16x160x128xi32, #tpu.memory_space<hbm>> -> memref<1x1x1x128xi32, #tpu.memory_space<hbm>>
    %dma_start3A_47 = tpu.memref_squeeze %dma_start3A_46 : memref<1x1x1x128xi32, #tpu.memory_space<hbm>> -> memref<128xi32, #tpu.memory_space<hbm>>
    %dma_start3A_48 = arith.constant 0 : i32
    %dma_start3A_49 = tpu.memref_slice %arg3[%arg0, %arg1, %dma_start3A_44, %dma_start3A_48] : memref<2x16x160x128xi32, #tpu.memory_space<hbm>> -> memref<1x1x1x128xi32, #tpu.memory_space<hbm>>
    %dma_start3A_50 = tpu.memref_squeeze %dma_start3A_49 : memref<1x1x1x128xi32, #tpu.memory_space<hbm>> -> memref<128xi32, #tpu.memory_space<hbm>>
    tpu.enqueue_dma source(%dma_start3A_50 : memref<128xi32, #tpu.memory_space<hbm>>) target(%arg10 : memref<128xi32, #tpu.memory_space<vmem>>) target_semaphore(%arg25 : memref<!tpu.dma_semaphore, #tpu.memory_space<semaphore_mem>>)
    %dma_start3A_51 = arith.constant 1 : i32
    %dma_start3A_52 = arith.constant 0 : i32
    %dma_start3A_53 = tpu.memref_slice %arg4[%arg1, %dma_start3A_51, %dma_start3A_52] : memref<16x160x128xi32, #tpu.memory_space<hbm>> -> memref<1x1x128xi32, #tpu.memory_space<hbm>>
    %dma_start3A_54 = tpu.memref_squeeze %dma_start3A_53 : memref<1x1x128xi32, #tpu.memory_space<hbm>> -> memref<128xi32, #tpu.memory_space<hbm>>
    %dma_start3A_55 = arith.constant 0 : i32
    %dma_start3A_56 = tpu.memref_slice %arg4[%arg1, %dma_start3A_51, %dma_start3A_55] : memref<16x160x128xi32, #tpu.memory_space<hbm>> -> memref<1x1x128xi32, #tpu.memory_space<hbm>>
    %dma_start3A_57 = tpu.memref_squeeze %dma_start3A_56 : memref<1x1x128xi32, #tpu.memory_space<hbm>> -> memref<128xi32, #tpu.memory_space<hbm>>
    tpu.enqueue_dma source(%dma_start3A_57 : memref<128xi32, #tpu.memory_space<hbm>>) target(%arg14 : memref<128xi32, #tpu.memory_space<vmem>>) target_semaphore(%arg25 : memref<!tpu.dma_semaphore, #tpu.memory_space<semaphore_mem>>)
    %dma_start3A_58 = arith.constant 2 : i32
    %dma_start3A_59 = arith.constant 0 : i32
    %dma_start3A_60 = tpu.memref_slice %arg3[%arg0, %arg1, %dma_start3A_58, %dma_start3A_59] : memref<2x16x160x128xi32, #tpu.memory_space<hbm>> -> memref<1x1x1x128xi32, #tpu.memory_space<hbm>>
    %dma_start3A_61 = tpu.memref_squeeze %dma_start3A_60 : memref<1x1x1x128xi32, #tpu.memory_space<hbm>> -> memref<128xi32, #tpu.memory_space<hbm>>
    %dma_start3A_62 = arith.constant 0 : i32
    %dma_start3A_63 = tpu.memref_slice %arg3[%arg0, %arg1, %dma_start3A_58, %dma_start3A_62] : memref<2x16x160x128xi32, #tpu.memory_space<hbm>> -> memref<1x1x1x128xi32, #tpu.memory_space<hbm>>
    %dma_start3A_64 = tpu.memref_squeeze %dma_start3A_63 : memref<1x1x1x128xi32, #tpu.memory_space<hbm>> -> memref<128xi32, #tpu.memory_space<hbm>>
    tpu.enqueue_dma source(%dma_start3A_64 : memref<128xi32, #tpu.memory_space<hbm>>) target(%arg11 : memref<128xi32, #tpu.memory_space<vmem>>) target_semaphore(%arg26 : memref<!tpu.dma_semaphore, #tpu.memory_space<semaphore_mem>>)
    %dma_start3A_65 = arith.constant 2 : i32
    %dma_start3A_66 = arith.constant 0 : i32
    %dma_start3A_67 = tpu.memref_slice %arg4[%arg1, %dma_start3A_65, %dma_start3A_66] : memref<16x160x128xi32, #tpu.memory_space<hbm>> -> memref<1x1x128xi32, #tpu.memory_space<hbm>>
    %dma_start3A_68 = tpu.memref_squeeze %dma_start3A_67 : memref<1x1x128xi32, #tpu.memory_space<hbm>> -> memref<128xi32, #tpu.memory_space<hbm>>
    %dma_start3A_69 = arith.constant 0 : i32
    %dma_start3A_70 = tpu.memref_slice %arg4[%arg1, %dma_start3A_65, %dma_start3A_69] : memref<16x160x128xi32, #tpu.memory_space<hbm>> -> memref<1x1x128xi32, #tpu.memory_space<hbm>>
    %dma_start3A_71 = tpu.memref_squeeze %dma_start3A_70 : memref<1x1x128xi32, #tpu.memory_space<hbm>> -> memref<128xi32, #tpu.memory_space<hbm>>
    tpu.enqueue_dma source(%dma_start3A_71 : memref<128xi32, #tpu.memory_space<hbm>>) target(%arg15 : memref<128xi32, #tpu.memory_space<vmem>>) target_semaphore(%arg26 : memref<!tpu.dma_semaphore, #tpu.memory_space<semaphore_mem>>)
    %dma_wait3A = arith.constant 0 : i32
    %dma_wait3A_72 = arith.constant 0 : i32
    %dma_wait3A_73 = tpu.memref_slice %arg3[%arg0, %arg1, %dma_wait3A, %dma_wait3A_72] : memref<2x16x160x128xi32, #tpu.memory_space<hbm>> -> memref<1x1x1x128xi32, #tpu.memory_space<hbm>>
    %dma_wait3A_74 = tpu.memref_squeeze %dma_wait3A_73 : memref<1x1x1x128xi32, #tpu.memory_space<hbm>> -> memref<128xi32, #tpu.memory_space<hbm>>
    %dma_wait3A_75 = arith.constant 0 : i32
    %dma_wait3A_76 = tpu.memref_slice %arg3[%arg0, %arg1, %dma_wait3A, %dma_wait3A_75] : memref<2x16x160x128xi32, #tpu.memory_space<hbm>> -> memref<1x1x1x128xi32, #tpu.memory_space<hbm>>
    %dma_wait3A_77 = tpu.memref_squeeze %dma_wait3A_76 : memref<1x1x1x128xi32, #tpu.memory_space<hbm>> -> memref<128xi32, #tpu.memory_space<hbm>>
    tpu.wait_dma2 semaphore(%arg24 : memref<!tpu.dma_semaphore, #tpu.memory_space<semaphore_mem>>) src(%dma_wait3A_77 : memref<128xi32, #tpu.memory_space<hbm>>) dst(%arg9 : memref<128xi32, #tpu.memory_space<vmem>>)
    %dma_wait3A_78 = arith.constant 0 : i32
    %dma_wait3A_79 = arith.constant 0 : i32
    %dma_wait3A_80 = tpu.memref_slice %arg4[%arg1, %dma_wait3A_78, %dma_wait3A_79] : memref<16x160x128xi32, #tpu.memory_space<hbm>> -> memref<1x1x128xi32, #tpu.memory_space<hbm>>
    %dma_wait3A_81 = tpu.memref_squeeze %dma_wait3A_80 : memref<1x1x128xi32, #tpu.memory_space<hbm>> -> memref<128xi32, #tpu.memory_space<hbm>>
    %dma_wait3A_82 = arith.constant 0 : i32
    %dma_wait3A_83 = tpu.memref_slice %arg4[%arg1, %dma_wait3A_78, %dma_wait3A_82] : memref<16x160x128xi32, #tpu.memory_space<hbm>> -> memref<1x1x128xi32, #tpu.memory_space<hbm>>
    %dma_wait3A_84 = tpu.memref_squeeze %dma_wait3A_83 : memref<1x1x128xi32, #tpu.memory_space<hbm>> -> memref<128xi32, #tpu.memory_space<hbm>>
    tpu.wait_dma2 semaphore(%arg24 : memref<!tpu.dma_semaphore, #tpu.memory_space<semaphore_mem>>) src(%dma_wait3A_84 : memref<128xi32, #tpu.memory_space<hbm>>) dst(%arg13 : memref<128xi32, #tpu.memory_space<vmem>>)
    %dma_start3A_85 = arith.constant 0 : i32
    %dma_start3A_86 = arith.constant 0 : i32
    %dma_start3A_87 = tpu.memref_slice %arg2[%dma_start3A_85, %dma_start3A_86] : memref<20000x64xf32, #tpu.memory_space<hbm>> -> memref<20000x64xf32, #tpu.memory_space<hbm>>
    tpu.enqueue_indirect_dma source(%dma_start3A_87 : memref<20000x64xf32, #tpu.memory_space<hbm>>) target(%arg17 : memref<128x64xf32, #tpu.memory_space<vmem>>) offsets(%arg9 : memref<128xi32, #tpu.memory_space<vmem>>) semaphore(%arg28 : memref<!tpu.dma_semaphore, #tpu.memory_space<semaphore_mem>>)
    %dma_wait3A_88 = arith.constant 1 : i32
    %dma_wait3A_89 = arith.constant 0 : i32
    %dma_wait3A_90 = tpu.memref_slice %arg3[%arg0, %arg1, %dma_wait3A_88, %dma_wait3A_89] : memref<2x16x160x128xi32, #tpu.memory_space<hbm>> -> memref<1x1x1x128xi32, #tpu.memory_space<hbm>>
    %dma_wait3A_91 = tpu.memref_squeeze %dma_wait3A_90 : memref<1x1x1x128xi32, #tpu.memory_space<hbm>> -> memref<128xi32, #tpu.memory_space<hbm>>
    %dma_wait3A_92 = arith.constant 0 : i32
    %dma_wait3A_93 = tpu.memref_slice %arg3[%arg0, %arg1, %dma_wait3A_88, %dma_wait3A_92] : memref<2x16x160x128xi32, #tpu.memory_space<hbm>> -> memref<1x1x1x128xi32, #tpu.memory_space<hbm>>
    %dma_wait3A_94 = tpu.memref_squeeze %dma_wait3A_93 : memref<1x1x1x128xi32, #tpu.memory_space<hbm>> -> memref<128xi32, #tpu.memory_space<hbm>>
    tpu.wait_dma2 semaphore(%arg25 : memref<!tpu.dma_semaphore, #tpu.memory_space<semaphore_mem>>) src(%dma_wait3A_94 : memref<128xi32, #tpu.memory_space<hbm>>) dst(%arg10 : memref<128xi32, #tpu.memory_space<vmem>>)
    %dma_wait3A_95 = arith.constant 1 : i32
    %dma_wait3A_96 = arith.constant 0 : i32
    %dma_wait3A_97 = tpu.memref_slice %arg4[%arg1, %dma_wait3A_95, %dma_wait3A_96] : memref<16x160x128xi32, #tpu.memory_space<hbm>> -> memref<1x1x128xi32, #tpu.memory_space<hbm>>
    %dma_wait3A_98 = tpu.memref_squeeze %dma_wait3A_97 : memref<1x1x128xi32, #tpu.memory_space<hbm>> -> memref<128xi32, #tpu.memory_space<hbm>>
    %dma_wait3A_99 = arith.constant 0 : i32
    %dma_wait3A_100 = tpu.memref_slice %arg4[%arg1, %dma_wait3A_95, %dma_wait3A_99] : memref<16x160x128xi32, #tpu.memory_space<hbm>> -> memref<1x1x128xi32, #tpu.memory_space<hbm>>
    %dma_wait3A_101 = tpu.memref_squeeze %dma_wait3A_100 : memref<1x1x128xi32, #tpu.memory_space<hbm>> -> memref<128xi32, #tpu.memory_space<hbm>>
    tpu.wait_dma2 semaphore(%arg25 : memref<!tpu.dma_semaphore, #tpu.memory_space<semaphore_mem>>) src(%dma_wait3A_101 : memref<128xi32, #tpu.memory_space<hbm>>) dst(%arg14 : memref<128xi32, #tpu.memory_space<vmem>>)
    %dma_start3A_102 = arith.constant 0 : i32
    %dma_start3A_103 = arith.constant 0 : i32
    %dma_start3A_104 = tpu.memref_slice %arg2[%dma_start3A_102, %dma_start3A_103] : memref<20000x64xf32, #tpu.memory_space<hbm>> -> memref<20000x64xf32, #tpu.memory_space<hbm>>
    tpu.enqueue_indirect_dma source(%dma_start3A_104 : memref<20000x64xf32, #tpu.memory_space<hbm>>) target(%arg18 : memref<128x64xf32, #tpu.memory_space<vmem>>) offsets(%arg10 : memref<128xi32, #tpu.memory_space<vmem>>) semaphore(%arg29 : memref<!tpu.dma_semaphore, #tpu.memory_space<semaphore_mem>>)
    %scan3A = arith.constant 0 : i32
    %scan3A_105 = arith.constant 0 : i32
    %scan3A_106 = arith.constant 40 : i32
    %scan3A_107 = arith.addi %scan3A_105, %scan3A_106 : i32
    %scan3A_108 = arith.constant 1 : i32
    scf.for %scan3A_150 = %scan3A_105 to %scan3A_107 step %scan3A_108  : i32 {
      %mul3A = arith.constant 4 : i32
      %mul3A_151 = arith.muli %mul3A, %scan3A_150 : i32
      %add3A_152 = arith.constant 0 : i32
      %add3A_153 = arith.addi %mul3A_151, %add3A_152 : i32
      %eq3A_154 = arith.constant 0 : i32
      %eq3A_155 = arith.cmpi eq, %arg0, %eq3A_154 : i32
      %gt3A = arith.constant 0 : i32
      %gt3A_156 = arith.cmpi sgt, %add3A_153, %gt3A : i32
      %and3A = arith.andi %eq3A_155, %gt3A_156 : i1
      %convert_element_type3A_157 = arith.extui %and3A : i1 to i32
      %cond3A_158 = arith.constant 0 : i32
      %cond3A_159 = arith.cmpi ne, %convert_element_type3A_157, %cond3A_158 : i32
      scf.if %cond3A_159 {
        %dma_wait3A_291 = arith.constant 0 : i32
        %dma_wait3A_292 = tpu.memref_slice %arg23[%dma_wait3A_291] : memref<10112xf32, #tpu.memory_space<vmem_shared>> -> memref<10112xf32, #tpu.memory_space<vmem_shared>>
        tpu.wait_indirect_dma semaphore(%arg32 : memref<!tpu.dma_semaphore, #tpu.memory_space<semaphore_mem>>) src(%arg21 : memref<128xf32, #tpu.memory_space<vmem>>) dst(%dma_wait3A_292 : memref<10112xf32, #tpu.memory_space<vmem_shared>>)
      } else {
      }
      %add3A_160 = arith.constant 4 : i32
      %add3A_161 = arith.addi %add3A_153, %add3A_160 : i32
      %sub3A = arith.constant 1 : i32
      %sub3A_162 = arith.subi %add3A_161, %sub3A : i32
      %lt3A_163 = arith.constant 160 : i32
      %lt3A_164 = arith.cmpi slt, %sub3A_162, %lt3A_163 : i32
      %convert_element_type3A_165 = arith.extui %lt3A_164 : i1 to i32
      %cond3A_166 = arith.constant 0 : i32
      %cond3A_167 = arith.cmpi ne, %convert_element_type3A_165, %cond3A_166 : i32
      scf.if %cond3A_167 {
        %add3A_291 = arith.constant 4 : i32
        %add3A_292 = arith.addi %add3A_153, %add3A_291 : i32
        %sub3A_293 = arith.constant 1 : i32
        %sub3A_294 = arith.subi %add3A_292, %sub3A_293 : i32
        %dma_start3A_295 = arith.constant 0 : i32
        %dma_start3A_296 = tpu.memref_slice %arg3[%arg0, %arg1, %sub3A_294, %dma_start3A_295] : memref<2x16x160x128xi32, #tpu.memory_space<hbm>> -> memref<1x1x1x128xi32, #tpu.memory_space<hbm>>
        %dma_start3A_297 = tpu.memref_squeeze %dma_start3A_296 : memref<1x1x1x128xi32, #tpu.memory_space<hbm>> -> memref<128xi32, #tpu.memory_space<hbm>>
        %dma_start3A_298 = arith.constant 0 : i32
        %dma_start3A_299 = tpu.memref_slice %arg3[%arg0, %arg1, %sub3A_294, %dma_start3A_298] : memref<2x16x160x128xi32, #tpu.memory_space<hbm>> -> memref<1x1x1x128xi32, #tpu.memory_space<hbm>>
        %dma_start3A_300 = tpu.memref_squeeze %dma_start3A_299 : memref<1x1x1x128xi32, #tpu.memory_space<hbm>> -> memref<128xi32, #tpu.memory_space<hbm>>
        tpu.enqueue_dma source(%dma_start3A_300 : memref<128xi32, #tpu.memory_space<hbm>>) target(%arg12 : memref<128xi32, #tpu.memory_space<vmem>>) target_semaphore(%arg27 : memref<!tpu.dma_semaphore, #tpu.memory_space<semaphore_mem>>)
        %dma_start3A_301 = arith.constant 0 : i32
        %dma_start3A_302 = tpu.memref_slice %arg4[%arg1, %sub3A_294, %dma_start3A_301] : memref<16x160x128xi32, #tpu.memory_space<hbm>> -> memref<1x1x128xi32, #tpu.memory_space<hbm>>
        %dma_start3A_303 = tpu.memref_squeeze %dma_start3A_302 : memref<1x1x128xi32, #tpu.memory_space<hbm>> -> memref<128xi32, #tpu.memory_space<hbm>>
        %dma_start3A_304 = arith.constant 0 : i32
        %dma_start3A_305 = tpu.memref_slice %arg4[%arg1, %sub3A_294, %dma_start3A_304] : memref<16x160x128xi32, #tpu.memory_space<hbm>> -> memref<1x1x128xi32, #tpu.memory_space<hbm>>
        %dma_start3A_306 = tpu.memref_squeeze %dma_start3A_305 : memref<1x1x128xi32, #tpu.memory_space<hbm>> -> memref<128xi32, #tpu.memory_space<hbm>>
        tpu.enqueue_dma source(%dma_start3A_306 : memref<128xi32, #tpu.memory_space<hbm>>) target(%arg16 : memref<128xi32, #tpu.memory_space<vmem>>) target_semaphore(%arg27 : memref<!tpu.dma_semaphore, #tpu.memory_space<semaphore_mem>>)
      } else {
      }
      %dma_wait3A_168 = arith.constant 0 : i32
      %dma_wait3A_169 = arith.constant 0 : i32
      %dma_wait3A_170 = tpu.memref_slice %arg2[%dma_wait3A_168, %dma_wait3A_169] : memref<20000x64xf32, #tpu.memory_space<hbm>> -> memref<20000x64xf32, #tpu.memory_space<hbm>>
      tpu.wait_indirect_dma semaphore(%arg28 : memref<!tpu.dma_semaphore, #tpu.memory_space<semaphore_mem>>) src(%dma_wait3A_170 : memref<20000x64xf32, #tpu.memory_space<hbm>>) dst(%arg17 : memref<128x64xf32, #tpu.memory_space<vmem>>)
      %add3A_171 = arith.constant 2 : i32
      %add3A_172 = arith.addi %add3A_153, %add3A_171 : i32
      %lt3A_173 = arith.constant 160 : i32
      %lt3A_174 = arith.cmpi slt, %add3A_172, %lt3A_173 : i32
      %convert_element_type3A_175 = arith.extui %lt3A_174 : i1 to i32
      %cond3A_176 = arith.constant 0 : i32
      %cond3A_177 = arith.cmpi ne, %convert_element_type3A_175, %cond3A_176 : i32
      scf.if %cond3A_177 {
        %add3A_291 = arith.constant 2 : i32
        %add3A_292 = arith.addi %add3A_153, %add3A_291 : i32
        %dma_wait3A_293 = arith.constant 0 : i32
        %dma_wait3A_294 = tpu.memref_slice %arg3[%arg0, %arg1, %add3A_292, %dma_wait3A_293] : memref<2x16x160x128xi32, #tpu.memory_space<hbm>> -> memref<1x1x1x128xi32, #tpu.memory_space<hbm>>
        %dma_wait3A_295 = tpu.memref_squeeze %dma_wait3A_294 : memref<1x1x1x128xi32, #tpu.memory_space<hbm>> -> memref<128xi32, #tpu.memory_space<hbm>>
        %dma_wait3A_296 = arith.constant 0 : i32
        %dma_wait3A_297 = tpu.memref_slice %arg3[%arg0, %arg1, %add3A_292, %dma_wait3A_296] : memref<2x16x160x128xi32, #tpu.memory_space<hbm>> -> memref<1x1x1x128xi32, #tpu.memory_space<hbm>>
        %dma_wait3A_298 = tpu.memref_squeeze %dma_wait3A_297 : memref<1x1x1x128xi32, #tpu.memory_space<hbm>> -> memref<128xi32, #tpu.memory_space<hbm>>
        tpu.wait_dma2 semaphore(%arg26 : memref<!tpu.dma_semaphore, #tpu.memory_space<semaphore_mem>>) src(%dma_wait3A_298 : memref<128xi32, #tpu.memory_space<hbm>>) dst(%arg11 : memref<128xi32, #tpu.memory_space<vmem>>)
        %dma_wait3A_299 = arith.constant 0 : i32
        %dma_wait3A_300 = tpu.memref_slice %arg4[%arg1, %add3A_292, %dma_wait3A_299] : memref<16x160x128xi32, #tpu.memory_space<hbm>> -> memref<1x1x128xi32, #tpu.memory_space<hbm>>
        %dma_wait3A_301 = tpu.memref_squeeze %dma_wait3A_300 : memref<1x1x128xi32, #tpu.memory_space<hbm>> -> memref<128xi32, #tpu.memory_space<hbm>>
        %dma_wait3A_302 = arith.constant 0 : i32
        %dma_wait3A_303 = tpu.memref_slice %arg4[%arg1, %add3A_292, %dma_wait3A_302] : memref<16x160x128xi32, #tpu.memory_space<hbm>> -> memref<1x1x128xi32, #tpu.memory_space<hbm>>
        %dma_wait3A_304 = tpu.memref_squeeze %dma_wait3A_303 : memref<1x1x128xi32, #tpu.memory_space<hbm>> -> memref<128xi32, #tpu.memory_space<hbm>>
        tpu.wait_dma2 semaphore(%arg26 : memref<!tpu.dma_semaphore, #tpu.memory_space<semaphore_mem>>) src(%dma_wait3A_304 : memref<128xi32, #tpu.memory_space<hbm>>) dst(%arg15 : memref<128xi32, #tpu.memory_space<vmem>>)
        %dma_start3A_305 = arith.constant 0 : i32
        %dma_start3A_306 = arith.constant 0 : i32
        %dma_start3A_307 = tpu.memref_slice %arg2[%dma_start3A_305, %dma_start3A_306] : memref<20000x64xf32, #tpu.memory_space<hbm>> -> memref<20000x64xf32, #tpu.memory_space<hbm>>
        tpu.enqueue_indirect_dma source(%dma_start3A_307 : memref<20000x64xf32, #tpu.memory_space<hbm>>) target(%arg19 : memref<128x64xf32, #tpu.memory_space<vmem>>) offsets(%arg11 : memref<128xi32, #tpu.memory_space<vmem>>) semaphore(%arg30 : memref<!tpu.dma_semaphore, #tpu.memory_space<semaphore_mem>>)
      } else {
      }
      "tpu.region"() ({
        %run_scoped3A = tpu.sem_alloc : memref<!tpu.dma_semaphore, #tpu.memory_space<semaphore_mem>>
        %dma_start3A_291 = arith.constant 0 : i32
        %dma_start3A_292 = arith.constant 0 : i32
        %dma_start3A_293 = tpu.memref_slice %arg22[%dma_start3A_291, %dma_start3A_292] : memref<10112x64xf32, #tpu.memory_space<vmem_shared>> -> memref<10112x64xf32, #tpu.memory_space<vmem_shared>>
        tpu.enqueue_indirect_dma source(%arg17 : memref<128x64xf32, #tpu.memory_space<vmem>>) target(%dma_start3A_293 : memref<10112x64xf32, #tpu.memory_space<vmem_shared>>) offsets(%arg13 : memref<128xi32, #tpu.memory_space<vmem>>) semaphore(%run_scoped3A : memref<!tpu.dma_semaphore, #tpu.memory_space<semaphore_mem>>) {add = true}
        %dma_wait3A_294 = arith.constant 0 : i32
        %dma_wait3A_295 = arith.constant 0 : i32
        %dma_wait3A_296 = tpu.memref_slice %arg22[%dma_wait3A_294, %dma_wait3A_295] : memref<10112x64xf32, #tpu.memory_space<vmem_shared>> -> memref<10112x64xf32, #tpu.memory_space<vmem_shared>>
        tpu.wait_indirect_dma semaphore(%run_scoped3A : memref<!tpu.dma_semaphore, #tpu.memory_space<semaphore_mem>>) src(%arg17 : memref<128x64xf32, #tpu.memory_space<vmem>>) dst(%dma_wait3A_296 : memref<10112x64xf32, #tpu.memory_space<vmem_shared>>)
        tpu.yield
      }) : () -> ()
      %eq3A_178 = arith.constant 0 : i32
      %eq3A_179 = arith.cmpi eq, %arg0, %eq3A_178 : i32
      %convert_element_type3A_180 = arith.extui %eq3A_179 : i1 to i32
      %cond3A_181 = arith.constant 0 : i32
      %cond3A_182 = arith.cmpi ne, %convert_element_type3A_180, %cond3A_181 : i32
      scf.if %cond3A_182 {
        %dma_start3A_291 = arith.constant 0 : i32
        %dma_start3A_292 = tpu.memref_slice %arg23[%dma_start3A_291] : memref<10112xf32, #tpu.memory_space<vmem_shared>> -> memref<10112xf32, #tpu.memory_space<vmem_shared>>
        tpu.enqueue_indirect_dma source(%arg21 : memref<128xf32, #tpu.memory_space<vmem>>) target(%dma_start3A_292 : memref<10112xf32, #tpu.memory_space<vmem_shared>>) offsets(%arg13 : memref<128xi32, #tpu.memory_space<vmem>>) semaphore(%arg32 : memref<!tpu.dma_semaphore, #tpu.memory_space<semaphore_mem>>) {add = true}
      } else {
      }
      %mul3A_183 = arith.constant 4 : i32
      %mul3A_184 = arith.muli %mul3A_183, %scan3A_150 : i32
      %add3A_185 = arith.constant 1 : i32
      %add3A_186 = arith.addi %mul3A_184, %add3A_185 : i32
      %eq3A_187 = arith.constant 0 : i32
      %eq3A_188 = arith.cmpi eq, %arg0, %eq3A_187 : i32
      %gt3A_189 = arith.constant 0 : i32
      %gt3A_190 = arith.cmpi sgt, %add3A_186, %gt3A_189 : i32
      %and3A_191 = arith.andi %eq3A_188, %gt3A_190 : i1
      %convert_element_type3A_192 = arith.extui %and3A_191 : i1 to i32
      %cond3A_193 = arith.constant 0 : i32
      %cond3A_194 = arith.cmpi ne, %convert_element_type3A_192, %cond3A_193 : i32
      scf.if %cond3A_194 {
        %dma_wait3A_291 = arith.constant 0 : i32
        %dma_wait3A_292 = tpu.memref_slice %arg23[%dma_wait3A_291] : memref<10112xf32, #tpu.memory_space<vmem_shared>> -> memref<10112xf32, #tpu.memory_space<vmem_shared>>
        tpu.wait_indirect_dma semaphore(%arg32 : memref<!tpu.dma_semaphore, #tpu.memory_space<semaphore_mem>>) src(%arg21 : memref<128xf32, #tpu.memory_space<vmem>>) dst(%dma_wait3A_292 : memref<10112xf32, #tpu.memory_space<vmem_shared>>)
      } else {
      }
      %add3A_195 = arith.constant 4 : i32
      %add3A_196 = arith.addi %add3A_186, %add3A_195 : i32
      %sub3A_197 = arith.constant 1 : i32
      %sub3A_198 = arith.subi %add3A_196, %sub3A_197 : i32
      %lt3A_199 = arith.constant 160 : i32
      %lt3A_200 = arith.cmpi slt, %sub3A_198, %lt3A_199 : i32
      %convert_element_type3A_201 = arith.extui %lt3A_200 : i1 to i32
      %cond3A_202 = arith.constant 0 : i32
      %cond3A_203 = arith.cmpi ne, %convert_element_type3A_201, %cond3A_202 : i32
      scf.if %cond3A_203 {
        %add3A_291 = arith.constant 4 : i32
        %add3A_292 = arith.addi %add3A_186, %add3A_291 : i32
        %sub3A_293 = arith.constant 1 : i32
        %sub3A_294 = arith.subi %add3A_292, %sub3A_293 : i32
        %dma_start3A_295 = arith.constant 0 : i32
        %dma_start3A_296 = tpu.memref_slice %arg3[%arg0, %arg1, %sub3A_294, %dma_start3A_295] : memref<2x16x160x128xi32, #tpu.memory_space<hbm>> -> memref<1x1x1x128xi32, #tpu.memory_space<hbm>>
        %dma_start3A_297 = tpu.memref_squeeze %dma_start3A_296 : memref<1x1x1x128xi32, #tpu.memory_space<hbm>> -> memref<128xi32, #tpu.memory_space<hbm>>
        %dma_start3A_298 = arith.constant 0 : i32
        %dma_start3A_299 = tpu.memref_slice %arg3[%arg0, %arg1, %sub3A_294, %dma_start3A_298] : memref<2x16x160x128xi32, #tpu.memory_space<hbm>> -> memref<1x1x1x128xi32, #tpu.memory_space<hbm>>
        %dma_start3A_300 = tpu.memref_squeeze %dma_start3A_299 : memref<1x1x1x128xi32, #tpu.memory_space<hbm>> -> memref<128xi32, #tpu.memory_space<hbm>>
        tpu.enqueue_dma source(%dma_start3A_300 : memref<128xi32, #tpu.memory_space<hbm>>) target(%arg9 : memref<128xi32, #tpu.memory_space<vmem>>) target_semaphore(%arg24 : memref<!tpu.dma_semaphore, #tpu.memory_space<semaphore_mem>>)
        %dma_start3A_301 = arith.constant 0 : i32
        %dma_start3A_302 = tpu.memref_slice %arg4[%arg1, %sub3A_294, %dma_start3A_301] : memref<16x160x128xi32, #tpu.memory_space<hbm>> -> memref<1x1x128xi32, #tpu.memory_space<hbm>>
        %dma_start3A_303 = tpu.memref_squeeze %dma_start3A_302 : memref<1x1x128xi32, #tpu.memory_space<hbm>> -> memref<128xi32, #tpu.memory_space<hbm>>
        %dma_start3A_304 = arith.constant 0 : i32
        %dma_start3A_305 = tpu.memref_slice %arg4[%arg1, %sub3A_294, %dma_start3A_304] : memref<16x160x128xi32, #tpu.memory_space<hbm>> -> memref<1x1x128xi32, #tpu.memory_space<hbm>>
        %dma_start3A_306 = tpu.memref_squeeze %dma_start3A_305 : memref<1x1x128xi32, #tpu.memory_space<hbm>> -> memref<128xi32, #tpu.memory_space<hbm>>
        tpu.enqueue_dma source(%dma_start3A_306 : memref<128xi32, #tpu.memory_space<hbm>>) target(%arg13 : memref<128xi32, #tpu.memory_space<vmem>>) target_semaphore(%arg24 : memref<!tpu.dma_semaphore, #tpu.memory_space<semaphore_mem>>)
      } else {
      }
      %dma_wait3A_204 = arith.constant 0 : i32
      %dma_wait3A_205 = arith.constant 0 : i32
      %dma_wait3A_206 = tpu.memref_slice %arg2[%dma_wait3A_204, %dma_wait3A_205] : memref<20000x64xf32, #tpu.memory_space<hbm>> -> memref<20000x64xf32, #tpu.memory_space<hbm>>
      tpu.wait_indirect_dma semaphore(%arg29 : memref<!tpu.dma_semaphore, #tpu.memory_space<semaphore_mem>>) src(%dma_wait3A_206 : memref<20000x64xf32, #tpu.memory_space<hbm>>) dst(%arg18 : memref<128x64xf32, #tpu.memory_space<vmem>>)
      %add3A_207 = arith.constant 2 : i32
      %add3A_208 = arith.addi %add3A_186, %add3A_207 : i32
      %lt3A_209 = arith.constant 160 : i32
      %lt3A_210 = arith.cmpi slt, %add3A_208, %lt3A_209 : i32
      %convert_element_type3A_211 = arith.extui %lt3A_210 : i1 to i32
      %cond3A_212 = arith.constant 0 : i32
      %cond3A_213 = arith.cmpi ne, %convert_element_type3A_211, %cond3A_212 : i32
      scf.if %cond3A_213 {
        %add3A_291 = arith.constant 2 : i32
        %add3A_292 = arith.addi %add3A_186, %add3A_291 : i32
        %dma_wait3A_293 = arith.constant 0 : i32
        %dma_wait3A_294 = tpu.memref_slice %arg3[%arg0, %arg1, %add3A_292, %dma_wait3A_293] : memref<2x16x160x128xi32, #tpu.memory_space<hbm>> -> memref<1x1x1x128xi32, #tpu.memory_space<hbm>>
        %dma_wait3A_295 = tpu.memref_squeeze %dma_wait3A_294 : memref<1x1x1x128xi32, #tpu.memory_space<hbm>> -> memref<128xi32, #tpu.memory_space<hbm>>
        %dma_wait3A_296 = arith.constant 0 : i32
        %dma_wait3A_297 = tpu.memref_slice %arg3[%arg0, %arg1, %add3A_292, %dma_wait3A_296] : memref<2x16x160x128xi32, #tpu.memory_space<hbm>> -> memref<1x1x1x128xi32, #tpu.memory_space<hbm>>
        %dma_wait3A_298 = tpu.memref_squeeze %dma_wait3A_297 : memref<1x1x1x128xi32, #tpu.memory_space<hbm>> -> memref<128xi32, #tpu.memory_space<hbm>>
        tpu.wait_dma2 semaphore(%arg27 : memref<!tpu.dma_semaphore, #tpu.memory_space<semaphore_mem>>) src(%dma_wait3A_298 : memref<128xi32, #tpu.memory_space<hbm>>) dst(%arg12 : memref<128xi32, #tpu.memory_space<vmem>>)
        %dma_wait3A_299 = arith.constant 0 : i32
        %dma_wait3A_300 = tpu.memref_slice %arg4[%arg1, %add3A_292, %dma_wait3A_299] : memref<16x160x128xi32, #tpu.memory_space<hbm>> -> memref<1x1x128xi32, #tpu.memory_space<hbm>>
        %dma_wait3A_301 = tpu.memref_squeeze %dma_wait3A_300 : memref<1x1x128xi32, #tpu.memory_space<hbm>> -> memref<128xi32, #tpu.memory_space<hbm>>
        %dma_wait3A_302 = arith.constant 0 : i32
        %dma_wait3A_303 = tpu.memref_slice %arg4[%arg1, %add3A_292, %dma_wait3A_302] : memref<16x160x128xi32, #tpu.memory_space<hbm>> -> memref<1x1x128xi32, #tpu.memory_space<hbm>>
        %dma_wait3A_304 = tpu.memref_squeeze %dma_wait3A_303 : memref<1x1x128xi32, #tpu.memory_space<hbm>> -> memref<128xi32, #tpu.memory_space<hbm>>
        tpu.wait_dma2 semaphore(%arg27 : memref<!tpu.dma_semaphore, #tpu.memory_space<semaphore_mem>>) src(%dma_wait3A_304 : memref<128xi32, #tpu.memory_space<hbm>>) dst(%arg16 : memref<128xi32, #tpu.memory_space<vmem>>)
        %dma_start3A_305 = arith.constant 0 : i32
        %dma_start3A_306 = arith.constant 0 : i32
        %dma_start3A_307 = tpu.memref_slice %arg2[%dma_start3A_305, %dma_start3A_306] : memref<20000x64xf32, #tpu.memory_space<hbm>> -> memref<20000x64xf32, #tpu.memory_space<hbm>>
        tpu.enqueue_indirect_dma source(%dma_start3A_307 : memref<20000x64xf32, #tpu.memory_space<hbm>>) target(%arg20 : memref<128x64xf32, #tpu.memory_space<vmem>>) offsets(%arg12 : memref<128xi32, #tpu.memory_space<vmem>>) semaphore(%arg31 : memref<!tpu.dma_semaphore, #tpu.memory_space<semaphore_mem>>)
      } else {
      }
      "tpu.region"() ({
        %run_scoped3A = tpu.sem_alloc : memref<!tpu.dma_semaphore, #tpu.memory_space<semaphore_mem>>
        %dma_start3A_291 = arith.constant 0 : i32
        %dma_start3A_292 = arith.constant 0 : i32
        %dma_start3A_293 = tpu.memref_slice %arg22[%dma_start3A_291, %dma_start3A_292] : memref<10112x64xf32, #tpu.memory_space<vmem_shared>> -> memref<10112x64xf32, #tpu.memory_space<vmem_shared>>
        tpu.enqueue_indirect_dma source(%arg18 : memref<128x64xf32, #tpu.memory_space<vmem>>) target(%dma_start3A_293 : memref<10112x64xf32, #tpu.memory_space<vmem_shared>>) offsets(%arg14 : memref<128xi32, #tpu.memory_space<vmem>>) semaphore(%run_scoped3A : memref<!tpu.dma_semaphore, #tpu.memory_space<semaphore_mem>>) {add = true}
        %dma_wait3A_294 = arith.constant 0 : i32
        %dma_wait3A_295 = arith.constant 0 : i32
        %dma_wait3A_296 = tpu.memref_slice %arg22[%dma_wait3A_294, %dma_wait3A_295] : memref<10112x64xf32, #tpu.memory_space<vmem_shared>> -> memref<10112x64xf32, #tpu.memory_space<vmem_shared>>
        tpu.wait_indirect_dma semaphore(%run_scoped3A : memref<!tpu.dma_semaphore, #tpu.memory_space<semaphore_mem>>) src(%arg18 : memref<128x64xf32, #tpu.memory_space<vmem>>) dst(%dma_wait3A_296 : memref<10112x64xf32, #tpu.memory_space<vmem_shared>>)
        tpu.yield
      }) : () -> ()
      %eq3A_214 = arith.constant 0 : i32
      %eq3A_215 = arith.cmpi eq, %arg0, %eq3A_214 : i32
      %convert_element_type3A_216 = arith.extui %eq3A_215 : i1 to i32
      %cond3A_217 = arith.constant 0 : i32
      %cond3A_218 = arith.cmpi ne, %convert_element_type3A_216, %cond3A_217 : i32
      scf.if %cond3A_218 {
        %dma_start3A_291 = arith.constant 0 : i32
        %dma_start3A_292 = tpu.memref_slice %arg23[%dma_start3A_291] : memref<10112xf32, #tpu.memory_space<vmem_shared>> -> memref<10112xf32, #tpu.memory_space<vmem_shared>>
        tpu.enqueue_indirect_dma source(%arg21 : memref<128xf32, #tpu.memory_space<vmem>>) target(%dma_start3A_292 : memref<10112xf32, #tpu.memory_space<vmem_shared>>) offsets(%arg14 : memref<128xi32, #tpu.memory_space<vmem>>) semaphore(%arg32 : memref<!tpu.dma_semaphore, #tpu.memory_space<semaphore_mem>>) {add = true}
      } else {
      }
      %mul3A_219 = arith.constant 4 : i32
      %mul3A_220 = arith.muli %mul3A_219, %scan3A_150 : i32
      %add3A_221 = arith.constant 2 : i32
      %add3A_222 = arith.addi %mul3A_220, %add3A_221 : i32
      %eq3A_223 = arith.constant 0 : i32
      %eq3A_224 = arith.cmpi eq, %arg0, %eq3A_223 : i32
      %gt3A_225 = arith.constant 0 : i32
      %gt3A_226 = arith.cmpi sgt, %add3A_222, %gt3A_225 : i32
      %and3A_227 = arith.andi %eq3A_224, %gt3A_226 : i1
      %convert_element_type3A_228 = arith.extui %and3A_227 : i1 to i32
      %cond3A_229 = arith.constant 0 : i32
      %cond3A_230 = arith.cmpi ne, %convert_element_type3A_228, %cond3A_229 : i32
      scf.if %cond3A_230 {
        %dma_wait3A_291 = arith.constant 0 : i32
        %dma_wait3A_292 = tpu.memref_slice %arg23[%dma_wait3A_291] : memref<10112xf32, #tpu.memory_space<vmem_shared>> -> memref<10112xf32, #tpu.memory_space<vmem_shared>>
        tpu.wait_indirect_dma semaphore(%arg32 : memref<!tpu.dma_semaphore, #tpu.memory_space<semaphore_mem>>) src(%arg21 : memref<128xf32, #tpu.memory_space<vmem>>) dst(%dma_wait3A_292 : memref<10112xf32, #tpu.memory_space<vmem_shared>>)
      } else {
      }
      %add3A_231 = arith.constant 4 : i32
      %add3A_232 = arith.addi %add3A_222, %add3A_231 : i32
      %sub3A_233 = arith.constant 1 : i32
      %sub3A_234 = arith.subi %add3A_232, %sub3A_233 : i32
      %lt3A_235 = arith.constant 160 : i32
      %lt3A_236 = arith.cmpi slt, %sub3A_234, %lt3A_235 : i32
      %convert_element_type3A_237 = arith.extui %lt3A_236 : i1 to i32
      %cond3A_238 = arith.constant 0 : i32
      %cond3A_239 = arith.cmpi ne, %convert_element_type3A_237, %cond3A_238 : i32
      scf.if %cond3A_239 {
        %add3A_291 = arith.constant 4 : i32
        %add3A_292 = arith.addi %add3A_222, %add3A_291 : i32
        %sub3A_293 = arith.constant 1 : i32
        %sub3A_294 = arith.subi %add3A_292, %sub3A_293 : i32
        %dma_start3A_295 = arith.constant 0 : i32
        %dma_start3A_296 = tpu.memref_slice %arg3[%arg0, %arg1, %sub3A_294, %dma_start3A_295] : memref<2x16x160x128xi32, #tpu.memory_space<hbm>> -> memref<1x1x1x128xi32, #tpu.memory_space<hbm>>
        %dma_start3A_297 = tpu.memref_squeeze %dma_start3A_296 : memref<1x1x1x128xi32, #tpu.memory_space<hbm>> -> memref<128xi32, #tpu.memory_space<hbm>>
        %dma_start3A_298 = arith.constant 0 : i32
        %dma_start3A_299 = tpu.memref_slice %arg3[%arg0, %arg1, %sub3A_294, %dma_start3A_298] : memref<2x16x160x128xi32, #tpu.memory_space<hbm>> -> memref<1x1x1x128xi32, #tpu.memory_space<hbm>>
        %dma_start3A_300 = tpu.memref_squeeze %dma_start3A_299 : memref<1x1x1x128xi32, #tpu.memory_space<hbm>> -> memref<128xi32, #tpu.memory_space<hbm>>
        tpu.enqueue_dma source(%dma_start3A_300 : memref<128xi32, #tpu.memory_space<hbm>>) target(%arg10 : memref<128xi32, #tpu.memory_space<vmem>>) target_semaphore(%arg25 : memref<!tpu.dma_semaphore, #tpu.memory_space<semaphore_mem>>)
        %dma_start3A_301 = arith.constant 0 : i32
        %dma_start3A_302 = tpu.memref_slice %arg4[%arg1, %sub3A_294, %dma_start3A_301] : memref<16x160x128xi32, #tpu.memory_space<hbm>> -> memref<1x1x128xi32, #tpu.memory_space<hbm>>
        %dma_start3A_303 = tpu.memref_squeeze %dma_start3A_302 : memref<1x1x128xi32, #tpu.memory_space<hbm>> -> memref<128xi32, #tpu.memory_space<hbm>>
        %dma_start3A_304 = arith.constant 0 : i32
        %dma_start3A_305 = tpu.memref_slice %arg4[%arg1, %sub3A_294, %dma_start3A_304] : memref<16x160x128xi32, #tpu.memory_space<hbm>> -> memref<1x1x128xi32, #tpu.memory_space<hbm>>
        %dma_start3A_306 = tpu.memref_squeeze %dma_start3A_305 : memref<1x1x128xi32, #tpu.memory_space<hbm>> -> memref<128xi32, #tpu.memory_space<hbm>>
        tpu.enqueue_dma source(%dma_start3A_306 : memref<128xi32, #tpu.memory_space<hbm>>) target(%arg14 : memref<128xi32, #tpu.memory_space<vmem>>) target_semaphore(%arg25 : memref<!tpu.dma_semaphore, #tpu.memory_space<semaphore_mem>>)
      } else {
      }
      %dma_wait3A_240 = arith.constant 0 : i32
      %dma_wait3A_241 = arith.constant 0 : i32
      %dma_wait3A_242 = tpu.memref_slice %arg2[%dma_wait3A_240, %dma_wait3A_241] : memref<20000x64xf32, #tpu.memory_space<hbm>> -> memref<20000x64xf32, #tpu.memory_space<hbm>>
      tpu.wait_indirect_dma semaphore(%arg30 : memref<!tpu.dma_semaphore, #tpu.memory_space<semaphore_mem>>) src(%dma_wait3A_242 : memref<20000x64xf32, #tpu.memory_space<hbm>>) dst(%arg19 : memref<128x64xf32, #tpu.memory_space<vmem>>)
      %add3A_243 = arith.constant 2 : i32
      %add3A_244 = arith.addi %add3A_222, %add3A_243 : i32
      %lt3A_245 = arith.constant 160 : i32
      %lt3A_246 = arith.cmpi slt, %add3A_244, %lt3A_245 : i32
      %convert_element_type3A_247 = arith.extui %lt3A_246 : i1 to i32
      %cond3A_248 = arith.constant 0 : i32
      %cond3A_249 = arith.cmpi ne, %convert_element_type3A_247, %cond3A_248 : i32
      scf.if %cond3A_249 {
        %add3A_291 = arith.constant 2 : i32
        %add3A_292 = arith.addi %add3A_222, %add3A_291 : i32
        %dma_wait3A_293 = arith.constant 0 : i32
        %dma_wait3A_294 = tpu.memref_slice %arg3[%arg0, %arg1, %add3A_292, %dma_wait3A_293] : memref<2x16x160x128xi32, #tpu.memory_space<hbm>> -> memref<1x1x1x128xi32, #tpu.memory_space<hbm>>
        %dma_wait3A_295 = tpu.memref_squeeze %dma_wait3A_294 : memref<1x1x1x128xi32, #tpu.memory_space<hbm>> -> memref<128xi32, #tpu.memory_space<hbm>>
        %dma_wait3A_296 = arith.constant 0 : i32
        %dma_wait3A_297 = tpu.memref_slice %arg3[%arg0, %arg1, %add3A_292, %dma_wait3A_296] : memref<2x16x160x128xi32, #tpu.memory_space<hbm>> -> memref<1x1x1x128xi32, #tpu.memory_space<hbm>>
        %dma_wait3A_298 = tpu.memref_squeeze %dma_wait3A_297 : memref<1x1x1x128xi32, #tpu.memory_space<hbm>> -> memref<128xi32, #tpu.memory_space<hbm>>
        tpu.wait_dma2 semaphore(%arg24 : memref<!tpu.dma_semaphore, #tpu.memory_space<semaphore_mem>>) src(%dma_wait3A_298 : memref<128xi32, #tpu.memory_space<hbm>>) dst(%arg9 : memref<128xi32, #tpu.memory_space<vmem>>)
        %dma_wait3A_299 = arith.constant 0 : i32
        %dma_wait3A_300 = tpu.memref_slice %arg4[%arg1, %add3A_292, %dma_wait3A_299] : memref<16x160x128xi32, #tpu.memory_space<hbm>> -> memref<1x1x128xi32, #tpu.memory_space<hbm>>
        %dma_wait3A_301 = tpu.memref_squeeze %dma_wait3A_300 : memref<1x1x128xi32, #tpu.memory_space<hbm>> -> memref<128xi32, #tpu.memory_space<hbm>>
        %dma_wait3A_302 = arith.constant 0 : i32
        %dma_wait3A_303 = tpu.memref_slice %arg4[%arg1, %add3A_292, %dma_wait3A_302] : memref<16x160x128xi32, #tpu.memory_space<hbm>> -> memref<1x1x128xi32, #tpu.memory_space<hbm>>
        %dma_wait3A_304 = tpu.memref_squeeze %dma_wait3A_303 : memref<1x1x128xi32, #tpu.memory_space<hbm>> -> memref<128xi32, #tpu.memory_space<hbm>>
        tpu.wait_dma2 semaphore(%arg24 : memref<!tpu.dma_semaphore, #tpu.memory_space<semaphore_mem>>) src(%dma_wait3A_304 : memref<128xi32, #tpu.memory_space<hbm>>) dst(%arg13 : memref<128xi32, #tpu.memory_space<vmem>>)
        %dma_start3A_305 = arith.constant 0 : i32
        %dma_start3A_306 = arith.constant 0 : i32
        %dma_start3A_307 = tpu.memref_slice %arg2[%dma_start3A_305, %dma_start3A_306] : memref<20000x64xf32, #tpu.memory_space<hbm>> -> memref<20000x64xf32, #tpu.memory_space<hbm>>
        tpu.enqueue_indirect_dma source(%dma_start3A_307 : memref<20000x64xf32, #tpu.memory_space<hbm>>) target(%arg17 : memref<128x64xf32, #tpu.memory_space<vmem>>) offsets(%arg9 : memref<128xi32, #tpu.memory_space<vmem>>) semaphore(%arg28 : memref<!tpu.dma_semaphore, #tpu.memory_space<semaphore_mem>>)
      } else {
      }
      "tpu.region"() ({
        %run_scoped3A = tpu.sem_alloc : memref<!tpu.dma_semaphore, #tpu.memory_space<semaphore_mem>>
        %dma_start3A_291 = arith.constant 0 : i32
        %dma_start3A_292 = arith.constant 0 : i32
        %dma_start3A_293 = tpu.memref_slice %arg22[%dma_start3A_291, %dma_start3A_292] : memref<10112x64xf32, #tpu.memory_space<vmem_shared>> -> memref<10112x64xf32, #tpu.memory_space<vmem_shared>>
        tpu.enqueue_indirect_dma source(%arg19 : memref<128x64xf32, #tpu.memory_space<vmem>>) target(%dma_start3A_293 : memref<10112x64xf32, #tpu.memory_space<vmem_shared>>) offsets(%arg15 : memref<128xi32, #tpu.memory_space<vmem>>) semaphore(%run_scoped3A : memref<!tpu.dma_semaphore, #tpu.memory_space<semaphore_mem>>) {add = true}
        %dma_wait3A_294 = arith.constant 0 : i32
        %dma_wait3A_295 = arith.constant 0 : i32
        %dma_wait3A_296 = tpu.memref_slice %arg22[%dma_wait3A_294, %dma_wait3A_295] : memref<10112x64xf32, #tpu.memory_space<vmem_shared>> -> memref<10112x64xf32, #tpu.memory_space<vmem_shared>>
        tpu.wait_indirect_dma semaphore(%run_scoped3A : memref<!tpu.dma_semaphore, #tpu.memory_space<semaphore_mem>>) src(%arg19 : memref<128x64xf32, #tpu.memory_space<vmem>>) dst(%dma_wait3A_296 : memref<10112x64xf32, #tpu.memory_space<vmem_shared>>)
        tpu.yield
      }) : () -> ()
      %eq3A_250 = arith.constant 0 : i32
      %eq3A_251 = arith.cmpi eq, %arg0, %eq3A_250 : i32
      %convert_element_type3A_252 = arith.extui %eq3A_251 : i1 to i32
      %cond3A_253 = arith.constant 0 : i32
      %cond3A_254 = arith.cmpi ne, %convert_element_type3A_252, %cond3A_253 : i32
      scf.if %cond3A_254 {
        %dma_start3A_291 = arith.constant 0 : i32
        %dma_start3A_292 = tpu.memref_slice %arg23[%dma_start3A_291] : memref<10112xf32, #tpu.memory_space<vmem_shared>> -> memref<10112xf32, #tpu.memory_space<vmem_shared>>
        tpu.enqueue_indirect_dma source(%arg21 : memref<128xf32, #tpu.memory_space<vmem>>) target(%dma_start3A_292 : memref<10112xf32, #tpu.memory_space<vmem_shared>>) offsets(%arg15 : memref<128xi32, #tpu.memory_space<vmem>>) semaphore(%arg32 : memref<!tpu.dma_semaphore, #tpu.memory_space<semaphore_mem>>) {add = true}
      } else {
      }
      %mul3A_255 = arith.constant 4 : i32
      %mul3A_256 = arith.muli %mul3A_255, %scan3A_150 : i32
      %add3A_257 = arith.constant 3 : i32
      %add3A_258 = arith.addi %mul3A_256, %add3A_257 : i32
      %eq3A_259 = arith.constant 0 : i32
      %eq3A_260 = arith.cmpi eq, %arg0, %eq3A_259 : i32
      %gt3A_261 = arith.constant 0 : i32
      %gt3A_262 = arith.cmpi sgt, %add3A_258, %gt3A_261 : i32
      %and3A_263 = arith.andi %eq3A_260, %gt3A_262 : i1
      %convert_element_type3A_264 = arith.extui %and3A_263 : i1 to i32
      %cond3A_265 = arith.constant 0 : i32
      %cond3A_266 = arith.cmpi ne, %convert_element_type3A_264, %cond3A_265 : i32
      scf.if %cond3A_266 {
        %dma_wait3A_291 = arith.constant 0 : i32
        %dma_wait3A_292 = tpu.memref_slice %arg23[%dma_wait3A_291] : memref<10112xf32, #tpu.memory_space<vmem_shared>> -> memref<10112xf32, #tpu.memory_space<vmem_shared>>
        tpu.wait_indirect_dma semaphore(%arg32 : memref<!tpu.dma_semaphore, #tpu.memory_space<semaphore_mem>>) src(%arg21 : memref<128xf32, #tpu.memory_space<vmem>>) dst(%dma_wait3A_292 : memref<10112xf32, #tpu.memory_space<vmem_shared>>)
      } else {
      }
      %add3A_267 = arith.constant 4 : i32
      %add3A_268 = arith.addi %add3A_258, %add3A_267 : i32
      %sub3A_269 = arith.constant 1 : i32
      %sub3A_270 = arith.subi %add3A_268, %sub3A_269 : i32
      %lt3A_271 = arith.constant 160 : i32
      %lt3A_272 = arith.cmpi slt, %sub3A_270, %lt3A_271 : i32
      %convert_element_type3A_273 = arith.extui %lt3A_272 : i1 to i32
      %cond3A_274 = arith.constant 0 : i32
      %cond3A_275 = arith.cmpi ne, %convert_element_type3A_273, %cond3A_274 : i32
      scf.if %cond3A_275 {
        %add3A_291 = arith.constant 4 : i32
        %add3A_292 = arith.addi %add3A_258, %add3A_291 : i32
        %sub3A_293 = arith.constant 1 : i32
        %sub3A_294 = arith.subi %add3A_292, %sub3A_293 : i32
        %dma_start3A_295 = arith.constant 0 : i32
        %dma_start3A_296 = tpu.memref_slice %arg3[%arg0, %arg1, %sub3A_294, %dma_start3A_295] : memref<2x16x160x128xi32, #tpu.memory_space<hbm>> -> memref<1x1x1x128xi32, #tpu.memory_space<hbm>>
        %dma_start3A_297 = tpu.memref_squeeze %dma_start3A_296 : memref<1x1x1x128xi32, #tpu.memory_space<hbm>> -> memref<128xi32, #tpu.memory_space<hbm>>
        %dma_start3A_298 = arith.constant 0 : i32
        %dma_start3A_299 = tpu.memref_slice %arg3[%arg0, %arg1, %sub3A_294, %dma_start3A_298] : memref<2x16x160x128xi32, #tpu.memory_space<hbm>> -> memref<1x1x1x128xi32, #tpu.memory_space<hbm>>
        %dma_start3A_300 = tpu.memref_squeeze %dma_start3A_299 : memref<1x1x1x128xi32, #tpu.memory_space<hbm>> -> memref<128xi32, #tpu.memory_space<hbm>>
        tpu.enqueue_dma source(%dma_start3A_300 : memref<128xi32, #tpu.memory_space<hbm>>) target(%arg11 : memref<128xi32, #tpu.memory_space<vmem>>) target_semaphore(%arg26 : memref<!tpu.dma_semaphore, #tpu.memory_space<semaphore_mem>>)
        %dma_start3A_301 = arith.constant 0 : i32
        %dma_start3A_302 = tpu.memref_slice %arg4[%arg1, %sub3A_294, %dma_start3A_301] : memref<16x160x128xi32, #tpu.memory_space<hbm>> -> memref<1x1x128xi32, #tpu.memory_space<hbm>>
        %dma_start3A_303 = tpu.memref_squeeze %dma_start3A_302 : memref<1x1x128xi32, #tpu.memory_space<hbm>> -> memref<128xi32, #tpu.memory_space<hbm>>
        %dma_start3A_304 = arith.constant 0 : i32
        %dma_start3A_305 = tpu.memref_slice %arg4[%arg1, %sub3A_294, %dma_start3A_304] : memref<16x160x128xi32, #tpu.memory_space<hbm>> -> memref<1x1x128xi32, #tpu.memory_space<hbm>>
        %dma_start3A_306 = tpu.memref_squeeze %dma_start3A_305 : memref<1x1x128xi32, #tpu.memory_space<hbm>> -> memref<128xi32, #tpu.memory_space<hbm>>
        tpu.enqueue_dma source(%dma_start3A_306 : memref<128xi32, #tpu.memory_space<hbm>>) target(%arg15 : memref<128xi32, #tpu.memory_space<vmem>>) target_semaphore(%arg26 : memref<!tpu.dma_semaphore, #tpu.memory_space<semaphore_mem>>)
      } else {
      }
      %dma_wait3A_276 = arith.constant 0 : i32
      %dma_wait3A_277 = arith.constant 0 : i32
      %dma_wait3A_278 = tpu.memref_slice %arg2[%dma_wait3A_276, %dma_wait3A_277] : memref<20000x64xf32, #tpu.memory_space<hbm>> -> memref<20000x64xf32, #tpu.memory_space<hbm>>
      tpu.wait_indirect_dma semaphore(%arg31 : memref<!tpu.dma_semaphore, #tpu.memory_space<semaphore_mem>>) src(%dma_wait3A_278 : memref<20000x64xf32, #tpu.memory_space<hbm>>) dst(%arg20 : memref<128x64xf32, #tpu.memory_space<vmem>>)
      %add3A_279 = arith.constant 2 : i32
      %add3A_280 = arith.addi %add3A_258, %add3A_279 : i32
      %lt3A_281 = arith.constant 160 : i32
      %lt3A_282 = arith.cmpi slt, %add3A_280, %lt3A_281 : i32
      %convert_element_type3A_283 = arith.extui %lt3A_282 : i1 to i32
      %cond3A_284 = arith.constant 0 : i32
      %cond3A_285 = arith.cmpi ne, %convert_element_type3A_283, %cond3A_284 : i32
      scf.if %cond3A_285 {
        %add3A_291 = arith.constant 2 : i32
        %add3A_292 = arith.addi %add3A_258, %add3A_291 : i32
        %dma_wait3A_293 = arith.constant 0 : i32
        %dma_wait3A_294 = tpu.memref_slice %arg3[%arg0, %arg1, %add3A_292, %dma_wait3A_293] : memref<2x16x160x128xi32, #tpu.memory_space<hbm>> -> memref<1x1x1x128xi32, #tpu.memory_space<hbm>>
        %dma_wait3A_295 = tpu.memref_squeeze %dma_wait3A_294 : memref<1x1x1x128xi32, #tpu.memory_space<hbm>> -> memref<128xi32, #tpu.memory_space<hbm>>
        %dma_wait3A_296 = arith.constant 0 : i32
        %dma_wait3A_297 = tpu.memref_slice %arg3[%arg0, %arg1, %add3A_292, %dma_wait3A_296] : memref<2x16x160x128xi32, #tpu.memory_space<hbm>> -> memref<1x1x1x128xi32, #tpu.memory_space<hbm>>
        %dma_wait3A_298 = tpu.memref_squeeze %dma_wait3A_297 : memref<1x1x1x128xi32, #tpu.memory_space<hbm>> -> memref<128xi32, #tpu.memory_space<hbm>>
        tpu.wait_dma2 semaphore(%arg25 : memref<!tpu.dma_semaphore, #tpu.memory_space<semaphore_mem>>) src(%dma_wait3A_298 : memref<128xi32, #tpu.memory_space<hbm>>) dst(%arg10 : memref<128xi32, #tpu.memory_space<vmem>>)
        %dma_wait3A_299 = arith.constant 0 : i32
        %dma_wait3A_300 = tpu.memref_slice %arg4[%arg1, %add3A_292, %dma_wait3A_299] : memref<16x160x128xi32, #tpu.memory_space<hbm>> -> memref<1x1x128xi32, #tpu.memory_space<hbm>>
        %dma_wait3A_301 = tpu.memref_squeeze %dma_wait3A_300 : memref<1x1x128xi32, #tpu.memory_space<hbm>> -> memref<128xi32, #tpu.memory_space<hbm>>
        %dma_wait3A_302 = arith.constant 0 : i32
        %dma_wait3A_303 = tpu.memref_slice %arg4[%arg1, %add3A_292, %dma_wait3A_302] : memref<16x160x128xi32, #tpu.memory_space<hbm>> -> memref<1x1x128xi32, #tpu.memory_space<hbm>>
        %dma_wait3A_304 = tpu.memref_squeeze %dma_wait3A_303 : memref<1x1x128xi32, #tpu.memory_space<hbm>> -> memref<128xi32, #tpu.memory_space<hbm>>
        tpu.wait_dma2 semaphore(%arg25 : memref<!tpu.dma_semaphore, #tpu.memory_space<semaphore_mem>>) src(%dma_wait3A_304 : memref<128xi32, #tpu.memory_space<hbm>>) dst(%arg14 : memref<128xi32, #tpu.memory_space<vmem>>)
        %dma_start3A_305 = arith.constant 0 : i32
        %dma_start3A_306 = arith.constant 0 : i32
        %dma_start3A_307 = tpu.memref_slice %arg2[%dma_start3A_305, %dma_start3A_306] : memref<20000x64xf32, #tpu.memory_space<hbm>> -> memref<20000x64xf32, #tpu.memory_space<hbm>>
        tpu.enqueue_indirect_dma source(%dma_start3A_307 : memref<20000x64xf32, #tpu.memory_space<hbm>>) target(%arg18 : memref<128x64xf32, #tpu.memory_space<vmem>>) offsets(%arg10 : memref<128xi32, #tpu.memory_space<vmem>>) semaphore(%arg29 : memref<!tpu.dma_semaphore, #tpu.memory_space<semaphore_mem>>)
      } else {
      }
      "tpu.region"() ({
        %run_scoped3A = tpu.sem_alloc : memref<!tpu.dma_semaphore, #tpu.memory_space<semaphore_mem>>
        %dma_start3A_291 = arith.constant 0 : i32
        %dma_start3A_292 = arith.constant 0 : i32
        %dma_start3A_293 = tpu.memref_slice %arg22[%dma_start3A_291, %dma_start3A_292] : memref<10112x64xf32, #tpu.memory_space<vmem_shared>> -> memref<10112x64xf32, #tpu.memory_space<vmem_shared>>
        tpu.enqueue_indirect_dma source(%arg20 : memref<128x64xf32, #tpu.memory_space<vmem>>) target(%dma_start3A_293 : memref<10112x64xf32, #tpu.memory_space<vmem_shared>>) offsets(%arg16 : memref<128xi32, #tpu.memory_space<vmem>>) semaphore(%run_scoped3A : memref<!tpu.dma_semaphore, #tpu.memory_space<semaphore_mem>>) {add = true}
        %dma_wait3A_294 = arith.constant 0 : i32
        %dma_wait3A_295 = arith.constant 0 : i32
        %dma_wait3A_296 = tpu.memref_slice %arg22[%dma_wait3A_294, %dma_wait3A_295] : memref<10112x64xf32, #tpu.memory_space<vmem_shared>> -> memref<10112x64xf32, #tpu.memory_space<vmem_shared>>
        tpu.wait_indirect_dma semaphore(%run_scoped3A : memref<!tpu.dma_semaphore, #tpu.memory_space<semaphore_mem>>) src(%arg20 : memref<128x64xf32, #tpu.memory_space<vmem>>) dst(%dma_wait3A_296 : memref<10112x64xf32, #tpu.memory_space<vmem_shared>>)
        tpu.yield
      }) : () -> ()
      %eq3A_286 = arith.constant 0 : i32
      %eq3A_287 = arith.cmpi eq, %arg0, %eq3A_286 : i32
      %convert_element_type3A_288 = arith.extui %eq3A_287 : i1 to i32
      %cond3A_289 = arith.constant 0 : i32
      %cond3A_290 = arith.cmpi ne, %convert_element_type3A_288, %cond3A_289 : i32
      scf.if %cond3A_290 {
        %dma_start3A_291 = arith.constant 0 : i32
        %dma_start3A_292 = tpu.memref_slice %arg23[%dma_start3A_291] : memref<10112xf32, #tpu.memory_space<vmem_shared>> -> memref<10112xf32, #tpu.memory_space<vmem_shared>>
        tpu.enqueue_indirect_dma source(%arg21 : memref<128xf32, #tpu.memory_space<vmem>>) target(%dma_start3A_292 : memref<10112xf32, #tpu.memory_space<vmem_shared>>) offsets(%arg16 : memref<128xi32, #tpu.memory_space<vmem>>) semaphore(%arg32 : memref<!tpu.dma_semaphore, #tpu.memory_space<semaphore_mem>>) {add = true}
      } else {
      }
    }
    %scan3A_109 = arith.constant 40 : i32
    %eq3A = arith.constant 0 : i32
    %eq3A_110 = arith.cmpi eq, %arg0, %eq3A : i32
    %convert_element_type3A_111 = arith.extui %eq3A_110 : i1 to i32
    %cond3A_112 = arith.constant 0 : i32
    %cond3A_113 = arith.cmpi ne, %convert_element_type3A_111, %cond3A_112 : i32
    scf.if %cond3A_113 {
      %dma_wait3A_150 = arith.constant 0 : i32
      %dma_wait3A_151 = tpu.memref_slice %arg23[%dma_wait3A_150] : memref<10112xf32, #tpu.memory_space<vmem_shared>> -> memref<10112xf32, #tpu.memory_space<vmem_shared>>
      tpu.wait_indirect_dma semaphore(%arg32 : memref<!tpu.dma_semaphore, #tpu.memory_space<semaphore_mem>>) src(%arg21 : memref<128xf32, #tpu.memory_space<vmem>>) dst(%dma_wait3A_151 : memref<10112xf32, #tpu.memory_space<vmem_shared>>)
    } else {
    }
    %barrier3A_114 = arith.constant 0 : index
    tpu.barrier barrier_id(%barrier3A_114)
    %add3A_115 = arith.constant 0 : i32
    %add3A_116 = arith.addi %add3A_115, %arg1 : i32
    %lt3A_117 = arith.constant 79 : i32
    %lt3A_118 = arith.cmpi slt, %add3A_116, %lt3A_117 : i32
    %convert_element_type3A_119 = arith.extui %lt3A_118 : i1 to i32
    %cond3A_120 = arith.constant 0 : i32
    %cond3A_121 = arith.cmpi ne, %convert_element_type3A_119, %cond3A_120 : i32
    scf.if %cond3A_121 {
      %mul3A = arith.constant 128 : i32
      %mul3A_150 = arith.muli %add3A_116, %mul3A : i32
      %mul3A_151 = arith.constant 128 : i32
      %mul3A_152 = arith.muli %add3A_116, %mul3A_151 : i32
      "tpu.region"() ({
        %run_scoped3A = tpu.sem_alloc : memref<!tpu.dma_semaphore, #tpu.memory_space<semaphore_mem>>
        %dma_start3A_158 = arith.constant 0 : i32
        %dma_start3A_159 = tpu.memref_slice %arg7[%arg0, %mul3A_152, %dma_start3A_158] : memref<2x10112x64xf32, #tpu.memory_space<hbm>> -> memref<1x128x64xf32, #tpu.memory_space<hbm>>
        %dma_start3A_160 = tpu.memref_squeeze %dma_start3A_159 : memref<1x128x64xf32, #tpu.memory_space<hbm>> -> memref<128x64xf32, #tpu.memory_space<hbm>>
        %dma_start3A_161 = arith.constant 0 : i32
        %dma_start3A_162 = tpu.memref_slice %arg22[%mul3A_150, %dma_start3A_161] : memref<10112x64xf32, #tpu.memory_space<vmem_shared>> -> memref<128x64xf32, #tpu.memory_space<vmem_shared>>
        tpu.enqueue_dma source(%dma_start3A_162 : memref<128x64xf32, #tpu.memory_space<vmem_shared>>) target(%dma_start3A_160 : memref<128x64xf32, #tpu.memory_space<hbm>>) target_semaphore(%run_scoped3A : memref<!tpu.dma_semaphore, #tpu.memory_space<semaphore_mem>>)
        %dma_wait3A_163 = arith.constant 0 : i32
        %dma_wait3A_164 = tpu.memref_slice %arg7[%arg0, %mul3A_152, %dma_wait3A_163] : memref<2x10112x64xf32, #tpu.memory_space<hbm>> -> memref<1x128x64xf32, #tpu.memory_space<hbm>>
        %dma_wait3A_165 = tpu.memref_squeeze %dma_wait3A_164 : memref<1x128x64xf32, #tpu.memory_space<hbm>> -> memref<128x64xf32, #tpu.memory_space<hbm>>
        %dma_wait3A_166 = arith.constant 0 : i32
        %dma_wait3A_167 = tpu.memref_slice %arg22[%mul3A_150, %dma_wait3A_166] : memref<10112x64xf32, #tpu.memory_space<vmem_shared>> -> memref<128x64xf32, #tpu.memory_space<vmem_shared>>
        tpu.wait_dma2 semaphore(%run_scoped3A : memref<!tpu.dma_semaphore, #tpu.memory_space<semaphore_mem>>) src(%dma_wait3A_167 : memref<128x64xf32, #tpu.memory_space<vmem_shared>>) dst(%dma_wait3A_165 : memref<128x64xf32, #tpu.memory_space<hbm>>)
        tpu.yield
      }) : () -> ()
      %eq3A_153 = arith.constant 0 : i32
      %eq3A_154 = arith.cmpi eq, %arg0, %eq3A_153 : i32
      %convert_element_type3A_155 = arith.extui %eq3A_154 : i1 to i32
      %cond3A_156 = arith.constant 0 : i32
      %cond3A_157 = arith.cmpi ne, %convert_element_type3A_155, %cond3A_156 : i32
      scf.if %cond3A_157 {
        %mul3A_158 = arith.constant 128 : i32
        %mul3A_159 = arith.muli %add3A_116, %mul3A_158 : i32
        %mul3A_160 = arith.constant 128 : i32
        %mul3A_161 = arith.muli %add3A_116, %mul3A_160 : i32
        "tpu.region"() ({
          %run_scoped3A = tpu.sem_alloc : memref<!tpu.dma_semaphore, #tpu.memory_space<semaphore_mem>>
          %dma_start3A_162 = tpu.memref_slice %arg8[%mul3A_161] : memref<10112xf32, #tpu.memory_space<hbm>> -> memref<128xf32, #tpu.memory_space<hbm>>
          %dma_start3A_163 = tpu.memref_slice %arg23[%mul3A_159] : memref<10112xf32, #tpu.memory_space<vmem_shared>> -> memref<128xf32, #tpu.memory_space<vmem_shared>>
          tpu.enqueue_dma source(%dma_start3A_163 : memref<128xf32, #tpu.memory_space<vmem_shared>>) target(%dma_start3A_162 : memref<128xf32, #tpu.memory_space<hbm>>) target_semaphore(%run_scoped3A : memref<!tpu.dma_semaphore, #tpu.memory_space<semaphore_mem>>)
          %dma_wait3A_164 = tpu.memref_slice %arg8[%mul3A_161] : memref<10112xf32, #tpu.memory_space<hbm>> -> memref<128xf32, #tpu.memory_space<hbm>>
          %dma_wait3A_165 = tpu.memref_slice %arg23[%mul3A_159] : memref<10112xf32, #tpu.memory_space<vmem_shared>> -> memref<128xf32, #tpu.memory_space<vmem_shared>>
          tpu.wait_dma2 semaphore(%run_scoped3A : memref<!tpu.dma_semaphore, #tpu.memory_space<semaphore_mem>>) src(%dma_wait3A_165 : memref<128xf32, #tpu.memory_space<vmem_shared>>) dst(%dma_wait3A_164 : memref<128xf32, #tpu.memory_space<hbm>>)
          tpu.yield
        }) : () -> ()
      } else {
      }
    } else {
    }
    %add3A_122 = arith.constant 16 : i32
    %add3A_123 = arith.addi %add3A_122, %arg1 : i32
    %lt3A_124 = arith.constant 79 : i32
    %lt3A_125 = arith.cmpi slt, %add3A_123, %lt3A_124 : i32
    %convert_element_type3A_126 = arith.extui %lt3A_125 : i1 to i32
    %cond3A_127 = arith.constant 0 : i32
    %cond3A_128 = arith.cmpi ne, %convert_element_type3A_126, %cond3A_127 : i32
    scf.if %cond3A_128 {
      %mul3A = arith.constant 128 : i32
      %mul3A_150 = arith.muli %add3A_123, %mul3A : i32
      %mul3A_151 = arith.constant 128 : i32
      %mul3A_152 = arith.muli %add3A_123, %mul3A_151 : i32
      "tpu.region"() ({
        %run_scoped3A = tpu.sem_alloc : memref<!tpu.dma_semaphore, #tpu.memory_space<semaphore_mem>>
        %dma_start3A_158 = arith.constant 0 : i32
        %dma_start3A_159 = tpu.memref_slice %arg7[%arg0, %mul3A_152, %dma_start3A_158] : memref<2x10112x64xf32, #tpu.memory_space<hbm>> -> memref<1x128x64xf32, #tpu.memory_space<hbm>>
        %dma_start3A_160 = tpu.memref_squeeze %dma_start3A_159 : memref<1x128x64xf32, #tpu.memory_space<hbm>> -> memref<128x64xf32, #tpu.memory_space<hbm>>
        %dma_start3A_161 = arith.constant 0 : i32
        %dma_start3A_162 = tpu.memref_slice %arg22[%mul3A_150, %dma_start3A_161] : memref<10112x64xf32, #tpu.memory_space<vmem_shared>> -> memref<128x64xf32, #tpu.memory_space<vmem_shared>>
        tpu.enqueue_dma source(%dma_start3A_162 : memref<128x64xf32, #tpu.memory_space<vmem_shared>>) target(%dma_start3A_160 : memref<128x64xf32, #tpu.memory_space<hbm>>) target_semaphore(%run_scoped3A : memref<!tpu.dma_semaphore, #tpu.memory_space<semaphore_mem>>)
        %dma_wait3A_163 = arith.constant 0 : i32
        %dma_wait3A_164 = tpu.memref_slice %arg7[%arg0, %mul3A_152, %dma_wait3A_163] : memref<2x10112x64xf32, #tpu.memory_space<hbm>> -> memref<1x128x64xf32, #tpu.memory_space<hbm>>
        %dma_wait3A_165 = tpu.memref_squeeze %dma_wait3A_164 : memref<1x128x64xf32, #tpu.memory_space<hbm>> -> memref<128x64xf32, #tpu.memory_space<hbm>>
        %dma_wait3A_166 = arith.constant 0 : i32
        %dma_wait3A_167 = tpu.memref_slice %arg22[%mul3A_150, %dma_wait3A_166] : memref<10112x64xf32, #tpu.memory_space<vmem_shared>> -> memref<128x64xf32, #tpu.memory_space<vmem_shared>>
        tpu.wait_dma2 semaphore(%run_scoped3A : memref<!tpu.dma_semaphore, #tpu.memory_space<semaphore_mem>>) src(%dma_wait3A_167 : memref<128x64xf32, #tpu.memory_space<vmem_shared>>) dst(%dma_wait3A_165 : memref<128x64xf32, #tpu.memory_space<hbm>>)
        tpu.yield
      }) : () -> ()
      %eq3A_153 = arith.constant 0 : i32
      %eq3A_154 = arith.cmpi eq, %arg0, %eq3A_153 : i32
      %convert_element_type3A_155 = arith.extui %eq3A_154 : i1 to i32
      %cond3A_156 = arith.constant 0 : i32
      %cond3A_157 = arith.cmpi ne, %convert_element_type3A_155, %cond3A_156 : i32
      scf.if %cond3A_157 {
        %mul3A_158 = arith.constant 128 : i32
        %mul3A_159 = arith.muli %add3A_123, %mul3A_158 : i32
        %mul3A_160 = arith.constant 128 : i32
        %mul3A_161 = arith.muli %add3A_123, %mul3A_160 : i32
        "tpu.region"() ({
          %run_scoped3A = tpu.sem_alloc : memref<!tpu.dma_semaphore, #tpu.memory_space<semaphore_mem>>
          %dma_start3A_162 = tpu.memref_slice %arg8[%mul3A_161] : memref<10112xf32, #tpu.memory_space<hbm>> -> memref<128xf32, #tpu.memory_space<hbm>>
          %dma_start3A_163 = tpu.memref_slice %arg23[%mul3A_159] : memref<10112xf32, #tpu.memory_space<vmem_shared>> -> memref<128xf32, #tpu.memory_space<vmem_shared>>
          tpu.enqueue_dma source(%dma_start3A_163 : memref<128xf32, #tpu.memory_space<vmem_shared>>) target(%dma_start3A_162 : memref<128xf32, #tpu.memory_space<hbm>>) target_semaphore(%run_scoped3A : memref<!tpu.dma_semaphore, #tpu.memory_space<semaphore_mem>>)
          %dma_wait3A_164 = tpu.memref_slice %arg8[%mul3A_161] : memref<10112xf32, #tpu.memory_space<hbm>> -> memref<128xf32, #tpu.memory_space<hbm>>
          %dma_wait3A_165 = tpu.memref_slice %arg23[%mul3A_159] : memref<10112xf32, #tpu.memory_space<vmem_shared>> -> memref<128xf32, #tpu.memory_space<vmem_shared>>
          tpu.wait_dma2 semaphore(%run_scoped3A : memref<!tpu.dma_semaphore, #tpu.memory_space<semaphore_mem>>) src(%dma_wait3A_165 : memref<128xf32, #tpu.memory_space<vmem_shared>>) dst(%dma_wait3A_164 : memref<128xf32, #tpu.memory_space<hbm>>)
          tpu.yield
        }) : () -> ()
      } else {
      }
    } else {
    }
    %add3A_129 = arith.constant 32 : i32
    %add3A_130 = arith.addi %add3A_129, %arg1 : i32
    %lt3A_131 = arith.constant 79 : i32
    %lt3A_132 = arith.cmpi slt, %add3A_130, %lt3A_131 : i32
    %convert_element_type3A_133 = arith.extui %lt3A_132 : i1 to i32
    %cond3A_134 = arith.constant 0 : i32
    %cond3A_135 = arith.cmpi ne, %convert_element_type3A_133, %cond3A_134 : i32
    scf.if %cond3A_135 {
      %mul3A = arith.constant 128 : i32
      %mul3A_150 = arith.muli %add3A_130, %mul3A : i32
      %mul3A_151 = arith.constant 128 : i32
      %mul3A_152 = arith.muli %add3A_130, %mul3A_151 : i32
      "tpu.region"() ({
        %run_scoped3A = tpu.sem_alloc : memref<!tpu.dma_semaphore, #tpu.memory_space<semaphore_mem>>
        %dma_start3A_158 = arith.constant 0 : i32
        %dma_start3A_159 = tpu.memref_slice %arg7[%arg0, %mul3A_152, %dma_start3A_158] : memref<2x10112x64xf32, #tpu.memory_space<hbm>> -> memref<1x128x64xf32, #tpu.memory_space<hbm>>
        %dma_start3A_160 = tpu.memref_squeeze %dma_start3A_159 : memref<1x128x64xf32, #tpu.memory_space<hbm>> -> memref<128x64xf32, #tpu.memory_space<hbm>>
        %dma_start3A_161 = arith.constant 0 : i32
        %dma_start3A_162 = tpu.memref_slice %arg22[%mul3A_150, %dma_start3A_161] : memref<10112x64xf32, #tpu.memory_space<vmem_shared>> -> memref<128x64xf32, #tpu.memory_space<vmem_shared>>
        tpu.enqueue_dma source(%dma_start3A_162 : memref<128x64xf32, #tpu.memory_space<vmem_shared>>) target(%dma_start3A_160 : memref<128x64xf32, #tpu.memory_space<hbm>>) target_semaphore(%run_scoped3A : memref<!tpu.dma_semaphore, #tpu.memory_space<semaphore_mem>>)
        %dma_wait3A_163 = arith.constant 0 : i32
        %dma_wait3A_164 = tpu.memref_slice %arg7[%arg0, %mul3A_152, %dma_wait3A_163] : memref<2x10112x64xf32, #tpu.memory_space<hbm>> -> memref<1x128x64xf32, #tpu.memory_space<hbm>>
        %dma_wait3A_165 = tpu.memref_squeeze %dma_wait3A_164 : memref<1x128x64xf32, #tpu.memory_space<hbm>> -> memref<128x64xf32, #tpu.memory_space<hbm>>
        %dma_wait3A_166 = arith.constant 0 : i32
        %dma_wait3A_167 = tpu.memref_slice %arg22[%mul3A_150, %dma_wait3A_166] : memref<10112x64xf32, #tpu.memory_space<vmem_shared>> -> memref<128x64xf32, #tpu.memory_space<vmem_shared>>
        tpu.wait_dma2 semaphore(%run_scoped3A : memref<!tpu.dma_semaphore, #tpu.memory_space<semaphore_mem>>) src(%dma_wait3A_167 : memref<128x64xf32, #tpu.memory_space<vmem_shared>>) dst(%dma_wait3A_165 : memref<128x64xf32, #tpu.memory_space<hbm>>)
        tpu.yield
      }) : () -> ()
      %eq3A_153 = arith.constant 0 : i32
      %eq3A_154 = arith.cmpi eq, %arg0, %eq3A_153 : i32
      %convert_element_type3A_155 = arith.extui %eq3A_154 : i1 to i32
      %cond3A_156 = arith.constant 0 : i32
      %cond3A_157 = arith.cmpi ne, %convert_element_type3A_155, %cond3A_156 : i32
      scf.if %cond3A_157 {
        %mul3A_158 = arith.constant 128 : i32
        %mul3A_159 = arith.muli %add3A_130, %mul3A_158 : i32
        %mul3A_160 = arith.constant 128 : i32
        %mul3A_161 = arith.muli %add3A_130, %mul3A_160 : i32
        "tpu.region"() ({
          %run_scoped3A = tpu.sem_alloc : memref<!tpu.dma_semaphore, #tpu.memory_space<semaphore_mem>>
          %dma_start3A_162 = tpu.memref_slice %arg8[%mul3A_161] : memref<10112xf32, #tpu.memory_space<hbm>> -> memref<128xf32, #tpu.memory_space<hbm>>
          %dma_start3A_163 = tpu.memref_slice %arg23[%mul3A_159] : memref<10112xf32, #tpu.memory_space<vmem_shared>> -> memref<128xf32, #tpu.memory_space<vmem_shared>>
          tpu.enqueue_dma source(%dma_start3A_163 : memref<128xf32, #tpu.memory_space<vmem_shared>>) target(%dma_start3A_162 : memref<128xf32, #tpu.memory_space<hbm>>) target_semaphore(%run_scoped3A : memref<!tpu.dma_semaphore, #tpu.memory_space<semaphore_mem>>)
          %dma_wait3A_164 = tpu.memref_slice %arg8[%mul3A_161] : memref<10112xf32, #tpu.memory_space<hbm>> -> memref<128xf32, #tpu.memory_space<hbm>>
          %dma_wait3A_165 = tpu.memref_slice %arg23[%mul3A_159] : memref<10112xf32, #tpu.memory_space<vmem_shared>> -> memref<128xf32, #tpu.memory_space<vmem_shared>>
          tpu.wait_dma2 semaphore(%run_scoped3A : memref<!tpu.dma_semaphore, #tpu.memory_space<semaphore_mem>>) src(%dma_wait3A_165 : memref<128xf32, #tpu.memory_space<vmem_shared>>) dst(%dma_wait3A_164 : memref<128xf32, #tpu.memory_space<hbm>>)
          tpu.yield
        }) : () -> ()
      } else {
      }
    } else {
    }
    %add3A_136 = arith.constant 48 : i32
    %add3A_137 = arith.addi %add3A_136, %arg1 : i32
    %lt3A_138 = arith.constant 79 : i32
    %lt3A_139 = arith.cmpi slt, %add3A_137, %lt3A_138 : i32
    %convert_element_type3A_140 = arith.extui %lt3A_139 : i1 to i32
    %cond3A_141 = arith.constant 0 : i32
    %cond3A_142 = arith.cmpi ne, %convert_element_type3A_140, %cond3A_141 : i32
    scf.if %cond3A_142 {
      %mul3A = arith.constant 128 : i32
      %mul3A_150 = arith.muli %add3A_137, %mul3A : i32
      %mul3A_151 = arith.constant 128 : i32
      %mul3A_152 = arith.muli %add3A_137, %mul3A_151 : i32
      "tpu.region"() ({
        %run_scoped3A = tpu.sem_alloc : memref<!tpu.dma_semaphore, #tpu.memory_space<semaphore_mem>>
        %dma_start3A_158 = arith.constant 0 : i32
        %dma_start3A_159 = tpu.memref_slice %arg7[%arg0, %mul3A_152, %dma_start3A_158] : memref<2x10112x64xf32, #tpu.memory_space<hbm>> -> memref<1x128x64xf32, #tpu.memory_space<hbm>>
        %dma_start3A_160 = tpu.memref_squeeze %dma_start3A_159 : memref<1x128x64xf32, #tpu.memory_space<hbm>> -> memref<128x64xf32, #tpu.memory_space<hbm>>
        %dma_start3A_161 = arith.constant 0 : i32
        %dma_start3A_162 = tpu.memref_slice %arg22[%mul3A_150, %dma_start3A_161] : memref<10112x64xf32, #tpu.memory_space<vmem_shared>> -> memref<128x64xf32, #tpu.memory_space<vmem_shared>>
        tpu.enqueue_dma source(%dma_start3A_162 : memref<128x64xf32, #tpu.memory_space<vmem_shared>>) target(%dma_start3A_160 : memref<128x64xf32, #tpu.memory_space<hbm>>) target_semaphore(%run_scoped3A : memref<!tpu.dma_semaphore, #tpu.memory_space<semaphore_mem>>)
        %dma_wait3A_163 = arith.constant 0 : i32
        %dma_wait3A_164 = tpu.memref_slice %arg7[%arg0, %mul3A_152, %dma_wait3A_163] : memref<2x10112x64xf32, #tpu.memory_space<hbm>> -> memref<1x128x64xf32, #tpu.memory_space<hbm>>
        %dma_wait3A_165 = tpu.memref_squeeze %dma_wait3A_164 : memref<1x128x64xf32, #tpu.memory_space<hbm>> -> memref<128x64xf32, #tpu.memory_space<hbm>>
        %dma_wait3A_166 = arith.constant 0 : i32
        %dma_wait3A_167 = tpu.memref_slice %arg22[%mul3A_150, %dma_wait3A_166] : memref<10112x64xf32, #tpu.memory_space<vmem_shared>> -> memref<128x64xf32, #tpu.memory_space<vmem_shared>>
        tpu.wait_dma2 semaphore(%run_scoped3A : memref<!tpu.dma_semaphore, #tpu.memory_space<semaphore_mem>>) src(%dma_wait3A_167 : memref<128x64xf32, #tpu.memory_space<vmem_shared>>) dst(%dma_wait3A_165 : memref<128x64xf32, #tpu.memory_space<hbm>>)
        tpu.yield
      }) : () -> ()
      %eq3A_153 = arith.constant 0 : i32
      %eq3A_154 = arith.cmpi eq, %arg0, %eq3A_153 : i32
      %convert_element_type3A_155 = arith.extui %eq3A_154 : i1 to i32
      %cond3A_156 = arith.constant 0 : i32
      %cond3A_157 = arith.cmpi ne, %convert_element_type3A_155, %cond3A_156 : i32
      scf.if %cond3A_157 {
        %mul3A_158 = arith.constant 128 : i32
        %mul3A_159 = arith.muli %add3A_137, %mul3A_158 : i32
        %mul3A_160 = arith.constant 128 : i32
        %mul3A_161 = arith.muli %add3A_137, %mul3A_160 : i32
        "tpu.region"() ({
          %run_scoped3A = tpu.sem_alloc : memref<!tpu.dma_semaphore, #tpu.memory_space<semaphore_mem>>
          %dma_start3A_162 = tpu.memref_slice %arg8[%mul3A_161] : memref<10112xf32, #tpu.memory_space<hbm>> -> memref<128xf32, #tpu.memory_space<hbm>>
          %dma_start3A_163 = tpu.memref_slice %arg23[%mul3A_159] : memref<10112xf32, #tpu.memory_space<vmem_shared>> -> memref<128xf32, #tpu.memory_space<vmem_shared>>
          tpu.enqueue_dma source(%dma_start3A_163 : memref<128xf32, #tpu.memory_space<vmem_shared>>) target(%dma_start3A_162 : memref<128xf32, #tpu.memory_space<hbm>>) target_semaphore(%run_scoped3A : memref<!tpu.dma_semaphore, #tpu.memory_space<semaphore_mem>>)
          %dma_wait3A_164 = tpu.memref_slice %arg8[%mul3A_161] : memref<10112xf32, #tpu.memory_space<hbm>> -> memref<128xf32, #tpu.memory_space<hbm>>
          %dma_wait3A_165 = tpu.memref_slice %arg23[%mul3A_159] : memref<10112xf32, #tpu.memory_space<vmem_shared>> -> memref<128xf32, #tpu.memory_space<vmem_shared>>
          tpu.wait_dma2 semaphore(%run_scoped3A : memref<!tpu.dma_semaphore, #tpu.memory_space<semaphore_mem>>) src(%dma_wait3A_165 : memref<128xf32, #tpu.memory_space<vmem_shared>>) dst(%dma_wait3A_164 : memref<128xf32, #tpu.memory_space<hbm>>)
          tpu.yield
        }) : () -> ()
      } else {
      }
    } else {
    }
    %add3A_143 = arith.constant 64 : i32
    %add3A_144 = arith.addi %add3A_143, %arg1 : i32
    %lt3A_145 = arith.constant 79 : i32
    %lt3A_146 = arith.cmpi slt, %add3A_144, %lt3A_145 : i32
    %convert_element_type3A_147 = arith.extui %lt3A_146 : i1 to i32
    %cond3A_148 = arith.constant 0 : i32
    %cond3A_149 = arith.cmpi ne, %convert_element_type3A_147, %cond3A_148 : i32
    scf.if %cond3A_149 {
      %mul3A = arith.constant 128 : i32
      %mul3A_150 = arith.muli %add3A_144, %mul3A : i32
      %mul3A_151 = arith.constant 128 : i32
      %mul3A_152 = arith.muli %add3A_144, %mul3A_151 : i32
      "tpu.region"() ({
        %run_scoped3A = tpu.sem_alloc : memref<!tpu.dma_semaphore, #tpu.memory_space<semaphore_mem>>
        %dma_start3A_158 = arith.constant 0 : i32
        %dma_start3A_159 = tpu.memref_slice %arg7[%arg0, %mul3A_152, %dma_start3A_158] : memref<2x10112x64xf32, #tpu.memory_space<hbm>> -> memref<1x128x64xf32, #tpu.memory_space<hbm>>
        %dma_start3A_160 = tpu.memref_squeeze %dma_start3A_159 : memref<1x128x64xf32, #tpu.memory_space<hbm>> -> memref<128x64xf32, #tpu.memory_space<hbm>>
        %dma_start3A_161 = arith.constant 0 : i32
        %dma_start3A_162 = tpu.memref_slice %arg22[%mul3A_150, %dma_start3A_161] : memref<10112x64xf32, #tpu.memory_space<vmem_shared>> -> memref<128x64xf32, #tpu.memory_space<vmem_shared>>
        tpu.enqueue_dma source(%dma_start3A_162 : memref<128x64xf32, #tpu.memory_space<vmem_shared>>) target(%dma_start3A_160 : memref<128x64xf32, #tpu.memory_space<hbm>>) target_semaphore(%run_scoped3A : memref<!tpu.dma_semaphore, #tpu.memory_space<semaphore_mem>>)
        %dma_wait3A_163 = arith.constant 0 : i32
        %dma_wait3A_164 = tpu.memref_slice %arg7[%arg0, %mul3A_152, %dma_wait3A_163] : memref<2x10112x64xf32, #tpu.memory_space<hbm>> -> memref<1x128x64xf32, #tpu.memory_space<hbm>>
        %dma_wait3A_165 = tpu.memref_squeeze %dma_wait3A_164 : memref<1x128x64xf32, #tpu.memory_space<hbm>> -> memref<128x64xf32, #tpu.memory_space<hbm>>
        %dma_wait3A_166 = arith.constant 0 : i32
        %dma_wait3A_167 = tpu.memref_slice %arg22[%mul3A_150, %dma_wait3A_166] : memref<10112x64xf32, #tpu.memory_space<vmem_shared>> -> memref<128x64xf32, #tpu.memory_space<vmem_shared>>
        tpu.wait_dma2 semaphore(%run_scoped3A : memref<!tpu.dma_semaphore, #tpu.memory_space<semaphore_mem>>) src(%dma_wait3A_167 : memref<128x64xf32, #tpu.memory_space<vmem_shared>>) dst(%dma_wait3A_165 : memref<128x64xf32, #tpu.memory_space<hbm>>)
        tpu.yield
      }) : () -> ()
      %eq3A_153 = arith.constant 0 : i32
      %eq3A_154 = arith.cmpi eq, %arg0, %eq3A_153 : i32
      %convert_element_type3A_155 = arith.extui %eq3A_154 : i1 to i32
      %cond3A_156 = arith.constant 0 : i32
      %cond3A_157 = arith.cmpi ne, %convert_element_type3A_155, %cond3A_156 : i32
      scf.if %cond3A_157 {
        %mul3A_158 = arith.constant 128 : i32
        %mul3A_159 = arith.muli %add3A_144, %mul3A_158 : i32
        %mul3A_160 = arith.constant 128 : i32
        %mul3A_161 = arith.muli %add3A_144, %mul3A_160 : i32
        "tpu.region"() ({
          %run_scoped3A = tpu.sem_alloc : memref<!tpu.dma_semaphore, #tpu.memory_space<semaphore_mem>>
          %dma_start3A_162 = tpu.memref_slice %arg8[%mul3A_161] : memref<10112xf32, #tpu.memory_space<hbm>> -> memref<128xf32, #tpu.memory_space<hbm>>
          %dma_start3A_163 = tpu.memref_slice %arg23[%mul3A_159] : memref<10112xf32, #tpu.memory_space<vmem_shared>> -> memref<128xf32, #tpu.memory_space<vmem_shared>>
          tpu.enqueue_dma source(%dma_start3A_163 : memref<128xf32, #tpu.memory_space<vmem_shared>>) target(%dma_start3A_162 : memref<128xf32, #tpu.memory_space<hbm>>) target_semaphore(%run_scoped3A : memref<!tpu.dma_semaphore, #tpu.memory_space<semaphore_mem>>)
          %dma_wait3A_164 = tpu.memref_slice %arg8[%mul3A_161] : memref<10112xf32, #tpu.memory_space<hbm>> -> memref<128xf32, #tpu.memory_space<hbm>>
          %dma_wait3A_165 = tpu.memref_slice %arg23[%mul3A_159] : memref<10112xf32, #tpu.memory_space<vmem_shared>> -> memref<128xf32, #tpu.memory_space<vmem_shared>>
          tpu.wait_dma2 semaphore(%run_scoped3A : memref<!tpu.dma_semaphore, #tpu.memory_space<semaphore_mem>>) src(%dma_wait3A_165 : memref<128xf32, #tpu.memory_space<vmem_shared>>) dst(%dma_wait3A_164 : memref<128xf32, #tpu.memory_space<hbm>>)
          tpu.yield
        }) : () -> ()
      } else {
      }
    } else {
    }
    return
  }
}

#map = affine_map<(d0, d1) -> (0, 0)>
#map1 = affine_map<(d0, d1) -> (0, 0, 0, 0)>
#map2 = affine_map<(d0, d1) -> (0, 0, 0)>
#map3 = affine_map<(d0, d1) -> (0)>
module attributes {stable_mosaic.version = 14 : i64} {
  func.func @body(%arg0: i32, %arg1: i32, %arg2: memref<20000x64xf32, #tpu.memory_space<hbm>>, %arg3: memref<2x16x160x128xi32, #tpu.memory_space<hbm>>, %arg4: memref<16x160x128xi32, #tpu.memory_space<hbm>>, %arg5: memref<128x64xf32, #tpu.memory_space<hbm>>, %arg6: memref<128xf32, #tpu.memory_space<hbm>>, %arg7: memref<2x10112x64xf32, #tpu.memory_space<hbm>>, %arg8: memref<128xi32, #tpu.memory_space<vmem>>, %arg9: memref<128xi32, #tpu.memory_space<vmem>>, %arg10: memref<128xi32, #tpu.memory_space<vmem>>, %arg11: memref<128xi32, #tpu.memory_space<vmem>>, %arg12: memref<128xi32, #tpu.memory_space<vmem>>, %arg13: memref<128xi32, #tpu.memory_space<vmem>>, %arg14: memref<128xi32, #tpu.memory_space<vmem>>, %arg15: memref<128xi32, #tpu.memory_space<vmem>>, %arg16: memref<128x64xf32, #tpu.memory_space<vmem>>, %arg17: memref<128x64xf32, #tpu.memory_space<vmem>>, %arg18: memref<128x64xf32, #tpu.memory_space<vmem>>, %arg19: memref<128x64xf32, #tpu.memory_space<vmem>>, %arg20: memref<128xf32, #tpu.memory_space<vmem>>, %arg21: memref<10112x64xf32, #tpu.memory_space<vmem_shared>>, %arg22: memref<10112xf32, #tpu.memory_space<vmem_shared>>, %arg23: memref<!tpu.dma_semaphore, #tpu.memory_space<semaphore_mem>>, %arg24: memref<!tpu.dma_semaphore, #tpu.memory_space<semaphore_mem>>, %arg25: memref<!tpu.dma_semaphore, #tpu.memory_space<semaphore_mem>>, %arg26: memref<!tpu.dma_semaphore, #tpu.memory_space<semaphore_mem>>, %arg27: memref<!tpu.dma_semaphore, #tpu.memory_space<semaphore_mem>>, %arg28: memref<!tpu.dma_semaphore, #tpu.memory_space<semaphore_mem>>, %arg29: memref<!tpu.dma_semaphore, #tpu.memory_space<semaphore_mem>>, %arg30: memref<!tpu.dma_semaphore, #tpu.memory_space<semaphore_mem>>, %arg31: memref<!tpu.dma_semaphore, #tpu.memory_space<semaphore_mem>>) attributes {dimension_semantics = [#tpu.dimension_semantics<core_parallel>, #tpu.dimension_semantics<subcore_parallel>], iteration_bounds = array<i64: 2, 16>, scalar_prefetch = 0 : i64, scratch_operands = 24 : i64, tpu.core_type = #tpu.core_type<sc_vector_subcore>, window_params = [{transform_indices = #map}, {transform_indices = #map1}, {transform_indices = #map2}, {transform_indices = #map}, {transform_indices = #map3}, {transform_indices = #map2}]} {
    "tpu.region"() ({
      %run_scoped3A = tpu.sem_alloc : memref<!tpu.dma_semaphore, #tpu.memory_space<semaphore_mem>>
      tpu.enqueue_dma source(%arg6 : memref<128xf32, #tpu.memory_space<hbm>>) target(%arg20 : memref<128xf32, #tpu.memory_space<vmem>>) target_semaphore(%run_scoped3A : memref<!tpu.dma_semaphore, #tpu.memory_space<semaphore_mem>>)
      tpu.wait_dma2 semaphore(%run_scoped3A : memref<!tpu.dma_semaphore, #tpu.memory_space<semaphore_mem>>) src(%arg6 : memref<128xf32, #tpu.memory_space<hbm>>) dst(%arg20 : memref<128xf32, #tpu.memory_space<vmem>>)
      tpu.yield
    }) : () -> ()
    "tpu.region"() ({
      %run_scoped3A = tpu.sem_alloc : memref<!tpu.dma_semaphore, #tpu.memory_space<semaphore_mem>>
      tpu.enqueue_dma source(%arg5 : memref<128x64xf32, #tpu.memory_space<hbm>>) target(%arg16 : memref<128x64xf32, #tpu.memory_space<vmem>>) target_semaphore(%run_scoped3A : memref<!tpu.dma_semaphore, #tpu.memory_space<semaphore_mem>>)
      tpu.wait_dma2 semaphore(%run_scoped3A : memref<!tpu.dma_semaphore, #tpu.memory_space<semaphore_mem>>) src(%arg5 : memref<128x64xf32, #tpu.memory_space<hbm>>) dst(%arg16 : memref<128x64xf32, #tpu.memory_space<vmem>>)
      tpu.yield
    }) : () -> ()
    %add3A = arith.constant 0 : i32
    %add3A_0 = arith.addi %add3A, %arg1 : i32
    %lt3A = arith.constant 79 : i32
    %lt3A_1 = arith.cmpi slt, %add3A_0, %lt3A : i32
    %convert_element_type3A = arith.extui %lt3A_1 : i1 to i32
    %cond3A = arith.constant 0 : i32
    %cond3A_2 = arith.cmpi ne, %convert_element_type3A, %cond3A : i32
    scf.if %cond3A_2 {
      %mul3A = arith.constant 128 : i32
      %mul3A_146 = arith.muli %add3A_0, %mul3A : i32
      "tpu.region"() ({
        %run_scoped3A = tpu.sem_alloc : memref<!tpu.dma_semaphore, #tpu.memory_space<semaphore_mem>>
        %dma_start3A_147 = arith.constant 0 : i32
        %dma_start3A_148 = tpu.memref_slice %arg21[%mul3A_146, %dma_start3A_147] : memref<10112x64xf32, #tpu.memory_space<vmem_shared>> -> memref<128x64xf32, #tpu.memory_space<vmem_shared>>
        %dma_start3A_149 = arith.constant 0 : i32
        %dma_start3A_150 = tpu.memref_slice %arg21[%mul3A_146, %dma_start3A_149] : memref<10112x64xf32, #tpu.memory_space<vmem_shared>> -> memref<128x64xf32, #tpu.memory_space<vmem_shared>>
        tpu.enqueue_dma source(%arg16 : memref<128x64xf32, #tpu.memory_space<vmem>>) target(%dma_start3A_150 : memref<128x64xf32, #tpu.memory_space<vmem_shared>>) target_semaphore(%run_scoped3A : memref<!tpu.dma_semaphore, #tpu.memory_space<semaphore_mem>>)
        %dma_wait3A_151 = arith.constant 0 : i32
        %dma_wait3A_152 = tpu.memref_slice %arg21[%mul3A_146, %dma_wait3A_151] : memref<10112x64xf32, #tpu.memory_space<vmem_shared>> -> memref<128x64xf32, #tpu.memory_space<vmem_shared>>
        %dma_wait3A_153 = arith.constant 0 : i32
        %dma_wait3A_154 = tpu.memref_slice %arg21[%mul3A_146, %dma_wait3A_153] : memref<10112x64xf32, #tpu.memory_space<vmem_shared>> -> memref<128x64xf32, #tpu.memory_space<vmem_shared>>
        tpu.wait_dma2 semaphore(%run_scoped3A : memref<!tpu.dma_semaphore, #tpu.memory_space<semaphore_mem>>) src(%arg16 : memref<128x64xf32, #tpu.memory_space<vmem>>) dst(%dma_wait3A_154 : memref<128x64xf32, #tpu.memory_space<vmem_shared>>)
        tpu.yield
      }) : () -> ()
    } else {
    }
    %add3A_3 = arith.constant 16 : i32
    %add3A_4 = arith.addi %add3A_3, %arg1 : i32
    %lt3A_5 = arith.constant 79 : i32
    %lt3A_6 = arith.cmpi slt, %add3A_4, %lt3A_5 : i32
    %convert_element_type3A_7 = arith.extui %lt3A_6 : i1 to i32
    %cond3A_8 = arith.constant 0 : i32
    %cond3A_9 = arith.cmpi ne, %convert_element_type3A_7, %cond3A_8 : i32
    scf.if %cond3A_9 {
      %mul3A = arith.constant 128 : i32
      %mul3A_146 = arith.muli %add3A_4, %mul3A : i32
      "tpu.region"() ({
        %run_scoped3A = tpu.sem_alloc : memref<!tpu.dma_semaphore, #tpu.memory_space<semaphore_mem>>
        %dma_start3A_147 = arith.constant 0 : i32
        %dma_start3A_148 = tpu.memref_slice %arg21[%mul3A_146, %dma_start3A_147] : memref<10112x64xf32, #tpu.memory_space<vmem_shared>> -> memref<128x64xf32, #tpu.memory_space<vmem_shared>>
        %dma_start3A_149 = arith.constant 0 : i32
        %dma_start3A_150 = tpu.memref_slice %arg21[%mul3A_146, %dma_start3A_149] : memref<10112x64xf32, #tpu.memory_space<vmem_shared>> -> memref<128x64xf32, #tpu.memory_space<vmem_shared>>
        tpu.enqueue_dma source(%arg16 : memref<128x64xf32, #tpu.memory_space<vmem>>) target(%dma_start3A_150 : memref<128x64xf32, #tpu.memory_space<vmem_shared>>) target_semaphore(%run_scoped3A : memref<!tpu.dma_semaphore, #tpu.memory_space<semaphore_mem>>)
        %dma_wait3A_151 = arith.constant 0 : i32
        %dma_wait3A_152 = tpu.memref_slice %arg21[%mul3A_146, %dma_wait3A_151] : memref<10112x64xf32, #tpu.memory_space<vmem_shared>> -> memref<128x64xf32, #tpu.memory_space<vmem_shared>>
        %dma_wait3A_153 = arith.constant 0 : i32
        %dma_wait3A_154 = tpu.memref_slice %arg21[%mul3A_146, %dma_wait3A_153] : memref<10112x64xf32, #tpu.memory_space<vmem_shared>> -> memref<128x64xf32, #tpu.memory_space<vmem_shared>>
        tpu.wait_dma2 semaphore(%run_scoped3A : memref<!tpu.dma_semaphore, #tpu.memory_space<semaphore_mem>>) src(%arg16 : memref<128x64xf32, #tpu.memory_space<vmem>>) dst(%dma_wait3A_154 : memref<128x64xf32, #tpu.memory_space<vmem_shared>>)
        tpu.yield
      }) : () -> ()
    } else {
    }
    %add3A_10 = arith.constant 32 : i32
    %add3A_11 = arith.addi %add3A_10, %arg1 : i32
    %lt3A_12 = arith.constant 79 : i32
    %lt3A_13 = arith.cmpi slt, %add3A_11, %lt3A_12 : i32
    %convert_element_type3A_14 = arith.extui %lt3A_13 : i1 to i32
    %cond3A_15 = arith.constant 0 : i32
    %cond3A_16 = arith.cmpi ne, %convert_element_type3A_14, %cond3A_15 : i32
    scf.if %cond3A_16 {
      %mul3A = arith.constant 128 : i32
      %mul3A_146 = arith.muli %add3A_11, %mul3A : i32
      "tpu.region"() ({
        %run_scoped3A = tpu.sem_alloc : memref<!tpu.dma_semaphore, #tpu.memory_space<semaphore_mem>>
        %dma_start3A_147 = arith.constant 0 : i32
        %dma_start3A_148 = tpu.memref_slice %arg21[%mul3A_146, %dma_start3A_147] : memref<10112x64xf32, #tpu.memory_space<vmem_shared>> -> memref<128x64xf32, #tpu.memory_space<vmem_shared>>
        %dma_start3A_149 = arith.constant 0 : i32
        %dma_start3A_150 = tpu.memref_slice %arg21[%mul3A_146, %dma_start3A_149] : memref<10112x64xf32, #tpu.memory_space<vmem_shared>> -> memref<128x64xf32, #tpu.memory_space<vmem_shared>>
        tpu.enqueue_dma source(%arg16 : memref<128x64xf32, #tpu.memory_space<vmem>>) target(%dma_start3A_150 : memref<128x64xf32, #tpu.memory_space<vmem_shared>>) target_semaphore(%run_scoped3A : memref<!tpu.dma_semaphore, #tpu.memory_space<semaphore_mem>>)
        %dma_wait3A_151 = arith.constant 0 : i32
        %dma_wait3A_152 = tpu.memref_slice %arg21[%mul3A_146, %dma_wait3A_151] : memref<10112x64xf32, #tpu.memory_space<vmem_shared>> -> memref<128x64xf32, #tpu.memory_space<vmem_shared>>
        %dma_wait3A_153 = arith.constant 0 : i32
        %dma_wait3A_154 = tpu.memref_slice %arg21[%mul3A_146, %dma_wait3A_153] : memref<10112x64xf32, #tpu.memory_space<vmem_shared>> -> memref<128x64xf32, #tpu.memory_space<vmem_shared>>
        tpu.wait_dma2 semaphore(%run_scoped3A : memref<!tpu.dma_semaphore, #tpu.memory_space<semaphore_mem>>) src(%arg16 : memref<128x64xf32, #tpu.memory_space<vmem>>) dst(%dma_wait3A_154 : memref<128x64xf32, #tpu.memory_space<vmem_shared>>)
        tpu.yield
      }) : () -> ()
    } else {
    }
    %add3A_17 = arith.constant 48 : i32
    %add3A_18 = arith.addi %add3A_17, %arg1 : i32
    %lt3A_19 = arith.constant 79 : i32
    %lt3A_20 = arith.cmpi slt, %add3A_18, %lt3A_19 : i32
    %convert_element_type3A_21 = arith.extui %lt3A_20 : i1 to i32
    %cond3A_22 = arith.constant 0 : i32
    %cond3A_23 = arith.cmpi ne, %convert_element_type3A_21, %cond3A_22 : i32
    scf.if %cond3A_23 {
      %mul3A = arith.constant 128 : i32
      %mul3A_146 = arith.muli %add3A_18, %mul3A : i32
      "tpu.region"() ({
        %run_scoped3A = tpu.sem_alloc : memref<!tpu.dma_semaphore, #tpu.memory_space<semaphore_mem>>
        %dma_start3A_147 = arith.constant 0 : i32
        %dma_start3A_148 = tpu.memref_slice %arg21[%mul3A_146, %dma_start3A_147] : memref<10112x64xf32, #tpu.memory_space<vmem_shared>> -> memref<128x64xf32, #tpu.memory_space<vmem_shared>>
        %dma_start3A_149 = arith.constant 0 : i32
        %dma_start3A_150 = tpu.memref_slice %arg21[%mul3A_146, %dma_start3A_149] : memref<10112x64xf32, #tpu.memory_space<vmem_shared>> -> memref<128x64xf32, #tpu.memory_space<vmem_shared>>
        tpu.enqueue_dma source(%arg16 : memref<128x64xf32, #tpu.memory_space<vmem>>) target(%dma_start3A_150 : memref<128x64xf32, #tpu.memory_space<vmem_shared>>) target_semaphore(%run_scoped3A : memref<!tpu.dma_semaphore, #tpu.memory_space<semaphore_mem>>)
        %dma_wait3A_151 = arith.constant 0 : i32
        %dma_wait3A_152 = tpu.memref_slice %arg21[%mul3A_146, %dma_wait3A_151] : memref<10112x64xf32, #tpu.memory_space<vmem_shared>> -> memref<128x64xf32, #tpu.memory_space<vmem_shared>>
        %dma_wait3A_153 = arith.constant 0 : i32
        %dma_wait3A_154 = tpu.memref_slice %arg21[%mul3A_146, %dma_wait3A_153] : memref<10112x64xf32, #tpu.memory_space<vmem_shared>> -> memref<128x64xf32, #tpu.memory_space<vmem_shared>>
        tpu.wait_dma2 semaphore(%run_scoped3A : memref<!tpu.dma_semaphore, #tpu.memory_space<semaphore_mem>>) src(%arg16 : memref<128x64xf32, #tpu.memory_space<vmem>>) dst(%dma_wait3A_154 : memref<128x64xf32, #tpu.memory_space<vmem_shared>>)
        tpu.yield
      }) : () -> ()
    } else {
    }
    %add3A_24 = arith.constant 64 : i32
    %add3A_25 = arith.addi %add3A_24, %arg1 : i32
    %lt3A_26 = arith.constant 79 : i32
    %lt3A_27 = arith.cmpi slt, %add3A_25, %lt3A_26 : i32
    %convert_element_type3A_28 = arith.extui %lt3A_27 : i1 to i32
    %cond3A_29 = arith.constant 0 : i32
    %cond3A_30 = arith.cmpi ne, %convert_element_type3A_28, %cond3A_29 : i32
    scf.if %cond3A_30 {
      %mul3A = arith.constant 128 : i32
      %mul3A_146 = arith.muli %add3A_25, %mul3A : i32
      "tpu.region"() ({
        %run_scoped3A = tpu.sem_alloc : memref<!tpu.dma_semaphore, #tpu.memory_space<semaphore_mem>>
        %dma_start3A_147 = arith.constant 0 : i32
        %dma_start3A_148 = tpu.memref_slice %arg21[%mul3A_146, %dma_start3A_147] : memref<10112x64xf32, #tpu.memory_space<vmem_shared>> -> memref<128x64xf32, #tpu.memory_space<vmem_shared>>
        %dma_start3A_149 = arith.constant 0 : i32
        %dma_start3A_150 = tpu.memref_slice %arg21[%mul3A_146, %dma_start3A_149] : memref<10112x64xf32, #tpu.memory_space<vmem_shared>> -> memref<128x64xf32, #tpu.memory_space<vmem_shared>>
        tpu.enqueue_dma source(%arg16 : memref<128x64xf32, #tpu.memory_space<vmem>>) target(%dma_start3A_150 : memref<128x64xf32, #tpu.memory_space<vmem_shared>>) target_semaphore(%run_scoped3A : memref<!tpu.dma_semaphore, #tpu.memory_space<semaphore_mem>>)
        %dma_wait3A_151 = arith.constant 0 : i32
        %dma_wait3A_152 = tpu.memref_slice %arg21[%mul3A_146, %dma_wait3A_151] : memref<10112x64xf32, #tpu.memory_space<vmem_shared>> -> memref<128x64xf32, #tpu.memory_space<vmem_shared>>
        %dma_wait3A_153 = arith.constant 0 : i32
        %dma_wait3A_154 = tpu.memref_slice %arg21[%mul3A_146, %dma_wait3A_153] : memref<10112x64xf32, #tpu.memory_space<vmem_shared>> -> memref<128x64xf32, #tpu.memory_space<vmem_shared>>
        tpu.wait_dma2 semaphore(%run_scoped3A : memref<!tpu.dma_semaphore, #tpu.memory_space<semaphore_mem>>) src(%arg16 : memref<128x64xf32, #tpu.memory_space<vmem>>) dst(%dma_wait3A_154 : memref<128x64xf32, #tpu.memory_space<vmem_shared>>)
        tpu.yield
      }) : () -> ()
    } else {
    }
    %barrier3A = arith.constant 0 : index
    tpu.barrier barrier_id(%barrier3A)
    %dma_start3A = arith.constant 0 : i32
    %dma_start3A_31 = arith.constant 0 : i32
    %dma_start3A_32 = tpu.memref_slice %arg3[%arg0, %arg1, %dma_start3A, %dma_start3A_31] : memref<2x16x160x128xi32, #tpu.memory_space<hbm>> -> memref<1x1x1x128xi32, #tpu.memory_space<hbm>>
    %dma_start3A_33 = tpu.memref_squeeze %dma_start3A_32 : memref<1x1x1x128xi32, #tpu.memory_space<hbm>> -> memref<128xi32, #tpu.memory_space<hbm>>
    %dma_start3A_34 = arith.constant 0 : i32
    %dma_start3A_35 = tpu.memref_slice %arg3[%arg0, %arg1, %dma_start3A, %dma_start3A_34] : memref<2x16x160x128xi32, #tpu.memory_space<hbm>> -> memref<1x1x1x128xi32, #tpu.memory_space<hbm>>
    %dma_start3A_36 = tpu.memref_squeeze %dma_start3A_35 : memref<1x1x1x128xi32, #tpu.memory_space<hbm>> -> memref<128xi32, #tpu.memory_space<hbm>>
    tpu.enqueue_dma source(%dma_start3A_36 : memref<128xi32, #tpu.memory_space<hbm>>) target(%arg8 : memref<128xi32, #tpu.memory_space<vmem>>) target_semaphore(%arg23 : memref<!tpu.dma_semaphore, #tpu.memory_space<semaphore_mem>>)
    %dma_start3A_37 = arith.constant 0 : i32
    %dma_start3A_38 = arith.constant 0 : i32
    %dma_start3A_39 = tpu.memref_slice %arg4[%arg1, %dma_start3A_37, %dma_start3A_38] : memref<16x160x128xi32, #tpu.memory_space<hbm>> -> memref<1x1x128xi32, #tpu.memory_space<hbm>>
    %dma_start3A_40 = tpu.memref_squeeze %dma_start3A_39 : memref<1x1x128xi32, #tpu.memory_space<hbm>> -> memref<128xi32, #tpu.memory_space<hbm>>
    %dma_start3A_41 = arith.constant 0 : i32
    %dma_start3A_42 = tpu.memref_slice %arg4[%arg1, %dma_start3A_37, %dma_start3A_41] : memref<16x160x128xi32, #tpu.memory_space<hbm>> -> memref<1x1x128xi32, #tpu.memory_space<hbm>>
    %dma_start3A_43 = tpu.memref_squeeze %dma_start3A_42 : memref<1x1x128xi32, #tpu.memory_space<hbm>> -> memref<128xi32, #tpu.memory_space<hbm>>
    tpu.enqueue_dma source(%dma_start3A_43 : memref<128xi32, #tpu.memory_space<hbm>>) target(%arg12 : memref<128xi32, #tpu.memory_space<vmem>>) target_semaphore(%arg23 : memref<!tpu.dma_semaphore, #tpu.memory_space<semaphore_mem>>)
    %dma_start3A_44 = arith.constant 1 : i32
    %dma_start3A_45 = arith.constant 0 : i32
    %dma_start3A_46 = tpu.memref_slice %arg3[%arg0, %arg1, %dma_start3A_44, %dma_start3A_45] : memref<2x16x160x128xi32, #tpu.memory_space<hbm>> -> memref<1x1x1x128xi32, #tpu.memory_space<hbm>>
    %dma_start3A_47 = tpu.memref_squeeze %dma_start3A_46 : memref<1x1x1x128xi32, #tpu.memory_space<hbm>> -> memref<128xi32, #tpu.memory_space<hbm>>
    %dma_start3A_48 = arith.constant 0 : i32
    %dma_start3A_49 = tpu.memref_slice %arg3[%arg0, %arg1, %dma_start3A_44, %dma_start3A_48] : memref<2x16x160x128xi32, #tpu.memory_space<hbm>> -> memref<1x1x1x128xi32, #tpu.memory_space<hbm>>
    %dma_start3A_50 = tpu.memref_squeeze %dma_start3A_49 : memref<1x1x1x128xi32, #tpu.memory_space<hbm>> -> memref<128xi32, #tpu.memory_space<hbm>>
    tpu.enqueue_dma source(%dma_start3A_50 : memref<128xi32, #tpu.memory_space<hbm>>) target(%arg9 : memref<128xi32, #tpu.memory_space<vmem>>) target_semaphore(%arg24 : memref<!tpu.dma_semaphore, #tpu.memory_space<semaphore_mem>>)
    %dma_start3A_51 = arith.constant 1 : i32
    %dma_start3A_52 = arith.constant 0 : i32
    %dma_start3A_53 = tpu.memref_slice %arg4[%arg1, %dma_start3A_51, %dma_start3A_52] : memref<16x160x128xi32, #tpu.memory_space<hbm>> -> memref<1x1x128xi32, #tpu.memory_space<hbm>>
    %dma_start3A_54 = tpu.memref_squeeze %dma_start3A_53 : memref<1x1x128xi32, #tpu.memory_space<hbm>> -> memref<128xi32, #tpu.memory_space<hbm>>
    %dma_start3A_55 = arith.constant 0 : i32
    %dma_start3A_56 = tpu.memref_slice %arg4[%arg1, %dma_start3A_51, %dma_start3A_55] : memref<16x160x128xi32, #tpu.memory_space<hbm>> -> memref<1x1x128xi32, #tpu.memory_space<hbm>>
    %dma_start3A_57 = tpu.memref_squeeze %dma_start3A_56 : memref<1x1x128xi32, #tpu.memory_space<hbm>> -> memref<128xi32, #tpu.memory_space<hbm>>
    tpu.enqueue_dma source(%dma_start3A_57 : memref<128xi32, #tpu.memory_space<hbm>>) target(%arg13 : memref<128xi32, #tpu.memory_space<vmem>>) target_semaphore(%arg24 : memref<!tpu.dma_semaphore, #tpu.memory_space<semaphore_mem>>)
    %dma_start3A_58 = arith.constant 2 : i32
    %dma_start3A_59 = arith.constant 0 : i32
    %dma_start3A_60 = tpu.memref_slice %arg3[%arg0, %arg1, %dma_start3A_58, %dma_start3A_59] : memref<2x16x160x128xi32, #tpu.memory_space<hbm>> -> memref<1x1x1x128xi32, #tpu.memory_space<hbm>>
    %dma_start3A_61 = tpu.memref_squeeze %dma_start3A_60 : memref<1x1x1x128xi32, #tpu.memory_space<hbm>> -> memref<128xi32, #tpu.memory_space<hbm>>
    %dma_start3A_62 = arith.constant 0 : i32
    %dma_start3A_63 = tpu.memref_slice %arg3[%arg0, %arg1, %dma_start3A_58, %dma_start3A_62] : memref<2x16x160x128xi32, #tpu.memory_space<hbm>> -> memref<1x1x1x128xi32, #tpu.memory_space<hbm>>
    %dma_start3A_64 = tpu.memref_squeeze %dma_start3A_63 : memref<1x1x1x128xi32, #tpu.memory_space<hbm>> -> memref<128xi32, #tpu.memory_space<hbm>>
    tpu.enqueue_dma source(%dma_start3A_64 : memref<128xi32, #tpu.memory_space<hbm>>) target(%arg10 : memref<128xi32, #tpu.memory_space<vmem>>) target_semaphore(%arg25 : memref<!tpu.dma_semaphore, #tpu.memory_space<semaphore_mem>>)
    %dma_start3A_65 = arith.constant 2 : i32
    %dma_start3A_66 = arith.constant 0 : i32
    %dma_start3A_67 = tpu.memref_slice %arg4[%arg1, %dma_start3A_65, %dma_start3A_66] : memref<16x160x128xi32, #tpu.memory_space<hbm>> -> memref<1x1x128xi32, #tpu.memory_space<hbm>>
    %dma_start3A_68 = tpu.memref_squeeze %dma_start3A_67 : memref<1x1x128xi32, #tpu.memory_space<hbm>> -> memref<128xi32, #tpu.memory_space<hbm>>
    %dma_start3A_69 = arith.constant 0 : i32
    %dma_start3A_70 = tpu.memref_slice %arg4[%arg1, %dma_start3A_65, %dma_start3A_69] : memref<16x160x128xi32, #tpu.memory_space<hbm>> -> memref<1x1x128xi32, #tpu.memory_space<hbm>>
    %dma_start3A_71 = tpu.memref_squeeze %dma_start3A_70 : memref<1x1x128xi32, #tpu.memory_space<hbm>> -> memref<128xi32, #tpu.memory_space<hbm>>
    tpu.enqueue_dma source(%dma_start3A_71 : memref<128xi32, #tpu.memory_space<hbm>>) target(%arg14 : memref<128xi32, #tpu.memory_space<vmem>>) target_semaphore(%arg25 : memref<!tpu.dma_semaphore, #tpu.memory_space<semaphore_mem>>)
    %dma_wait3A = arith.constant 0 : i32
    %dma_wait3A_72 = arith.constant 0 : i32
    %dma_wait3A_73 = tpu.memref_slice %arg3[%arg0, %arg1, %dma_wait3A, %dma_wait3A_72] : memref<2x16x160x128xi32, #tpu.memory_space<hbm>> -> memref<1x1x1x128xi32, #tpu.memory_space<hbm>>
    %dma_wait3A_74 = tpu.memref_squeeze %dma_wait3A_73 : memref<1x1x1x128xi32, #tpu.memory_space<hbm>> -> memref<128xi32, #tpu.memory_space<hbm>>
    %dma_wait3A_75 = arith.constant 0 : i32
    %dma_wait3A_76 = tpu.memref_slice %arg3[%arg0, %arg1, %dma_wait3A, %dma_wait3A_75] : memref<2x16x160x128xi32, #tpu.memory_space<hbm>> -> memref<1x1x1x128xi32, #tpu.memory_space<hbm>>
    %dma_wait3A_77 = tpu.memref_squeeze %dma_wait3A_76 : memref<1x1x1x128xi32, #tpu.memory_space<hbm>> -> memref<128xi32, #tpu.memory_space<hbm>>
    tpu.wait_dma2 semaphore(%arg23 : memref<!tpu.dma_semaphore, #tpu.memory_space<semaphore_mem>>) src(%dma_wait3A_77 : memref<128xi32, #tpu.memory_space<hbm>>) dst(%arg8 : memref<128xi32, #tpu.memory_space<vmem>>)
    %dma_wait3A_78 = arith.constant 0 : i32
    %dma_wait3A_79 = arith.constant 0 : i32
    %dma_wait3A_80 = tpu.memref_slice %arg4[%arg1, %dma_wait3A_78, %dma_wait3A_79] : memref<16x160x128xi32, #tpu.memory_space<hbm>> -> memref<1x1x128xi32, #tpu.memory_space<hbm>>
    %dma_wait3A_81 = tpu.memref_squeeze %dma_wait3A_80 : memref<1x1x128xi32, #tpu.memory_space<hbm>> -> memref<128xi32, #tpu.memory_space<hbm>>
    %dma_wait3A_82 = arith.constant 0 : i32
    %dma_wait3A_83 = tpu.memref_slice %arg4[%arg1, %dma_wait3A_78, %dma_wait3A_82] : memref<16x160x128xi32, #tpu.memory_space<hbm>> -> memref<1x1x128xi32, #tpu.memory_space<hbm>>
    %dma_wait3A_84 = tpu.memref_squeeze %dma_wait3A_83 : memref<1x1x128xi32, #tpu.memory_space<hbm>> -> memref<128xi32, #tpu.memory_space<hbm>>
    tpu.wait_dma2 semaphore(%arg23 : memref<!tpu.dma_semaphore, #tpu.memory_space<semaphore_mem>>) src(%dma_wait3A_84 : memref<128xi32, #tpu.memory_space<hbm>>) dst(%arg12 : memref<128xi32, #tpu.memory_space<vmem>>)
    %dma_start3A_85 = arith.constant 0 : i32
    %dma_start3A_86 = arith.constant 0 : i32
    %dma_start3A_87 = tpu.memref_slice %arg2[%dma_start3A_85, %dma_start3A_86] : memref<20000x64xf32, #tpu.memory_space<hbm>> -> memref<20000x64xf32, #tpu.memory_space<hbm>>
    tpu.enqueue_indirect_dma source(%dma_start3A_87 : memref<20000x64xf32, #tpu.memory_space<hbm>>) target(%arg16 : memref<128x64xf32, #tpu.memory_space<vmem>>) offsets(%arg8 : memref<128xi32, #tpu.memory_space<vmem>>) semaphore(%arg27 : memref<!tpu.dma_semaphore, #tpu.memory_space<semaphore_mem>>)
    %dma_wait3A_88 = arith.constant 1 : i32
    %dma_wait3A_89 = arith.constant 0 : i32
    %dma_wait3A_90 = tpu.memref_slice %arg3[%arg0, %arg1, %dma_wait3A_88, %dma_wait3A_89] : memref<2x16x160x128xi32, #tpu.memory_space<hbm>> -> memref<1x1x1x128xi32, #tpu.memory_space<hbm>>
    %dma_wait3A_91 = tpu.memref_squeeze %dma_wait3A_90 : memref<1x1x1x128xi32, #tpu.memory_space<hbm>> -> memref<128xi32, #tpu.memory_space<hbm>>
    %dma_wait3A_92 = arith.constant 0 : i32
    %dma_wait3A_93 = tpu.memref_slice %arg3[%arg0, %arg1, %dma_wait3A_88, %dma_wait3A_92] : memref<2x16x160x128xi32, #tpu.memory_space<hbm>> -> memref<1x1x1x128xi32, #tpu.memory_space<hbm>>
    %dma_wait3A_94 = tpu.memref_squeeze %dma_wait3A_93 : memref<1x1x1x128xi32, #tpu.memory_space<hbm>> -> memref<128xi32, #tpu.memory_space<hbm>>
    tpu.wait_dma2 semaphore(%arg24 : memref<!tpu.dma_semaphore, #tpu.memory_space<semaphore_mem>>) src(%dma_wait3A_94 : memref<128xi32, #tpu.memory_space<hbm>>) dst(%arg9 : memref<128xi32, #tpu.memory_space<vmem>>)
    %dma_wait3A_95 = arith.constant 1 : i32
    %dma_wait3A_96 = arith.constant 0 : i32
    %dma_wait3A_97 = tpu.memref_slice %arg4[%arg1, %dma_wait3A_95, %dma_wait3A_96] : memref<16x160x128xi32, #tpu.memory_space<hbm>> -> memref<1x1x128xi32, #tpu.memory_space<hbm>>
    %dma_wait3A_98 = tpu.memref_squeeze %dma_wait3A_97 : memref<1x1x128xi32, #tpu.memory_space<hbm>> -> memref<128xi32, #tpu.memory_space<hbm>>
    %dma_wait3A_99 = arith.constant 0 : i32
    %dma_wait3A_100 = tpu.memref_slice %arg4[%arg1, %dma_wait3A_95, %dma_wait3A_99] : memref<16x160x128xi32, #tpu.memory_space<hbm>> -> memref<1x1x128xi32, #tpu.memory_space<hbm>>
    %dma_wait3A_101 = tpu.memref_squeeze %dma_wait3A_100 : memref<1x1x128xi32, #tpu.memory_space<hbm>> -> memref<128xi32, #tpu.memory_space<hbm>>
    tpu.wait_dma2 semaphore(%arg24 : memref<!tpu.dma_semaphore, #tpu.memory_space<semaphore_mem>>) src(%dma_wait3A_101 : memref<128xi32, #tpu.memory_space<hbm>>) dst(%arg13 : memref<128xi32, #tpu.memory_space<vmem>>)
    %dma_start3A_102 = arith.constant 0 : i32
    %dma_start3A_103 = arith.constant 0 : i32
    %dma_start3A_104 = tpu.memref_slice %arg2[%dma_start3A_102, %dma_start3A_103] : memref<20000x64xf32, #tpu.memory_space<hbm>> -> memref<20000x64xf32, #tpu.memory_space<hbm>>
    tpu.enqueue_indirect_dma source(%dma_start3A_104 : memref<20000x64xf32, #tpu.memory_space<hbm>>) target(%arg17 : memref<128x64xf32, #tpu.memory_space<vmem>>) offsets(%arg9 : memref<128xi32, #tpu.memory_space<vmem>>) semaphore(%arg28 : memref<!tpu.dma_semaphore, #tpu.memory_space<semaphore_mem>>)
    %scan3A = arith.constant 0 : i32
    %scan3A_105 = arith.constant 0 : i32
    %scan3A_106 = arith.constant 40 : i32
    %scan3A_107 = arith.addi %scan3A_105, %scan3A_106 : i32
    %scan3A_108 = arith.constant 1 : i32
    scf.for %scan3A_146 = %scan3A_105 to %scan3A_107 step %scan3A_108  : i32 {
      %mul3A = arith.constant 4 : i32
      %mul3A_147 = arith.muli %mul3A, %scan3A_146 : i32
      %add3A_148 = arith.constant 0 : i32
      %add3A_149 = arith.addi %mul3A_147, %add3A_148 : i32
      %add3A_150 = arith.constant 4 : i32
      %add3A_151 = arith.addi %add3A_149, %add3A_150 : i32
      %sub3A = arith.constant 1 : i32
      %sub3A_152 = arith.subi %add3A_151, %sub3A : i32
      %lt3A_153 = arith.constant 160 : i32
      %lt3A_154 = arith.cmpi slt, %sub3A_152, %lt3A_153 : i32
      %convert_element_type3A_155 = arith.extui %lt3A_154 : i1 to i32
      %cond3A_156 = arith.constant 0 : i32
      %cond3A_157 = arith.cmpi ne, %convert_element_type3A_155, %cond3A_156 : i32
      scf.if %cond3A_157 {
        %add3A_237 = arith.constant 4 : i32
        %add3A_238 = arith.addi %add3A_149, %add3A_237 : i32
        %sub3A_239 = arith.constant 1 : i32
        %sub3A_240 = arith.subi %add3A_238, %sub3A_239 : i32
        %dma_start3A_241 = arith.constant 0 : i32
        %dma_start3A_242 = tpu.memref_slice %arg3[%arg0, %arg1, %sub3A_240, %dma_start3A_241] : memref<2x16x160x128xi32, #tpu.memory_space<hbm>> -> memref<1x1x1x128xi32, #tpu.memory_space<hbm>>
        %dma_start3A_243 = tpu.memref_squeeze %dma_start3A_242 : memref<1x1x1x128xi32, #tpu.memory_space<hbm>> -> memref<128xi32, #tpu.memory_space<hbm>>
        %dma_start3A_244 = arith.constant 0 : i32
        %dma_start3A_245 = tpu.memref_slice %arg3[%arg0, %arg1, %sub3A_240, %dma_start3A_244] : memref<2x16x160x128xi32, #tpu.memory_space<hbm>> -> memref<1x1x1x128xi32, #tpu.memory_space<hbm>>
        %dma_start3A_246 = tpu.memref_squeeze %dma_start3A_245 : memref<1x1x1x128xi32, #tpu.memory_space<hbm>> -> memref<128xi32, #tpu.memory_space<hbm>>
        tpu.enqueue_dma source(%dma_start3A_246 : memref<128xi32, #tpu.memory_space<hbm>>) target(%arg11 : memref<128xi32, #tpu.memory_space<vmem>>) target_semaphore(%arg26 : memref<!tpu.dma_semaphore, #tpu.memory_space<semaphore_mem>>)
        %dma_start3A_247 = arith.constant 0 : i32
        %dma_start3A_248 = tpu.memref_slice %arg4[%arg1, %sub3A_240, %dma_start3A_247] : memref<16x160x128xi32, #tpu.memory_space<hbm>> -> memref<1x1x128xi32, #tpu.memory_space<hbm>>
        %dma_start3A_249 = tpu.memref_squeeze %dma_start3A_248 : memref<1x1x128xi32, #tpu.memory_space<hbm>> -> memref<128xi32, #tpu.memory_space<hbm>>
        %dma_start3A_250 = arith.constant 0 : i32
        %dma_start3A_251 = tpu.memref_slice %arg4[%arg1, %sub3A_240, %dma_start3A_250] : memref<16x160x128xi32, #tpu.memory_space<hbm>> -> memref<1x1x128xi32, #tpu.memory_space<hbm>>
        %dma_start3A_252 = tpu.memref_squeeze %dma_start3A_251 : memref<1x1x128xi32, #tpu.memory_space<hbm>> -> memref<128xi32, #tpu.memory_space<hbm>>
        tpu.enqueue_dma source(%dma_start3A_252 : memref<128xi32, #tpu.memory_space<hbm>>) target(%arg15 : memref<128xi32, #tpu.memory_space<vmem>>) target_semaphore(%arg26 : memref<!tpu.dma_semaphore, #tpu.memory_space<semaphore_mem>>)
      } else {
      }
      %dma_wait3A_158 = arith.constant 0 : i32
      %dma_wait3A_159 = arith.constant 0 : i32
      %dma_wait3A_160 = tpu.memref_slice %arg2[%dma_wait3A_158, %dma_wait3A_159] : memref<20000x64xf32, #tpu.memory_space<hbm>> -> memref<20000x64xf32, #tpu.memory_space<hbm>>
      tpu.wait_indirect_dma semaphore(%arg27 : memref<!tpu.dma_semaphore, #tpu.memory_space<semaphore_mem>>) src(%dma_wait3A_160 : memref<20000x64xf32, #tpu.memory_space<hbm>>) dst(%arg16 : memref<128x64xf32, #tpu.memory_space<vmem>>)
      %add3A_161 = arith.constant 2 : i32
      %add3A_162 = arith.addi %add3A_149, %add3A_161 : i32
      %lt3A_163 = arith.constant 160 : i32
      %lt3A_164 = arith.cmpi slt, %add3A_162, %lt3A_163 : i32
      %convert_element_type3A_165 = arith.extui %lt3A_164 : i1 to i32
      %cond3A_166 = arith.constant 0 : i32
      %cond3A_167 = arith.cmpi ne, %convert_element_type3A_165, %cond3A_166 : i32
      scf.if %cond3A_167 {
        %add3A_237 = arith.constant 2 : i32
        %add3A_238 = arith.addi %add3A_149, %add3A_237 : i32
        %dma_wait3A_239 = arith.constant 0 : i32
        %dma_wait3A_240 = tpu.memref_slice %arg3[%arg0, %arg1, %add3A_238, %dma_wait3A_239] : memref<2x16x160x128xi32, #tpu.memory_space<hbm>> -> memref<1x1x1x128xi32, #tpu.memory_space<hbm>>
        %dma_wait3A_241 = tpu.memref_squeeze %dma_wait3A_240 : memref<1x1x1x128xi32, #tpu.memory_space<hbm>> -> memref<128xi32, #tpu.memory_space<hbm>>
        %dma_wait3A_242 = arith.constant 0 : i32
        %dma_wait3A_243 = tpu.memref_slice %arg3[%arg0, %arg1, %add3A_238, %dma_wait3A_242] : memref<2x16x160x128xi32, #tpu.memory_space<hbm>> -> memref<1x1x1x128xi32, #tpu.memory_space<hbm>>
        %dma_wait3A_244 = tpu.memref_squeeze %dma_wait3A_243 : memref<1x1x1x128xi32, #tpu.memory_space<hbm>> -> memref<128xi32, #tpu.memory_space<hbm>>
        tpu.wait_dma2 semaphore(%arg25 : memref<!tpu.dma_semaphore, #tpu.memory_space<semaphore_mem>>) src(%dma_wait3A_244 : memref<128xi32, #tpu.memory_space<hbm>>) dst(%arg10 : memref<128xi32, #tpu.memory_space<vmem>>)
        %dma_wait3A_245 = arith.constant 0 : i32
        %dma_wait3A_246 = tpu.memref_slice %arg4[%arg1, %add3A_238, %dma_wait3A_245] : memref<16x160x128xi32, #tpu.memory_space<hbm>> -> memref<1x1x128xi32, #tpu.memory_space<hbm>>
        %dma_wait3A_247 = tpu.memref_squeeze %dma_wait3A_246 : memref<1x1x128xi32, #tpu.memory_space<hbm>> -> memref<128xi32, #tpu.memory_space<hbm>>
        %dma_wait3A_248 = arith.constant 0 : i32
        %dma_wait3A_249 = tpu.memref_slice %arg4[%arg1, %add3A_238, %dma_wait3A_248] : memref<16x160x128xi32, #tpu.memory_space<hbm>> -> memref<1x1x128xi32, #tpu.memory_space<hbm>>
        %dma_wait3A_250 = tpu.memref_squeeze %dma_wait3A_249 : memref<1x1x128xi32, #tpu.memory_space<hbm>> -> memref<128xi32, #tpu.memory_space<hbm>>
        tpu.wait_dma2 semaphore(%arg25 : memref<!tpu.dma_semaphore, #tpu.memory_space<semaphore_mem>>) src(%dma_wait3A_250 : memref<128xi32, #tpu.memory_space<hbm>>) dst(%arg14 : memref<128xi32, #tpu.memory_space<vmem>>)
        %dma_start3A_251 = arith.constant 0 : i32
        %dma_start3A_252 = arith.constant 0 : i32
        %dma_start3A_253 = tpu.memref_slice %arg2[%dma_start3A_251, %dma_start3A_252] : memref<20000x64xf32, #tpu.memory_space<hbm>> -> memref<20000x64xf32, #tpu.memory_space<hbm>>
        tpu.enqueue_indirect_dma source(%dma_start3A_253 : memref<20000x64xf32, #tpu.memory_space<hbm>>) target(%arg18 : memref<128x64xf32, #tpu.memory_space<vmem>>) offsets(%arg10 : memref<128xi32, #tpu.memory_space<vmem>>) semaphore(%arg29 : memref<!tpu.dma_semaphore, #tpu.memory_space<semaphore_mem>>)
      } else {
      }
      "tpu.region"() ({
        %run_scoped3A = tpu.sem_alloc : memref<!tpu.dma_semaphore, #tpu.memory_space<semaphore_mem>>
        %dma_start3A_237 = arith.constant 0 : i32
        %dma_start3A_238 = arith.constant 0 : i32
        %dma_start3A_239 = tpu.memref_slice %arg21[%dma_start3A_237, %dma_start3A_238] : memref<10112x64xf32, #tpu.memory_space<vmem_shared>> -> memref<10112x64xf32, #tpu.memory_space<vmem_shared>>
        tpu.enqueue_indirect_dma source(%arg16 : memref<128x64xf32, #tpu.memory_space<vmem>>) target(%dma_start3A_239 : memref<10112x64xf32, #tpu.memory_space<vmem_shared>>) offsets(%arg12 : memref<128xi32, #tpu.memory_space<vmem>>) semaphore(%run_scoped3A : memref<!tpu.dma_semaphore, #tpu.memory_space<semaphore_mem>>) {add = true}
        %dma_wait3A_240 = arith.constant 0 : i32
        %dma_wait3A_241 = arith.constant 0 : i32
        %dma_wait3A_242 = tpu.memref_slice %arg21[%dma_wait3A_240, %dma_wait3A_241] : memref<10112x64xf32, #tpu.memory_space<vmem_shared>> -> memref<10112x64xf32, #tpu.memory_space<vmem_shared>>
        tpu.wait_indirect_dma semaphore(%run_scoped3A : memref<!tpu.dma_semaphore, #tpu.memory_space<semaphore_mem>>) src(%arg16 : memref<128x64xf32, #tpu.memory_space<vmem>>) dst(%dma_wait3A_242 : memref<10112x64xf32, #tpu.memory_space<vmem_shared>>)
        tpu.yield
      }) : () -> ()
      %mul3A_168 = arith.constant 4 : i32
      %mul3A_169 = arith.muli %mul3A_168, %scan3A_146 : i32
      %add3A_170 = arith.constant 1 : i32
      %add3A_171 = arith.addi %mul3A_169, %add3A_170 : i32
      %add3A_172 = arith.constant 4 : i32
      %add3A_173 = arith.addi %add3A_171, %add3A_172 : i32
      %sub3A_174 = arith.constant 1 : i32
      %sub3A_175 = arith.subi %add3A_173, %sub3A_174 : i32
      %lt3A_176 = arith.constant 160 : i32
      %lt3A_177 = arith.cmpi slt, %sub3A_175, %lt3A_176 : i32
      %convert_element_type3A_178 = arith.extui %lt3A_177 : i1 to i32
      %cond3A_179 = arith.constant 0 : i32
      %cond3A_180 = arith.cmpi ne, %convert_element_type3A_178, %cond3A_179 : i32
      scf.if %cond3A_180 {
        %add3A_237 = arith.constant 4 : i32
        %add3A_238 = arith.addi %add3A_171, %add3A_237 : i32
        %sub3A_239 = arith.constant 1 : i32
        %sub3A_240 = arith.subi %add3A_238, %sub3A_239 : i32
        %dma_start3A_241 = arith.constant 0 : i32
        %dma_start3A_242 = tpu.memref_slice %arg3[%arg0, %arg1, %sub3A_240, %dma_start3A_241] : memref<2x16x160x128xi32, #tpu.memory_space<hbm>> -> memref<1x1x1x128xi32, #tpu.memory_space<hbm>>
        %dma_start3A_243 = tpu.memref_squeeze %dma_start3A_242 : memref<1x1x1x128xi32, #tpu.memory_space<hbm>> -> memref<128xi32, #tpu.memory_space<hbm>>
        %dma_start3A_244 = arith.constant 0 : i32
        %dma_start3A_245 = tpu.memref_slice %arg3[%arg0, %arg1, %sub3A_240, %dma_start3A_244] : memref<2x16x160x128xi32, #tpu.memory_space<hbm>> -> memref<1x1x1x128xi32, #tpu.memory_space<hbm>>
        %dma_start3A_246 = tpu.memref_squeeze %dma_start3A_245 : memref<1x1x1x128xi32, #tpu.memory_space<hbm>> -> memref<128xi32, #tpu.memory_space<hbm>>
        tpu.enqueue_dma source(%dma_start3A_246 : memref<128xi32, #tpu.memory_space<hbm>>) target(%arg8 : memref<128xi32, #tpu.memory_space<vmem>>) target_semaphore(%arg23 : memref<!tpu.dma_semaphore, #tpu.memory_space<semaphore_mem>>)
        %dma_start3A_247 = arith.constant 0 : i32
        %dma_start3A_248 = tpu.memref_slice %arg4[%arg1, %sub3A_240, %dma_start3A_247] : memref<16x160x128xi32, #tpu.memory_space<hbm>> -> memref<1x1x128xi32, #tpu.memory_space<hbm>>
        %dma_start3A_249 = tpu.memref_squeeze %dma_start3A_248 : memref<1x1x128xi32, #tpu.memory_space<hbm>> -> memref<128xi32, #tpu.memory_space<hbm>>
        %dma_start3A_250 = arith.constant 0 : i32
        %dma_start3A_251 = tpu.memref_slice %arg4[%arg1, %sub3A_240, %dma_start3A_250] : memref<16x160x128xi32, #tpu.memory_space<hbm>> -> memref<1x1x128xi32, #tpu.memory_space<hbm>>
        %dma_start3A_252 = tpu.memref_squeeze %dma_start3A_251 : memref<1x1x128xi32, #tpu.memory_space<hbm>> -> memref<128xi32, #tpu.memory_space<hbm>>
        tpu.enqueue_dma source(%dma_start3A_252 : memref<128xi32, #tpu.memory_space<hbm>>) target(%arg12 : memref<128xi32, #tpu.memory_space<vmem>>) target_semaphore(%arg23 : memref<!tpu.dma_semaphore, #tpu.memory_space<semaphore_mem>>)
      } else {
      }
      %dma_wait3A_181 = arith.constant 0 : i32
      %dma_wait3A_182 = arith.constant 0 : i32
      %dma_wait3A_183 = tpu.memref_slice %arg2[%dma_wait3A_181, %dma_wait3A_182] : memref<20000x64xf32, #tpu.memory_space<hbm>> -> memref<20000x64xf32, #tpu.memory_space<hbm>>
      tpu.wait_indirect_dma semaphore(%arg28 : memref<!tpu.dma_semaphore, #tpu.memory_space<semaphore_mem>>) src(%dma_wait3A_183 : memref<20000x64xf32, #tpu.memory_space<hbm>>) dst(%arg17 : memref<128x64xf32, #tpu.memory_space<vmem>>)
      %add3A_184 = arith.constant 2 : i32
      %add3A_185 = arith.addi %add3A_171, %add3A_184 : i32
      %lt3A_186 = arith.constant 160 : i32
      %lt3A_187 = arith.cmpi slt, %add3A_185, %lt3A_186 : i32
      %convert_element_type3A_188 = arith.extui %lt3A_187 : i1 to i32
      %cond3A_189 = arith.constant 0 : i32
      %cond3A_190 = arith.cmpi ne, %convert_element_type3A_188, %cond3A_189 : i32
      scf.if %cond3A_190 {
        %add3A_237 = arith.constant 2 : i32
        %add3A_238 = arith.addi %add3A_171, %add3A_237 : i32
        %dma_wait3A_239 = arith.constant 0 : i32
        %dma_wait3A_240 = tpu.memref_slice %arg3[%arg0, %arg1, %add3A_238, %dma_wait3A_239] : memref<2x16x160x128xi32, #tpu.memory_space<hbm>> -> memref<1x1x1x128xi32, #tpu.memory_space<hbm>>
        %dma_wait3A_241 = tpu.memref_squeeze %dma_wait3A_240 : memref<1x1x1x128xi32, #tpu.memory_space<hbm>> -> memref<128xi32, #tpu.memory_space<hbm>>
        %dma_wait3A_242 = arith.constant 0 : i32
        %dma_wait3A_243 = tpu.memref_slice %arg3[%arg0, %arg1, %add3A_238, %dma_wait3A_242] : memref<2x16x160x128xi32, #tpu.memory_space<hbm>> -> memref<1x1x1x128xi32, #tpu.memory_space<hbm>>
        %dma_wait3A_244 = tpu.memref_squeeze %dma_wait3A_243 : memref<1x1x1x128xi32, #tpu.memory_space<hbm>> -> memref<128xi32, #tpu.memory_space<hbm>>
        tpu.wait_dma2 semaphore(%arg26 : memref<!tpu.dma_semaphore, #tpu.memory_space<semaphore_mem>>) src(%dma_wait3A_244 : memref<128xi32, #tpu.memory_space<hbm>>) dst(%arg11 : memref<128xi32, #tpu.memory_space<vmem>>)
        %dma_wait3A_245 = arith.constant 0 : i32
        %dma_wait3A_246 = tpu.memref_slice %arg4[%arg1, %add3A_238, %dma_wait3A_245] : memref<16x160x128xi32, #tpu.memory_space<hbm>> -> memref<1x1x128xi32, #tpu.memory_space<hbm>>
        %dma_wait3A_247 = tpu.memref_squeeze %dma_wait3A_246 : memref<1x1x128xi32, #tpu.memory_space<hbm>> -> memref<128xi32, #tpu.memory_space<hbm>>
        %dma_wait3A_248 = arith.constant 0 : i32
        %dma_wait3A_249 = tpu.memref_slice %arg4[%arg1, %add3A_238, %dma_wait3A_248] : memref<16x160x128xi32, #tpu.memory_space<hbm>> -> memref<1x1x128xi32, #tpu.memory_space<hbm>>
        %dma_wait3A_250 = tpu.memref_squeeze %dma_wait3A_249 : memref<1x1x128xi32, #tpu.memory_space<hbm>> -> memref<128xi32, #tpu.memory_space<hbm>>
        tpu.wait_dma2 semaphore(%arg26 : memref<!tpu.dma_semaphore, #tpu.memory_space<semaphore_mem>>) src(%dma_wait3A_250 : memref<128xi32, #tpu.memory_space<hbm>>) dst(%arg15 : memref<128xi32, #tpu.memory_space<vmem>>)
        %dma_start3A_251 = arith.constant 0 : i32
        %dma_start3A_252 = arith.constant 0 : i32
        %dma_start3A_253 = tpu.memref_slice %arg2[%dma_start3A_251, %dma_start3A_252] : memref<20000x64xf32, #tpu.memory_space<hbm>> -> memref<20000x64xf32, #tpu.memory_space<hbm>>
        tpu.enqueue_indirect_dma source(%dma_start3A_253 : memref<20000x64xf32, #tpu.memory_space<hbm>>) target(%arg19 : memref<128x64xf32, #tpu.memory_space<vmem>>) offsets(%arg11 : memref<128xi32, #tpu.memory_space<vmem>>) semaphore(%arg30 : memref<!tpu.dma_semaphore, #tpu.memory_space<semaphore_mem>>)
      } else {
      }
      "tpu.region"() ({
        %run_scoped3A = tpu.sem_alloc : memref<!tpu.dma_semaphore, #tpu.memory_space<semaphore_mem>>
        %dma_start3A_237 = arith.constant 0 : i32
        %dma_start3A_238 = arith.constant 0 : i32
        %dma_start3A_239 = tpu.memref_slice %arg21[%dma_start3A_237, %dma_start3A_238] : memref<10112x64xf32, #tpu.memory_space<vmem_shared>> -> memref<10112x64xf32, #tpu.memory_space<vmem_shared>>
        tpu.enqueue_indirect_dma source(%arg17 : memref<128x64xf32, #tpu.memory_space<vmem>>) target(%dma_start3A_239 : memref<10112x64xf32, #tpu.memory_space<vmem_shared>>) offsets(%arg13 : memref<128xi32, #tpu.memory_space<vmem>>) semaphore(%run_scoped3A : memref<!tpu.dma_semaphore, #tpu.memory_space<semaphore_mem>>) {add = true}
        %dma_wait3A_240 = arith.constant 0 : i32
        %dma_wait3A_241 = arith.constant 0 : i32
        %dma_wait3A_242 = tpu.memref_slice %arg21[%dma_wait3A_240, %dma_wait3A_241] : memref<10112x64xf32, #tpu.memory_space<vmem_shared>> -> memref<10112x64xf32, #tpu.memory_space<vmem_shared>>
        tpu.wait_indirect_dma semaphore(%run_scoped3A : memref<!tpu.dma_semaphore, #tpu.memory_space<semaphore_mem>>) src(%arg17 : memref<128x64xf32, #tpu.memory_space<vmem>>) dst(%dma_wait3A_242 : memref<10112x64xf32, #tpu.memory_space<vmem_shared>>)
        tpu.yield
      }) : () -> ()
      %mul3A_191 = arith.constant 4 : i32
      %mul3A_192 = arith.muli %mul3A_191, %scan3A_146 : i32
      %add3A_193 = arith.constant 2 : i32
      %add3A_194 = arith.addi %mul3A_192, %add3A_193 : i32
      %add3A_195 = arith.constant 4 : i32
      %add3A_196 = arith.addi %add3A_194, %add3A_195 : i32
      %sub3A_197 = arith.constant 1 : i32
      %sub3A_198 = arith.subi %add3A_196, %sub3A_197 : i32
      %lt3A_199 = arith.constant 160 : i32
      %lt3A_200 = arith.cmpi slt, %sub3A_198, %lt3A_199 : i32
      %convert_element_type3A_201 = arith.extui %lt3A_200 : i1 to i32
      %cond3A_202 = arith.constant 0 : i32
      %cond3A_203 = arith.cmpi ne, %convert_element_type3A_201, %cond3A_202 : i32
      scf.if %cond3A_203 {
        %add3A_237 = arith.constant 4 : i32
        %add3A_238 = arith.addi %add3A_194, %add3A_237 : i32
        %sub3A_239 = arith.constant 1 : i32
        %sub3A_240 = arith.subi %add3A_238, %sub3A_239 : i32
        %dma_start3A_241 = arith.constant 0 : i32
        %dma_start3A_242 = tpu.memref_slice %arg3[%arg0, %arg1, %sub3A_240, %dma_start3A_241] : memref<2x16x160x128xi32, #tpu.memory_space<hbm>> -> memref<1x1x1x128xi32, #tpu.memory_space<hbm>>
        %dma_start3A_243 = tpu.memref_squeeze %dma_start3A_242 : memref<1x1x1x128xi32, #tpu.memory_space<hbm>> -> memref<128xi32, #tpu.memory_space<hbm>>
        %dma_start3A_244 = arith.constant 0 : i32
        %dma_start3A_245 = tpu.memref_slice %arg3[%arg0, %arg1, %sub3A_240, %dma_start3A_244] : memref<2x16x160x128xi32, #tpu.memory_space<hbm>> -> memref<1x1x1x128xi32, #tpu.memory_space<hbm>>
        %dma_start3A_246 = tpu.memref_squeeze %dma_start3A_245 : memref<1x1x1x128xi32, #tpu.memory_space<hbm>> -> memref<128xi32, #tpu.memory_space<hbm>>
        tpu.enqueue_dma source(%dma_start3A_246 : memref<128xi32, #tpu.memory_space<hbm>>) target(%arg9 : memref<128xi32, #tpu.memory_space<vmem>>) target_semaphore(%arg24 : memref<!tpu.dma_semaphore, #tpu.memory_space<semaphore_mem>>)
        %dma_start3A_247 = arith.constant 0 : i32
        %dma_start3A_248 = tpu.memref_slice %arg4[%arg1, %sub3A_240, %dma_start3A_247] : memref<16x160x128xi32, #tpu.memory_space<hbm>> -> memref<1x1x128xi32, #tpu.memory_space<hbm>>
        %dma_start3A_249 = tpu.memref_squeeze %dma_start3A_248 : memref<1x1x128xi32, #tpu.memory_space<hbm>> -> memref<128xi32, #tpu.memory_space<hbm>>
        %dma_start3A_250 = arith.constant 0 : i32
        %dma_start3A_251 = tpu.memref_slice %arg4[%arg1, %sub3A_240, %dma_start3A_250] : memref<16x160x128xi32, #tpu.memory_space<hbm>> -> memref<1x1x128xi32, #tpu.memory_space<hbm>>
        %dma_start3A_252 = tpu.memref_squeeze %dma_start3A_251 : memref<1x1x128xi32, #tpu.memory_space<hbm>> -> memref<128xi32, #tpu.memory_space<hbm>>
        tpu.enqueue_dma source(%dma_start3A_252 : memref<128xi32, #tpu.memory_space<hbm>>) target(%arg13 : memref<128xi32, #tpu.memory_space<vmem>>) target_semaphore(%arg24 : memref<!tpu.dma_semaphore, #tpu.memory_space<semaphore_mem>>)
      } else {
      }
      %dma_wait3A_204 = arith.constant 0 : i32
      %dma_wait3A_205 = arith.constant 0 : i32
      %dma_wait3A_206 = tpu.memref_slice %arg2[%dma_wait3A_204, %dma_wait3A_205] : memref<20000x64xf32, #tpu.memory_space<hbm>> -> memref<20000x64xf32, #tpu.memory_space<hbm>>
      tpu.wait_indirect_dma semaphore(%arg29 : memref<!tpu.dma_semaphore, #tpu.memory_space<semaphore_mem>>) src(%dma_wait3A_206 : memref<20000x64xf32, #tpu.memory_space<hbm>>) dst(%arg18 : memref<128x64xf32, #tpu.memory_space<vmem>>)
      %add3A_207 = arith.constant 2 : i32
      %add3A_208 = arith.addi %add3A_194, %add3A_207 : i32
      %lt3A_209 = arith.constant 160 : i32
      %lt3A_210 = arith.cmpi slt, %add3A_208, %lt3A_209 : i32
      %convert_element_type3A_211 = arith.extui %lt3A_210 : i1 to i32
      %cond3A_212 = arith.constant 0 : i32
      %cond3A_213 = arith.cmpi ne, %convert_element_type3A_211, %cond3A_212 : i32
      scf.if %cond3A_213 {
        %add3A_237 = arith.constant 2 : i32
        %add3A_238 = arith.addi %add3A_194, %add3A_237 : i32
        %dma_wait3A_239 = arith.constant 0 : i32
        %dma_wait3A_240 = tpu.memref_slice %arg3[%arg0, %arg1, %add3A_238, %dma_wait3A_239] : memref<2x16x160x128xi32, #tpu.memory_space<hbm>> -> memref<1x1x1x128xi32, #tpu.memory_space<hbm>>
        %dma_wait3A_241 = tpu.memref_squeeze %dma_wait3A_240 : memref<1x1x1x128xi32, #tpu.memory_space<hbm>> -> memref<128xi32, #tpu.memory_space<hbm>>
        %dma_wait3A_242 = arith.constant 0 : i32
        %dma_wait3A_243 = tpu.memref_slice %arg3[%arg0, %arg1, %add3A_238, %dma_wait3A_242] : memref<2x16x160x128xi32, #tpu.memory_space<hbm>> -> memref<1x1x1x128xi32, #tpu.memory_space<hbm>>
        %dma_wait3A_244 = tpu.memref_squeeze %dma_wait3A_243 : memref<1x1x1x128xi32, #tpu.memory_space<hbm>> -> memref<128xi32, #tpu.memory_space<hbm>>
        tpu.wait_dma2 semaphore(%arg23 : memref<!tpu.dma_semaphore, #tpu.memory_space<semaphore_mem>>) src(%dma_wait3A_244 : memref<128xi32, #tpu.memory_space<hbm>>) dst(%arg8 : memref<128xi32, #tpu.memory_space<vmem>>)
        %dma_wait3A_245 = arith.constant 0 : i32
        %dma_wait3A_246 = tpu.memref_slice %arg4[%arg1, %add3A_238, %dma_wait3A_245] : memref<16x160x128xi32, #tpu.memory_space<hbm>> -> memref<1x1x128xi32, #tpu.memory_space<hbm>>
        %dma_wait3A_247 = tpu.memref_squeeze %dma_wait3A_246 : memref<1x1x128xi32, #tpu.memory_space<hbm>> -> memref<128xi32, #tpu.memory_space<hbm>>
        %dma_wait3A_248 = arith.constant 0 : i32
        %dma_wait3A_249 = tpu.memref_slice %arg4[%arg1, %add3A_238, %dma_wait3A_248] : memref<16x160x128xi32, #tpu.memory_space<hbm>> -> memref<1x1x128xi32, #tpu.memory_space<hbm>>
        %dma_wait3A_250 = tpu.memref_squeeze %dma_wait3A_249 : memref<1x1x128xi32, #tpu.memory_space<hbm>> -> memref<128xi32, #tpu.memory_space<hbm>>
        tpu.wait_dma2 semaphore(%arg23 : memref<!tpu.dma_semaphore, #tpu.memory_space<semaphore_mem>>) src(%dma_wait3A_250 : memref<128xi32, #tpu.memory_space<hbm>>) dst(%arg12 : memref<128xi32, #tpu.memory_space<vmem>>)
        %dma_start3A_251 = arith.constant 0 : i32
        %dma_start3A_252 = arith.constant 0 : i32
        %dma_start3A_253 = tpu.memref_slice %arg2[%dma_start3A_251, %dma_start3A_252] : memref<20000x64xf32, #tpu.memory_space<hbm>> -> memref<20000x64xf32, #tpu.memory_space<hbm>>
        tpu.enqueue_indirect_dma source(%dma_start3A_253 : memref<20000x64xf32, #tpu.memory_space<hbm>>) target(%arg16 : memref<128x64xf32, #tpu.memory_space<vmem>>) offsets(%arg8 : memref<128xi32, #tpu.memory_space<vmem>>) semaphore(%arg27 : memref<!tpu.dma_semaphore, #tpu.memory_space<semaphore_mem>>)
      } else {
      }
      "tpu.region"() ({
        %run_scoped3A = tpu.sem_alloc : memref<!tpu.dma_semaphore, #tpu.memory_space<semaphore_mem>>
        %dma_start3A_237 = arith.constant 0 : i32
        %dma_start3A_238 = arith.constant 0 : i32
        %dma_start3A_239 = tpu.memref_slice %arg21[%dma_start3A_237, %dma_start3A_238] : memref<10112x64xf32, #tpu.memory_space<vmem_shared>> -> memref<10112x64xf32, #tpu.memory_space<vmem_shared>>
        tpu.enqueue_indirect_dma source(%arg18 : memref<128x64xf32, #tpu.memory_space<vmem>>) target(%dma_start3A_239 : memref<10112x64xf32, #tpu.memory_space<vmem_shared>>) offsets(%arg14 : memref<128xi32, #tpu.memory_space<vmem>>) semaphore(%run_scoped3A : memref<!tpu.dma_semaphore, #tpu.memory_space<semaphore_mem>>) {add = true}
        %dma_wait3A_240 = arith.constant 0 : i32
        %dma_wait3A_241 = arith.constant 0 : i32
        %dma_wait3A_242 = tpu.memref_slice %arg21[%dma_wait3A_240, %dma_wait3A_241] : memref<10112x64xf32, #tpu.memory_space<vmem_shared>> -> memref<10112x64xf32, #tpu.memory_space<vmem_shared>>
        tpu.wait_indirect_dma semaphore(%run_scoped3A : memref<!tpu.dma_semaphore, #tpu.memory_space<semaphore_mem>>) src(%arg18 : memref<128x64xf32, #tpu.memory_space<vmem>>) dst(%dma_wait3A_242 : memref<10112x64xf32, #tpu.memory_space<vmem_shared>>)
        tpu.yield
      }) : () -> ()
      %mul3A_214 = arith.constant 4 : i32
      %mul3A_215 = arith.muli %mul3A_214, %scan3A_146 : i32
      %add3A_216 = arith.constant 3 : i32
      %add3A_217 = arith.addi %mul3A_215, %add3A_216 : i32
      %add3A_218 = arith.constant 4 : i32
      %add3A_219 = arith.addi %add3A_217, %add3A_218 : i32
      %sub3A_220 = arith.constant 1 : i32
      %sub3A_221 = arith.subi %add3A_219, %sub3A_220 : i32
      %lt3A_222 = arith.constant 160 : i32
      %lt3A_223 = arith.cmpi slt, %sub3A_221, %lt3A_222 : i32
      %convert_element_type3A_224 = arith.extui %lt3A_223 : i1 to i32
      %cond3A_225 = arith.constant 0 : i32
      %cond3A_226 = arith.cmpi ne, %convert_element_type3A_224, %cond3A_225 : i32
      scf.if %cond3A_226 {
        %add3A_237 = arith.constant 4 : i32
        %add3A_238 = arith.addi %add3A_217, %add3A_237 : i32
        %sub3A_239 = arith.constant 1 : i32
        %sub3A_240 = arith.subi %add3A_238, %sub3A_239 : i32
        %dma_start3A_241 = arith.constant 0 : i32
        %dma_start3A_242 = tpu.memref_slice %arg3[%arg0, %arg1, %sub3A_240, %dma_start3A_241] : memref<2x16x160x128xi32, #tpu.memory_space<hbm>> -> memref<1x1x1x128xi32, #tpu.memory_space<hbm>>
        %dma_start3A_243 = tpu.memref_squeeze %dma_start3A_242 : memref<1x1x1x128xi32, #tpu.memory_space<hbm>> -> memref<128xi32, #tpu.memory_space<hbm>>
        %dma_start3A_244 = arith.constant 0 : i32
        %dma_start3A_245 = tpu.memref_slice %arg3[%arg0, %arg1, %sub3A_240, %dma_start3A_244] : memref<2x16x160x128xi32, #tpu.memory_space<hbm>> -> memref<1x1x1x128xi32, #tpu.memory_space<hbm>>
        %dma_start3A_246 = tpu.memref_squeeze %dma_start3A_245 : memref<1x1x1x128xi32, #tpu.memory_space<hbm>> -> memref<128xi32, #tpu.memory_space<hbm>>
        tpu.enqueue_dma source(%dma_start3A_246 : memref<128xi32, #tpu.memory_space<hbm>>) target(%arg10 : memref<128xi32, #tpu.memory_space<vmem>>) target_semaphore(%arg25 : memref<!tpu.dma_semaphore, #tpu.memory_space<semaphore_mem>>)
        %dma_start3A_247 = arith.constant 0 : i32
        %dma_start3A_248 = tpu.memref_slice %arg4[%arg1, %sub3A_240, %dma_start3A_247] : memref<16x160x128xi32, #tpu.memory_space<hbm>> -> memref<1x1x128xi32, #tpu.memory_space<hbm>>
        %dma_start3A_249 = tpu.memref_squeeze %dma_start3A_248 : memref<1x1x128xi32, #tpu.memory_space<hbm>> -> memref<128xi32, #tpu.memory_space<hbm>>
        %dma_start3A_250 = arith.constant 0 : i32
        %dma_start3A_251 = tpu.memref_slice %arg4[%arg1, %sub3A_240, %dma_start3A_250] : memref<16x160x128xi32, #tpu.memory_space<hbm>> -> memref<1x1x128xi32, #tpu.memory_space<hbm>>
        %dma_start3A_252 = tpu.memref_squeeze %dma_start3A_251 : memref<1x1x128xi32, #tpu.memory_space<hbm>> -> memref<128xi32, #tpu.memory_space<hbm>>
        tpu.enqueue_dma source(%dma_start3A_252 : memref<128xi32, #tpu.memory_space<hbm>>) target(%arg14 : memref<128xi32, #tpu.memory_space<vmem>>) target_semaphore(%arg25 : memref<!tpu.dma_semaphore, #tpu.memory_space<semaphore_mem>>)
      } else {
      }
      %dma_wait3A_227 = arith.constant 0 : i32
      %dma_wait3A_228 = arith.constant 0 : i32
      %dma_wait3A_229 = tpu.memref_slice %arg2[%dma_wait3A_227, %dma_wait3A_228] : memref<20000x64xf32, #tpu.memory_space<hbm>> -> memref<20000x64xf32, #tpu.memory_space<hbm>>
      tpu.wait_indirect_dma semaphore(%arg30 : memref<!tpu.dma_semaphore, #tpu.memory_space<semaphore_mem>>) src(%dma_wait3A_229 : memref<20000x64xf32, #tpu.memory_space<hbm>>) dst(%arg19 : memref<128x64xf32, #tpu.memory_space<vmem>>)
      %add3A_230 = arith.constant 2 : i32
      %add3A_231 = arith.addi %add3A_217, %add3A_230 : i32
      %lt3A_232 = arith.constant 160 : i32
      %lt3A_233 = arith.cmpi slt, %add3A_231, %lt3A_232 : i32
      %convert_element_type3A_234 = arith.extui %lt3A_233 : i1 to i32
      %cond3A_235 = arith.constant 0 : i32
      %cond3A_236 = arith.cmpi ne, %convert_element_type3A_234, %cond3A_235 : i32
      scf.if %cond3A_236 {
        %add3A_237 = arith.constant 2 : i32
        %add3A_238 = arith.addi %add3A_217, %add3A_237 : i32
        %dma_wait3A_239 = arith.constant 0 : i32
        %dma_wait3A_240 = tpu.memref_slice %arg3[%arg0, %arg1, %add3A_238, %dma_wait3A_239] : memref<2x16x160x128xi32, #tpu.memory_space<hbm>> -> memref<1x1x1x128xi32, #tpu.memory_space<hbm>>
        %dma_wait3A_241 = tpu.memref_squeeze %dma_wait3A_240 : memref<1x1x1x128xi32, #tpu.memory_space<hbm>> -> memref<128xi32, #tpu.memory_space<hbm>>
        %dma_wait3A_242 = arith.constant 0 : i32
        %dma_wait3A_243 = tpu.memref_slice %arg3[%arg0, %arg1, %add3A_238, %dma_wait3A_242] : memref<2x16x160x128xi32, #tpu.memory_space<hbm>> -> memref<1x1x1x128xi32, #tpu.memory_space<hbm>>
        %dma_wait3A_244 = tpu.memref_squeeze %dma_wait3A_243 : memref<1x1x1x128xi32, #tpu.memory_space<hbm>> -> memref<128xi32, #tpu.memory_space<hbm>>
        tpu.wait_dma2 semaphore(%arg24 : memref<!tpu.dma_semaphore, #tpu.memory_space<semaphore_mem>>) src(%dma_wait3A_244 : memref<128xi32, #tpu.memory_space<hbm>>) dst(%arg9 : memref<128xi32, #tpu.memory_space<vmem>>)
        %dma_wait3A_245 = arith.constant 0 : i32
        %dma_wait3A_246 = tpu.memref_slice %arg4[%arg1, %add3A_238, %dma_wait3A_245] : memref<16x160x128xi32, #tpu.memory_space<hbm>> -> memref<1x1x128xi32, #tpu.memory_space<hbm>>
        %dma_wait3A_247 = tpu.memref_squeeze %dma_wait3A_246 : memref<1x1x128xi32, #tpu.memory_space<hbm>> -> memref<128xi32, #tpu.memory_space<hbm>>
        %dma_wait3A_248 = arith.constant 0 : i32
        %dma_wait3A_249 = tpu.memref_slice %arg4[%arg1, %add3A_238, %dma_wait3A_248] : memref<16x160x128xi32, #tpu.memory_space<hbm>> -> memref<1x1x128xi32, #tpu.memory_space<hbm>>
        %dma_wait3A_250 = tpu.memref_squeeze %dma_wait3A_249 : memref<1x1x128xi32, #tpu.memory_space<hbm>> -> memref<128xi32, #tpu.memory_space<hbm>>
        tpu.wait_dma2 semaphore(%arg24 : memref<!tpu.dma_semaphore, #tpu.memory_space<semaphore_mem>>) src(%dma_wait3A_250 : memref<128xi32, #tpu.memory_space<hbm>>) dst(%arg13 : memref<128xi32, #tpu.memory_space<vmem>>)
        %dma_start3A_251 = arith.constant 0 : i32
        %dma_start3A_252 = arith.constant 0 : i32
        %dma_start3A_253 = tpu.memref_slice %arg2[%dma_start3A_251, %dma_start3A_252] : memref<20000x64xf32, #tpu.memory_space<hbm>> -> memref<20000x64xf32, #tpu.memory_space<hbm>>
        tpu.enqueue_indirect_dma source(%dma_start3A_253 : memref<20000x64xf32, #tpu.memory_space<hbm>>) target(%arg17 : memref<128x64xf32, #tpu.memory_space<vmem>>) offsets(%arg9 : memref<128xi32, #tpu.memory_space<vmem>>) semaphore(%arg28 : memref<!tpu.dma_semaphore, #tpu.memory_space<semaphore_mem>>)
      } else {
      }
      "tpu.region"() ({
        %run_scoped3A = tpu.sem_alloc : memref<!tpu.dma_semaphore, #tpu.memory_space<semaphore_mem>>
        %dma_start3A_237 = arith.constant 0 : i32
        %dma_start3A_238 = arith.constant 0 : i32
        %dma_start3A_239 = tpu.memref_slice %arg21[%dma_start3A_237, %dma_start3A_238] : memref<10112x64xf32, #tpu.memory_space<vmem_shared>> -> memref<10112x64xf32, #tpu.memory_space<vmem_shared>>
        tpu.enqueue_indirect_dma source(%arg19 : memref<128x64xf32, #tpu.memory_space<vmem>>) target(%dma_start3A_239 : memref<10112x64xf32, #tpu.memory_space<vmem_shared>>) offsets(%arg15 : memref<128xi32, #tpu.memory_space<vmem>>) semaphore(%run_scoped3A : memref<!tpu.dma_semaphore, #tpu.memory_space<semaphore_mem>>) {add = true}
        %dma_wait3A_240 = arith.constant 0 : i32
        %dma_wait3A_241 = arith.constant 0 : i32
        %dma_wait3A_242 = tpu.memref_slice %arg21[%dma_wait3A_240, %dma_wait3A_241] : memref<10112x64xf32, #tpu.memory_space<vmem_shared>> -> memref<10112x64xf32, #tpu.memory_space<vmem_shared>>
        tpu.wait_indirect_dma semaphore(%run_scoped3A : memref<!tpu.dma_semaphore, #tpu.memory_space<semaphore_mem>>) src(%arg19 : memref<128x64xf32, #tpu.memory_space<vmem>>) dst(%dma_wait3A_242 : memref<10112x64xf32, #tpu.memory_space<vmem_shared>>)
        tpu.yield
      }) : () -> ()
    }
    %scan3A_109 = arith.constant 40 : i32
    %barrier3A_110 = arith.constant 0 : index
    tpu.barrier barrier_id(%barrier3A_110)
    %add3A_111 = arith.constant 0 : i32
    %add3A_112 = arith.addi %add3A_111, %arg1 : i32
    %lt3A_113 = arith.constant 79 : i32
    %lt3A_114 = arith.cmpi slt, %add3A_112, %lt3A_113 : i32
    %convert_element_type3A_115 = arith.extui %lt3A_114 : i1 to i32
    %cond3A_116 = arith.constant 0 : i32
    %cond3A_117 = arith.cmpi ne, %convert_element_type3A_115, %cond3A_116 : i32
    scf.if %cond3A_117 {
      %mul3A = arith.constant 128 : i32
      %mul3A_146 = arith.muli %add3A_112, %mul3A : i32
      %mul3A_147 = arith.constant 128 : i32
      %mul3A_148 = arith.muli %add3A_112, %mul3A_147 : i32
      "tpu.region"() ({
        %run_scoped3A = tpu.sem_alloc : memref<!tpu.dma_semaphore, #tpu.memory_space<semaphore_mem>>
        %dma_start3A_149 = arith.constant 0 : i32
        %dma_start3A_150 = tpu.memref_slice %arg7[%arg0, %mul3A_148, %dma_start3A_149] : memref<2x10112x64xf32, #tpu.memory_space<hbm>> -> memref<1x128x64xf32, #tpu.memory_space<hbm>>
        %dma_start3A_151 = tpu.memref_squeeze %dma_start3A_150 : memref<1x128x64xf32, #tpu.memory_space<hbm>> -> memref<128x64xf32, #tpu.memory_space<hbm>>
        %dma_start3A_152 = arith.constant 0 : i32
        %dma_start3A_153 = tpu.memref_slice %arg21[%mul3A_146, %dma_start3A_152] : memref<10112x64xf32, #tpu.memory_space<vmem_shared>> -> memref<128x64xf32, #tpu.memory_space<vmem_shared>>
        tpu.enqueue_dma source(%dma_start3A_153 : memref<128x64xf32, #tpu.memory_space<vmem_shared>>) target(%dma_start3A_151 : memref<128x64xf32, #tpu.memory_space<hbm>>) target_semaphore(%run_scoped3A : memref<!tpu.dma_semaphore, #tpu.memory_space<semaphore_mem>>)
        %dma_wait3A_154 = arith.constant 0 : i32
        %dma_wait3A_155 = tpu.memref_slice %arg7[%arg0, %mul3A_148, %dma_wait3A_154] : memref<2x10112x64xf32, #tpu.memory_space<hbm>> -> memref<1x128x64xf32, #tpu.memory_space<hbm>>
        %dma_wait3A_156 = tpu.memref_squeeze %dma_wait3A_155 : memref<1x128x64xf32, #tpu.memory_space<hbm>> -> memref<128x64xf32, #tpu.memory_space<hbm>>
        %dma_wait3A_157 = arith.constant 0 : i32
        %dma_wait3A_158 = tpu.memref_slice %arg21[%mul3A_146, %dma_wait3A_157] : memref<10112x64xf32, #tpu.memory_space<vmem_shared>> -> memref<128x64xf32, #tpu.memory_space<vmem_shared>>
        tpu.wait_dma2 semaphore(%run_scoped3A : memref<!tpu.dma_semaphore, #tpu.memory_space<semaphore_mem>>) src(%dma_wait3A_158 : memref<128x64xf32, #tpu.memory_space<vmem_shared>>) dst(%dma_wait3A_156 : memref<128x64xf32, #tpu.memory_space<hbm>>)
        tpu.yield
      }) : () -> ()
    } else {
    }
    %add3A_118 = arith.constant 16 : i32
    %add3A_119 = arith.addi %add3A_118, %arg1 : i32
    %lt3A_120 = arith.constant 79 : i32
    %lt3A_121 = arith.cmpi slt, %add3A_119, %lt3A_120 : i32
    %convert_element_type3A_122 = arith.extui %lt3A_121 : i1 to i32
    %cond3A_123 = arith.constant 0 : i32
    %cond3A_124 = arith.cmpi ne, %convert_element_type3A_122, %cond3A_123 : i32
    scf.if %cond3A_124 {
      %mul3A = arith.constant 128 : i32
      %mul3A_146 = arith.muli %add3A_119, %mul3A : i32
      %mul3A_147 = arith.constant 128 : i32
      %mul3A_148 = arith.muli %add3A_119, %mul3A_147 : i32
      "tpu.region"() ({
        %run_scoped3A = tpu.sem_alloc : memref<!tpu.dma_semaphore, #tpu.memory_space<semaphore_mem>>
        %dma_start3A_149 = arith.constant 0 : i32
        %dma_start3A_150 = tpu.memref_slice %arg7[%arg0, %mul3A_148, %dma_start3A_149] : memref<2x10112x64xf32, #tpu.memory_space<hbm>> -> memref<1x128x64xf32, #tpu.memory_space<hbm>>
        %dma_start3A_151 = tpu.memref_squeeze %dma_start3A_150 : memref<1x128x64xf32, #tpu.memory_space<hbm>> -> memref<128x64xf32, #tpu.memory_space<hbm>>
        %dma_start3A_152 = arith.constant 0 : i32
        %dma_start3A_153 = tpu.memref_slice %arg21[%mul3A_146, %dma_start3A_152] : memref<10112x64xf32, #tpu.memory_space<vmem_shared>> -> memref<128x64xf32, #tpu.memory_space<vmem_shared>>
        tpu.enqueue_dma source(%dma_start3A_153 : memref<128x64xf32, #tpu.memory_space<vmem_shared>>) target(%dma_start3A_151 : memref<128x64xf32, #tpu.memory_space<hbm>>) target_semaphore(%run_scoped3A : memref<!tpu.dma_semaphore, #tpu.memory_space<semaphore_mem>>)
        %dma_wait3A_154 = arith.constant 0 : i32
        %dma_wait3A_155 = tpu.memref_slice %arg7[%arg0, %mul3A_148, %dma_wait3A_154] : memref<2x10112x64xf32, #tpu.memory_space<hbm>> -> memref<1x128x64xf32, #tpu.memory_space<hbm>>
        %dma_wait3A_156 = tpu.memref_squeeze %dma_wait3A_155 : memref<1x128x64xf32, #tpu.memory_space<hbm>> -> memref<128x64xf32, #tpu.memory_space<hbm>>
        %dma_wait3A_157 = arith.constant 0 : i32
        %dma_wait3A_158 = tpu.memref_slice %arg21[%mul3A_146, %dma_wait3A_157] : memref<10112x64xf32, #tpu.memory_space<vmem_shared>> -> memref<128x64xf32, #tpu.memory_space<vmem_shared>>
        tpu.wait_dma2 semaphore(%run_scoped3A : memref<!tpu.dma_semaphore, #tpu.memory_space<semaphore_mem>>) src(%dma_wait3A_158 : memref<128x64xf32, #tpu.memory_space<vmem_shared>>) dst(%dma_wait3A_156 : memref<128x64xf32, #tpu.memory_space<hbm>>)
        tpu.yield
      }) : () -> ()
    } else {
    }
    %add3A_125 = arith.constant 32 : i32
    %add3A_126 = arith.addi %add3A_125, %arg1 : i32
    %lt3A_127 = arith.constant 79 : i32
    %lt3A_128 = arith.cmpi slt, %add3A_126, %lt3A_127 : i32
    %convert_element_type3A_129 = arith.extui %lt3A_128 : i1 to i32
    %cond3A_130 = arith.constant 0 : i32
    %cond3A_131 = arith.cmpi ne, %convert_element_type3A_129, %cond3A_130 : i32
    scf.if %cond3A_131 {
      %mul3A = arith.constant 128 : i32
      %mul3A_146 = arith.muli %add3A_126, %mul3A : i32
      %mul3A_147 = arith.constant 128 : i32
      %mul3A_148 = arith.muli %add3A_126, %mul3A_147 : i32
      "tpu.region"() ({
        %run_scoped3A = tpu.sem_alloc : memref<!tpu.dma_semaphore, #tpu.memory_space<semaphore_mem>>
        %dma_start3A_149 = arith.constant 0 : i32
        %dma_start3A_150 = tpu.memref_slice %arg7[%arg0, %mul3A_148, %dma_start3A_149] : memref<2x10112x64xf32, #tpu.memory_space<hbm>> -> memref<1x128x64xf32, #tpu.memory_space<hbm>>
        %dma_start3A_151 = tpu.memref_squeeze %dma_start3A_150 : memref<1x128x64xf32, #tpu.memory_space<hbm>> -> memref<128x64xf32, #tpu.memory_space<hbm>>
        %dma_start3A_152 = arith.constant 0 : i32
        %dma_start3A_153 = tpu.memref_slice %arg21[%mul3A_146, %dma_start3A_152] : memref<10112x64xf32, #tpu.memory_space<vmem_shared>> -> memref<128x64xf32, #tpu.memory_space<vmem_shared>>
        tpu.enqueue_dma source(%dma_start3A_153 : memref<128x64xf32, #tpu.memory_space<vmem_shared>>) target(%dma_start3A_151 : memref<128x64xf32, #tpu.memory_space<hbm>>) target_semaphore(%run_scoped3A : memref<!tpu.dma_semaphore, #tpu.memory_space<semaphore_mem>>)
        %dma_wait3A_154 = arith.constant 0 : i32
        %dma_wait3A_155 = tpu.memref_slice %arg7[%arg0, %mul3A_148, %dma_wait3A_154] : memref<2x10112x64xf32, #tpu.memory_space<hbm>> -> memref<1x128x64xf32, #tpu.memory_space<hbm>>
        %dma_wait3A_156 = tpu.memref_squeeze %dma_wait3A_155 : memref<1x128x64xf32, #tpu.memory_space<hbm>> -> memref<128x64xf32, #tpu.memory_space<hbm>>
        %dma_wait3A_157 = arith.constant 0 : i32
        %dma_wait3A_158 = tpu.memref_slice %arg21[%mul3A_146, %dma_wait3A_157] : memref<10112x64xf32, #tpu.memory_space<vmem_shared>> -> memref<128x64xf32, #tpu.memory_space<vmem_shared>>
        tpu.wait_dma2 semaphore(%run_scoped3A : memref<!tpu.dma_semaphore, #tpu.memory_space<semaphore_mem>>) src(%dma_wait3A_158 : memref<128x64xf32, #tpu.memory_space<vmem_shared>>) dst(%dma_wait3A_156 : memref<128x64xf32, #tpu.memory_space<hbm>>)
        tpu.yield
      }) : () -> ()
    } else {
    }
    %add3A_132 = arith.constant 48 : i32
    %add3A_133 = arith.addi %add3A_132, %arg1 : i32
    %lt3A_134 = arith.constant 79 : i32
    %lt3A_135 = arith.cmpi slt, %add3A_133, %lt3A_134 : i32
    %convert_element_type3A_136 = arith.extui %lt3A_135 : i1 to i32
    %cond3A_137 = arith.constant 0 : i32
    %cond3A_138 = arith.cmpi ne, %convert_element_type3A_136, %cond3A_137 : i32
    scf.if %cond3A_138 {
      %mul3A = arith.constant 128 : i32
      %mul3A_146 = arith.muli %add3A_133, %mul3A : i32
      %mul3A_147 = arith.constant 128 : i32
      %mul3A_148 = arith.muli %add3A_133, %mul3A_147 : i32
      "tpu.region"() ({
        %run_scoped3A = tpu.sem_alloc : memref<!tpu.dma_semaphore, #tpu.memory_space<semaphore_mem>>
        %dma_start3A_149 = arith.constant 0 : i32
        %dma_start3A_150 = tpu.memref_slice %arg7[%arg0, %mul3A_148, %dma_start3A_149] : memref<2x10112x64xf32, #tpu.memory_space<hbm>> -> memref<1x128x64xf32, #tpu.memory_space<hbm>>
        %dma_start3A_151 = tpu.memref_squeeze %dma_start3A_150 : memref<1x128x64xf32, #tpu.memory_space<hbm>> -> memref<128x64xf32, #tpu.memory_space<hbm>>
        %dma_start3A_152 = arith.constant 0 : i32
        %dma_start3A_153 = tpu.memref_slice %arg21[%mul3A_146, %dma_start3A_152] : memref<10112x64xf32, #tpu.memory_space<vmem_shared>> -> memref<128x64xf32, #tpu.memory_space<vmem_shared>>
        tpu.enqueue_dma source(%dma_start3A_153 : memref<128x64xf32, #tpu.memory_space<vmem_shared>>) target(%dma_start3A_151 : memref<128x64xf32, #tpu.memory_space<hbm>>) target_semaphore(%run_scoped3A : memref<!tpu.dma_semaphore, #tpu.memory_space<semaphore_mem>>)
        %dma_wait3A_154 = arith.constant 0 : i32
        %dma_wait3A_155 = tpu.memref_slice %arg7[%arg0, %mul3A_148, %dma_wait3A_154] : memref<2x10112x64xf32, #tpu.memory_space<hbm>> -> memref<1x128x64xf32, #tpu.memory_space<hbm>>
        %dma_wait3A_156 = tpu.memref_squeeze %dma_wait3A_155 : memref<1x128x64xf32, #tpu.memory_space<hbm>> -> memref<128x64xf32, #tpu.memory_space<hbm>>
        %dma_wait3A_157 = arith.constant 0 : i32
        %dma_wait3A_158 = tpu.memref_slice %arg21[%mul3A_146, %dma_wait3A_157] : memref<10112x64xf32, #tpu.memory_space<vmem_shared>> -> memref<128x64xf32, #tpu.memory_space<vmem_shared>>
        tpu.wait_dma2 semaphore(%run_scoped3A : memref<!tpu.dma_semaphore, #tpu.memory_space<semaphore_mem>>) src(%dma_wait3A_158 : memref<128x64xf32, #tpu.memory_space<vmem_shared>>) dst(%dma_wait3A_156 : memref<128x64xf32, #tpu.memory_space<hbm>>)
        tpu.yield
      }) : () -> ()
    } else {
    }
    %add3A_139 = arith.constant 64 : i32
    %add3A_140 = arith.addi %add3A_139, %arg1 : i32
    %lt3A_141 = arith.constant 79 : i32
    %lt3A_142 = arith.cmpi slt, %add3A_140, %lt3A_141 : i32
    %convert_element_type3A_143 = arith.extui %lt3A_142 : i1 to i32
    %cond3A_144 = arith.constant 0 : i32
    %cond3A_145 = arith.cmpi ne, %convert_element_type3A_143, %cond3A_144 : i32
    scf.if %cond3A_145 {
      %mul3A = arith.constant 128 : i32
      %mul3A_146 = arith.muli %add3A_140, %mul3A : i32
      %mul3A_147 = arith.constant 128 : i32
      %mul3A_148 = arith.muli %add3A_140, %mul3A_147 : i32
      "tpu.region"() ({
        %run_scoped3A = tpu.sem_alloc : memref<!tpu.dma_semaphore, #tpu.memory_space<semaphore_mem>>
        %dma_start3A_149 = arith.constant 0 : i32
        %dma_start3A_150 = tpu.memref_slice %arg7[%arg0, %mul3A_148, %dma_start3A_149] : memref<2x10112x64xf32, #tpu.memory_space<hbm>> -> memref<1x128x64xf32, #tpu.memory_space<hbm>>
        %dma_start3A_151 = tpu.memref_squeeze %dma_start3A_150 : memref<1x128x64xf32, #tpu.memory_space<hbm>> -> memref<128x64xf32, #tpu.memory_space<hbm>>
        %dma_start3A_152 = arith.constant 0 : i32
        %dma_start3A_153 = tpu.memref_slice %arg21[%mul3A_146, %dma_start3A_152] : memref<10112x64xf32, #tpu.memory_space<vmem_shared>> -> memref<128x64xf32, #tpu.memory_space<vmem_shared>>
        tpu.enqueue_dma source(%dma_start3A_153 : memref<128x64xf32, #tpu.memory_space<vmem_shared>>) target(%dma_start3A_151 : memref<128x64xf32, #tpu.memory_space<hbm>>) target_semaphore(%run_scoped3A : memref<!tpu.dma_semaphore, #tpu.memory_space<semaphore_mem>>)
        %dma_wait3A_154 = arith.constant 0 : i32
        %dma_wait3A_155 = tpu.memref_slice %arg7[%arg0, %mul3A_148, %dma_wait3A_154] : memref<2x10112x64xf32, #tpu.memory_space<hbm>> -> memref<1x128x64xf32, #tpu.memory_space<hbm>>
        %dma_wait3A_156 = tpu.memref_squeeze %dma_wait3A_155 : memref<1x128x64xf32, #tpu.memory_space<hbm>> -> memref<128x64xf32, #tpu.memory_space<hbm>>
        %dma_wait3A_157 = arith.constant 0 : i32
        %dma_wait3A_158 = tpu.memref_slice %arg21[%mul3A_146, %dma_wait3A_157] : memref<10112x64xf32, #tpu.memory_space<vmem_shared>> -> memref<128x64xf32, #tpu.memory_space<vmem_shared>>
        tpu.wait_dma2 semaphore(%run_scoped3A : memref<!tpu.dma_semaphore, #tpu.memory_space<semaphore_mem>>) src(%dma_wait3A_158 : memref<128x64xf32, #tpu.memory_space<vmem_shared>>) dst(%dma_wait3A_156 : memref<128x64xf32, #tpu.memory_space<hbm>>)
        tpu.yield
      }) : () -> ()
    } else {
    }
    return
  }
}

module attributes {stable_mosaic.version = 14 : i64} {
  func.func @body(%arg0: i32, %arg1: memref<2x400x64xf32, #tpu.memory_space<vmem>>, %arg2: memref<1x1x400xf32, #tpu.memory_space<vmem>>, %arg3: memref<400x128xf32, #tpu.memory_space<vmem>>, %arg4: memref<128x128xf32, #tpu.memory_space<vmem>>, %arg5: memref<128x128xf32, #tpu.memory_space<vmem>>, %arg6: memref<1x128xf32, #tpu.memory_space<vmem>>, %arg7: memref<2x400x64xf32, #tpu.memory_space<vmem>>) attributes {dimension_semantics = [#tpu.dimension_semantics<arbitrary>], iteration_bounds = array<i64: 25>, scalar_prefetch = 0 : i64, scratch_operands = 0 : i64, tpu.core_type = #tpu.core_type<tc>, window_params = [{transform_indices = @transform_0, window_bounds = array<i64: 2, 400, 64>}, {transform_indices = @transform_1, window_bounds = array<i64: 1, 1, 400>}, {transform_indices = @transform_2, window_bounds = array<i64: 400, 128>}, {pipeline_mode = #tpu.pipeline_mode<synchronous>, transform_indices = @transform_3, window_bounds = array<i64: 128, 128>}, {pipeline_mode = #tpu.pipeline_mode<synchronous>, transform_indices = @transform_4, window_bounds = array<i64: 128, 128>}, {pipeline_mode = #tpu.pipeline_mode<synchronous>, transform_indices = @transform_5, window_bounds = array<i64: 1, 128>}, {transform_indices = @transform_6, window_bounds = array<i64: 2, 400, 64>}]} {
    %get3A = arith.constant 0 : index
    %get3A_0 = arith.constant 0 : index
    %get3A_1 = arith.constant 0 : index
    %get3A_2 = vector.load %arg2[%get3A, %get3A_0, %get3A_1] : memref<1x1x400xf32, #tpu.memory_space<vmem>>, vector<1x1x400xf32>
    %get3A_3 = vector.shape_cast %get3A_2 : vector<1x1x400xf32> to vector<400xf32>
    %max3A = arith.constant 1.000000e+00 : f32
    %max3A_4 = vector.broadcast %max3A : f32 to vector<400xf32>
    %max3A_5 = arith.maximumf %get3A_3, %max3A_4 : vector<400xf32>
    %get3A_6 = arith.constant 0 : index
    %get3A_7 = arith.constant 0 : index
    %get3A_8 = arith.constant 0 : index
    %get3A_9 = vector.load %arg1[%get3A_6, %get3A_7, %get3A_8] : memref<2x400x64xf32, #tpu.memory_space<vmem>>, vector<1x400x64xf32>
    %get3A_10 = vector.shape_cast %get3A_9 : vector<1x400x64xf32> to vector<400x64xf32>
    %get3A_11 = arith.constant 1 : index
    %get3A_12 = arith.constant 0 : index
    %get3A_13 = arith.constant 0 : index
    %get3A_14 = vector.load %arg1[%get3A_11, %get3A_12, %get3A_13] : memref<2x400x64xf32, #tpu.memory_space<vmem>>, vector<1x400x64xf32>
    %get3A_15 = vector.shape_cast %get3A_14 : vector<1x400x64xf32> to vector<400x64xf32>
    %concatenate3A = tpu.concatenate %get3A_10, %get3A_15 in 1 : vector<400x64xf32>, vector<400x64xf32> -> vector<400x128xf32>
    %broadcast_in_dim3A = vector.shape_cast %max3A_5 : vector<400xf32> to vector<400x1xf32>
    %div3A = vector.broadcast %broadcast_in_dim3A : vector<400x1xf32> to vector<400x128xf32>
    %div3A_16 = arith.divf %concatenate3A, %div3A : vector<400x128xf32>
    %get3A_17 = arith.constant 0 : index
    %get3A_18 = arith.constant 0 : index
    %get3A_19 = vector.load %arg4[%get3A_17, %get3A_18] : memref<128x128xf32, #tpu.memory_space<vmem>>, vector<128x128xf32>
    %dot_general3A = arith.constant dense<0.000000e+00> : vector<400x128xf32>
    %dot_general3A_20 = tpu.matmul %div3A_16, %get3A_19, %dot_general3A {dimension_numbers = #tpu.dot_dimension_numbers<[1], [0], [0], [1], [0, 0, 1, 1], [], []>, transpose_lhs_hint = false} : vector<400x128xf32>, vector<128x128xf32>, vector<400x128xf32> -> vector<400x128xf32>
    %get3A_21 = arith.constant 0 : index
    %get3A_22 = arith.constant 0 : index
    %get3A_23 = vector.load %arg3[%get3A_21, %get3A_22] : memref<400x128xf32, #tpu.memory_space<vmem>>, vector<400x128xf32>
    %get3A_24 = arith.constant 0 : index
    %get3A_25 = arith.constant 0 : index
    %get3A_26 = vector.load %arg5[%get3A_24, %get3A_25] : memref<128x128xf32, #tpu.memory_space<vmem>>, vector<128x128xf32>
    %dot_general3A_27 = arith.constant dense<0.000000e+00> : vector<400x128xf32>
    %dot_general3A_28 = tpu.matmul %get3A_23, %get3A_26, %dot_general3A_27 {dimension_numbers = #tpu.dot_dimension_numbers<[1], [0], [0], [1], [0, 0, 1, 1], [], []>, transpose_lhs_hint = false} : vector<400x128xf32>, vector<128x128xf32>, vector<400x128xf32> -> vector<400x128xf32>
    %add3A = arith.addf %dot_general3A_20, %dot_general3A_28 : vector<400x128xf32>
    %get3A_29 = arith.constant 0 : index
    %get3A_30 = arith.constant 0 : index
    %get3A_31 = vector.load %arg6[%get3A_29, %get3A_30] : memref<1x128xf32, #tpu.memory_space<vmem>>, vector<1x128xf32>
    %add3A_32 = vector.broadcast %get3A_31 : vector<1x128xf32> to vector<400x128xf32>
    %add3A_33 = arith.addf %add3A, %add3A_32 : vector<400x128xf32>
    %max3A_34 = arith.constant 0.000000e+00 : f32
    %max3A_35 = vector.broadcast %max3A_34 : f32 to vector<400x128xf32>
    %max3A_36 = arith.maximumf %add3A_33, %max3A_35 : vector<400x128xf32>
    %slice3A = vector.extract_strided_slice %max3A_36 {offsets = [0, 0], sizes = [400, 64], strides = [1, 1]} : vector<400x128xf32> to vector<400x64xf32>
    %swap3A = arith.constant 0 : index
    %swap3A_37 = arith.constant 0 : index
    %swap3A_38 = arith.constant 0 : index
    %swap3A_39 = vector.load %arg7[%swap3A, %swap3A_37, %swap3A_38] : memref<2x400x64xf32, #tpu.memory_space<vmem>>, vector<1x400x64xf32>
    %swap3A_40 = vector.shape_cast %swap3A_39 : vector<1x400x64xf32> to vector<400x64xf32>
    %swap3A_41 = vector.shape_cast %slice3A : vector<400x64xf32> to vector<1x400x64xf32>
    tpu.vector_store %arg7[%swap3A, %swap3A_37, %swap3A_38], %swap3A_41 {strides = array<i32>} : memref<2x400x64xf32, #tpu.memory_space<vmem>>, vector<1x400x64xf32>,
    %slice3A_42 = vector.extract_strided_slice %max3A_36 {offsets = [0, 64], sizes = [400, 64], strides = [1, 1]} : vector<400x128xf32> to vector<400x64xf32>
    %swap3A_43 = arith.constant 1 : index
    %swap3A_44 = arith.constant 0 : index
    %swap3A_45 = arith.constant 0 : index
    %swap3A_46 = vector.load %arg7[%swap3A_43, %swap3A_44, %swap3A_45] : memref<2x400x64xf32, #tpu.memory_space<vmem>>, vector<1x400x64xf32>
    %swap3A_47 = vector.shape_cast %swap3A_46 : vector<1x400x64xf32> to vector<400x64xf32>
    %swap3A_48 = vector.shape_cast %slice3A_42 : vector<400x64xf32> to vector<1x400x64xf32>
    tpu.vector_store %arg7[%swap3A_43, %swap3A_44, %swap3A_45], %swap3A_48 {strides = array<i32>} : memref<2x400x64xf32, #tpu.memory_space<vmem>>, vector<1x400x64xf32>,
    return
  }
  func.func @transform_0(%arg0: i32) -> (i32, i32, i32) {
    %c0_i32 = arith.constant 0 : i32
    %c0_i32_0 = arith.constant 0 : i32
    %c0_i32_1 = arith.constant 0 : i32
    return %c0_i32, %arg0, %c0_i32_0 : i32, i32, i32
  }
  func.func @transform_1(%arg0: i32) -> (i32, i32, i32) {
    %c0_i32 = arith.constant 0 : i32
    %c0_i32_0 = arith.constant 0 : i32
    %c0_i32_1 = arith.constant 0 : i32
    return %arg0, %c0_i32, %c0_i32_0 : i32, i32, i32
  }
  func.func @transform_2(%arg0: i32) -> (i32, i32) {
    %c0_i32 = arith.constant 0 : i32
    %c0_i32_0 = arith.constant 0 : i32
    return %arg0, %c0_i32 : i32, i32
  }
  func.func @transform_3(%arg0: i32) -> (i32, i32) {
    %c0_i32 = arith.constant 0 : i32
    %c0_i32_0 = arith.constant 0 : i32
    %c0_i32_1 = arith.constant 0 : i32
    return %c0_i32, %c0_i32_0 : i32, i32
  }
  func.func @transform_4(%arg0: i32) -> (i32, i32) {
    %c0_i32 = arith.constant 0 : i32
    %c0_i32_0 = arith.constant 0 : i32
    %c0_i32_1 = arith.constant 0 : i32
    return %c0_i32, %c0_i32_0 : i32, i32
  }
  func.func @transform_5(%arg0: i32) -> (i32, i32) {
    %c0_i32 = arith.constant 0 : i32
    %c0_i32_0 = arith.constant 0 : i32
    %c0_i32_1 = arith.constant 0 : i32
    return %c0_i32, %c0_i32_0 : i32, i32
  }
  func.func @transform_6(%arg0: i32) -> (i32, i32, i32) {
    %c0_i32 = arith.constant 0 : i32
    %c0_i32_0 = arith.constant 0 : i32
    %c0_i32_1 = arith.constant 0 : i32
    return %c0_i32, %arg0, %c0_i32_0 : i32, i32, i32
  }
}

module attributes {stable_mosaic.version = 14 : i64} {
  func.func @body(%arg0: i32, %arg1: memref<2x400x64xf32, #tpu.memory_space<vmem>>, %arg2: memref<1x1x400xf32, #tpu.memory_space<vmem>>, %arg3: memref<2x400x64xf32, #tpu.memory_space<vmem>>, %arg4: memref<128x128xf32, #tpu.memory_space<vmem>>, %arg5: memref<128x128xf32, #tpu.memory_space<vmem>>, %arg6: memref<1x128xf32, #tpu.memory_space<vmem>>, %arg7: memref<1x1x400xi32, #tpu.memory_space<vmem>>, %arg8: memref<128x128xf32, #tpu.memory_space<vmem>>, %arg9: memref<1x128xf32, #tpu.memory_space<vmem>>, %arg10: memref<64x128xf32, #tpu.memory_space<vmem>>, %arg11: memref<64x128xf32, #tpu.memory_space<vmem>>, %arg12: memref<64x128xf32, #tpu.memory_space<vmem>>) attributes {dimension_semantics = [#tpu.dimension_semantics<arbitrary>], iteration_bounds = array<i64: 25>, scalar_prefetch = 0 : i64, scratch_operands = 2 : i64, tpu.core_type = #tpu.core_type<tc>, window_params = [{transform_indices = @transform_0, window_bounds = array<i64: 2, 400, 64>}, {transform_indices = @transform_1, window_bounds = array<i64: 1, 1, 400>}, {transform_indices = @transform_2, window_bounds = array<i64: 2, 400, 64>}, {pipeline_mode = #tpu.pipeline_mode<synchronous>, transform_indices = @transform_3, window_bounds = array<i64: 128, 128>}, {pipeline_mode = #tpu.pipeline_mode<synchronous>, transform_indices = @transform_4, window_bounds = array<i64: 128, 128>}, {pipeline_mode = #tpu.pipeline_mode<synchronous>, transform_indices = @transform_5, window_bounds = array<i64: 1, 128>}, {transform_indices = @transform_6, window_bounds = array<i64: 1, 1, 400>}, {pipeline_mode = #tpu.pipeline_mode<synchronous>, transform_indices = @transform_7, window_bounds = array<i64: 128, 128>}, {pipeline_mode = #tpu.pipeline_mode<synchronous>, transform_indices = @transform_8, window_bounds = array<i64: 1, 128>}, {pipeline_mode = #tpu.pipeline_mode<synchronous>, transform_indices = @transform_9, window_bounds = array<i64: 64, 128>}]} {
    %get3A = arith.constant 0 : index
    %get3A_0 = arith.constant 0 : index
    %get3A_1 = arith.constant 0 : index
    %get3A_2 = vector.load %arg2[%get3A, %get3A_0, %get3A_1] : memref<1x1x400xf32, #tpu.memory_space<vmem>>, vector<1x1x400xf32>
    %get3A_3 = vector.shape_cast %get3A_2 : vector<1x1x400xf32> to vector<400xf32>
    %max3A = arith.constant 1.000000e+00 : f32
    %max3A_4 = vector.broadcast %max3A : f32 to vector<400xf32>
    %max3A_5 = arith.maximumf %get3A_3, %max3A_4 : vector<400xf32>
    %get3A_6 = arith.constant 0 : index
    %get3A_7 = arith.constant 0 : index
    %get3A_8 = arith.constant 0 : index
    %get3A_9 = vector.load %arg1[%get3A_6, %get3A_7, %get3A_8] : memref<2x400x64xf32, #tpu.memory_space<vmem>>, vector<1x400x64xf32>
    %get3A_10 = vector.shape_cast %get3A_9 : vector<1x400x64xf32> to vector<400x64xf32>
    %get3A_11 = arith.constant 1 : index
    %get3A_12 = arith.constant 0 : index
    %get3A_13 = arith.constant 0 : index
    %get3A_14 = vector.load %arg1[%get3A_11, %get3A_12, %get3A_13] : memref<2x400x64xf32, #tpu.memory_space<vmem>>, vector<1x400x64xf32>
    %get3A_15 = vector.shape_cast %get3A_14 : vector<1x400x64xf32> to vector<400x64xf32>
    %concatenate3A = tpu.concatenate %get3A_10, %get3A_15 in 1 : vector<400x64xf32>, vector<400x64xf32> -> vector<400x128xf32>
    %broadcast_in_dim3A = vector.shape_cast %max3A_5 : vector<400xf32> to vector<400x1xf32>
    %div3A = vector.broadcast %broadcast_in_dim3A : vector<400x1xf32> to vector<400x128xf32>
    %div3A_16 = arith.divf %concatenate3A, %div3A : vector<400x128xf32>
    %get3A_17 = arith.constant 0 : index
    %get3A_18 = arith.constant 0 : index
    %get3A_19 = arith.constant 0 : index
    %get3A_20 = vector.load %arg3[%get3A_17, %get3A_18, %get3A_19] : memref<2x400x64xf32, #tpu.memory_space<vmem>>, vector<1x400x64xf32>
    %get3A_21 = vector.shape_cast %get3A_20 : vector<1x400x64xf32> to vector<400x64xf32>
    %get3A_22 = arith.constant 1 : index
    %get3A_23 = arith.constant 0 : index
    %get3A_24 = arith.constant 0 : index
    %get3A_25 = vector.load %arg3[%get3A_22, %get3A_23, %get3A_24] : memref<2x400x64xf32, #tpu.memory_space<vmem>>, vector<1x400x64xf32>
    %get3A_26 = vector.shape_cast %get3A_25 : vector<1x400x64xf32> to vector<400x64xf32>
    %concatenate3A_27 = tpu.concatenate %get3A_21, %get3A_26 in 1 : vector<400x64xf32>, vector<400x64xf32> -> vector<400x128xf32>
    %get3A_28 = arith.constant 0 : index
    %get3A_29 = arith.constant 0 : index
    %get3A_30 = vector.load %arg4[%get3A_28, %get3A_29] : memref<128x128xf32, #tpu.memory_space<vmem>>, vector<128x128xf32>
    %dot_general3A = arith.constant dense<0.000000e+00> : vector<400x128xf32>
    %dot_general3A_31 = tpu.matmul %div3A_16, %get3A_30, %dot_general3A {dimension_numbers = #tpu.dot_dimension_numbers<[1], [0], [0], [1], [0, 0, 1, 1], [], []>, transpose_lhs_hint = false} : vector<400x128xf32>, vector<128x128xf32>, vector<400x128xf32> -> vector<400x128xf32>
    %get3A_32 = arith.constant 0 : index
    %get3A_33 = arith.constant 0 : index
    %get3A_34 = vector.load %arg5[%get3A_32, %get3A_33] : memref<128x128xf32, #tpu.memory_space<vmem>>, vector<128x128xf32>
    %dot_general3A_35 = arith.constant dense<0.000000e+00> : vector<400x128xf32>
    %dot_general3A_36 = tpu.matmul %concatenate3A_27, %get3A_34, %dot_general3A_35 {dimension_numbers = #tpu.dot_dimension_numbers<[1], [0], [0], [1], [0, 0, 1, 1], [], []>, transpose_lhs_hint = false} : vector<400x128xf32>, vector<128x128xf32>, vector<400x128xf32> -> vector<400x128xf32>
    %add3A = arith.addf %dot_general3A_31, %dot_general3A_36 : vector<400x128xf32>
    %get3A_37 = arith.constant 0 : index
    %get3A_38 = arith.constant 0 : index
    %get3A_39 = vector.load %arg6[%get3A_37, %get3A_38] : memref<1x128xf32, #tpu.memory_space<vmem>>, vector<1x128xf32>
    %add3A_40 = vector.broadcast %get3A_39 : vector<1x128xf32> to vector<400x128xf32>
    %add3A_41 = arith.addf %add3A, %add3A_40 : vector<400x128xf32>
    %max3A_42 = arith.constant 0.000000e+00 : f32
    %max3A_43 = vector.broadcast %max3A_42 : f32 to vector<400x128xf32>
    %max3A_44 = arith.maximumf %add3A_41, %max3A_43 : vector<400x128xf32>
    %get3A_45 = arith.constant 0 : index
    %get3A_46 = arith.constant 0 : index
    %get3A_47 = arith.constant 0 : index
    %get3A_48 = vector.load %arg7[%get3A_45, %get3A_46, %get3A_47] : memref<1x1x400xi32, #tpu.memory_space<vmem>>, vector<1x1x400xi32>
    %get3A_49 = vector.shape_cast %get3A_48 : vector<1x1x400xi32> to vector<400xi32>
    %iota3A = tpu.iota {dimensions = array<i32: 0>} : vector<64x400xi32>
    %broadcast_in_dim3A_50 = vector.shape_cast %get3A_49 : vector<400xi32> to vector<1x400xi32>
    %eq3A = vector.broadcast %broadcast_in_dim3A_50 : vector<1x400xi32> to vector<64x400xi32>
    %eq3A_51 = arith.cmpi eq, %iota3A, %eq3A : vector<64x400xi32>
    %convert_element_type3A = arith.extui %eq3A_51 : vector<64x400xi1> to vector<64x400xi32>
    %convert_element_type3A_52 = arith.sitofp %convert_element_type3A : vector<64x400xi32> to vector<64x400xf32>
    %dot_general3A_53 = arith.constant dense<0.000000e+00> : vector<64x128xf32>
    %dot_general3A_54 = tpu.matmul %convert_element_type3A_52, %max3A_44, %dot_general3A_53 {dimension_numbers = #tpu.dot_dimension_numbers<[1], [0], [0], [1], [0, 0, 1, 1], [], []>, transpose_lhs_hint = false} : vector<64x400xf32>, vector<400x128xf32>, vector<64x128xf32> -> vector<64x128xf32>
    %reduce_sum3A = arith.constant dense<0.000000e+00> : vector<64xf32>
    %reduce_sum3A_55 = vector.multi_reduction <add>, %convert_element_type3A_52, %reduce_sum3A [1] : vector<64x400xf32> to vector<64xf32>
    %broadcast_in_dim3A_56 = vector.shape_cast %reduce_sum3A_55 : vector<64xf32> to vector<64x1xf32>
    %broadcast_in_dim3A_57 = vector.shape_cast %broadcast_in_dim3A_56 : vector<64x1xf32> to vector<64x1xf32>
    %broadcast_in_dim3A_58 = vector.broadcast %broadcast_in_dim3A_57 : vector<64x1xf32> to vector<64x128xf32>
    %eq3A_59 = arith.constant 0 : i32
    %eq3A_60 = arith.cmpi eq, %arg0, %eq3A_59 : i32
    %convert_element_type3A_61 = arith.extui %eq3A_60 : i1 to i32
    %cond3A = arith.constant 0 : i32
    %cond3A_62 = arith.cmpi ne, %convert_element_type3A_61, %cond3A : i32
    scf.if %cond3A_62 {
      %swap3A = arith.constant 0 : index
      %swap3A_72 = arith.constant 0 : index
      %swap3A_73 = vector.load %arg11[%swap3A, %swap3A_72] : memref<64x128xf32, #tpu.memory_space<vmem>>, vector<64x128xf32>
      tpu.vector_store %arg11[%swap3A, %swap3A_72], %dot_general3A_54 {strides = array<i32>} : memref<64x128xf32, #tpu.memory_space<vmem>>, vector<64x128xf32>,
      %swap3A_74 = arith.constant 0 : index
      %swap3A_75 = arith.constant 0 : index
      %swap3A_76 = vector.load %arg12[%swap3A_74, %swap3A_75] : memref<64x128xf32, #tpu.memory_space<vmem>>, vector<64x128xf32>
      tpu.vector_store %arg12[%swap3A_74, %swap3A_75], %broadcast_in_dim3A_58 {strides = array<i32>} : memref<64x128xf32, #tpu.memory_space<vmem>>, vector<64x128xf32>,
    } else {
    }
    %gt3A = arith.constant 0 : i32
    %gt3A_63 = arith.cmpi sgt, %arg0, %gt3A : i32
    %convert_element_type3A_64 = arith.extui %gt3A_63 : i1 to i32
    %cond3A_65 = arith.constant 0 : i32
    %cond3A_66 = arith.cmpi ne, %convert_element_type3A_64, %cond3A_65 : i32
    scf.if %cond3A_66 {
      %get3A_72 = arith.constant 0 : index
      %get3A_73 = arith.constant 0 : index
      %get3A_74 = vector.load %arg11[%get3A_72, %get3A_73] : memref<64x128xf32, #tpu.memory_space<vmem>>, vector<64x128xf32>
      %add3A_75 = arith.addf %get3A_74, %dot_general3A_54 : vector<64x128xf32>
      %swap3A = arith.constant 0 : index
      %swap3A_76 = arith.constant 0 : index
      %swap3A_77 = vector.load %arg11[%swap3A, %swap3A_76] : memref<64x128xf32, #tpu.memory_space<vmem>>, vector<64x128xf32>
      tpu.vector_store %arg11[%swap3A, %swap3A_76], %add3A_75 {strides = array<i32>} : memref<64x128xf32, #tpu.memory_space<vmem>>, vector<64x128xf32>,
      %get3A_78 = arith.constant 0 : index
      %get3A_79 = arith.constant 0 : index
      %get3A_80 = vector.load %arg12[%get3A_78, %get3A_79] : memref<64x128xf32, #tpu.memory_space<vmem>>, vector<64x128xf32>
      %add3A_81 = arith.addf %get3A_80, %broadcast_in_dim3A_58 : vector<64x128xf32>
      %swap3A_82 = arith.constant 0 : index
      %swap3A_83 = arith.constant 0 : index
      %swap3A_84 = vector.load %arg12[%swap3A_82, %swap3A_83] : memref<64x128xf32, #tpu.memory_space<vmem>>, vector<64x128xf32>
      tpu.vector_store %arg12[%swap3A_82, %swap3A_83], %add3A_81 {strides = array<i32>} : memref<64x128xf32, #tpu.memory_space<vmem>>, vector<64x128xf32>,
    } else {
    }
    %eq3A_67 = arith.constant 24 : i32
    %eq3A_68 = arith.cmpi eq, %arg0, %eq3A_67 : i32
    %convert_element_type3A_69 = arith.extui %eq3A_68 : i1 to i32
    %cond3A_70 = arith.constant 0 : i32
    %cond3A_71 = arith.cmpi ne, %convert_element_type3A_69, %cond3A_70 : i32
    scf.if %cond3A_71 {
      %get3A_72 = arith.constant 0 : index
      %get3A_73 = arith.constant 0 : index
      %get3A_74 = vector.load %arg11[%get3A_72, %get3A_73] : memref<64x128xf32, #tpu.memory_space<vmem>>, vector<64x128xf32>
      %get3A_75 = arith.constant 0 : index
      %get3A_76 = arith.constant 0 : index
      %get3A_77 = vector.load %arg12[%get3A_75, %get3A_76] : memref<64x128xf32, #tpu.memory_space<vmem>>, vector<64x128xf32>
      %max3A_78 = arith.constant 1.000000e+00 : f32
      %max3A_79 = vector.broadcast %max3A_78 : f32 to vector<64x128xf32>
      %max3A_80 = arith.maximumf %get3A_77, %max3A_79 : vector<64x128xf32>
      %div3A_81 = arith.divf %get3A_74, %max3A_80 : vector<64x128xf32>
      %get3A_82 = arith.constant 0 : index
      %get3A_83 = arith.constant 0 : index
      %get3A_84 = vector.load %arg8[%get3A_82, %get3A_83] : memref<128x128xf32, #tpu.memory_space<vmem>>, vector<128x128xf32>
      %dot_general3A_85 = arith.constant dense<0.000000e+00> : vector<64x128xf32>
      %dot_general3A_86 = tpu.matmul %div3A_81, %get3A_84, %dot_general3A_85 {dimension_numbers = #tpu.dot_dimension_numbers<[1], [0], [0], [1], [0, 0, 1, 1], [], []>, transpose_lhs_hint = false} : vector<64x128xf32>, vector<128x128xf32>, vector<64x128xf32> -> vector<64x128xf32>
      %get3A_87 = arith.constant 0 : index
      %get3A_88 = arith.constant 0 : index
      %get3A_89 = vector.load %arg9[%get3A_87, %get3A_88] : memref<1x128xf32, #tpu.memory_space<vmem>>, vector<1x128xf32>
      %add3A_90 = vector.broadcast %get3A_89 : vector<1x128xf32> to vector<64x128xf32>
      %add3A_91 = arith.addf %dot_general3A_86, %add3A_90 : vector<64x128xf32>
      %swap3A = arith.constant 0 : index
      %swap3A_92 = arith.constant 0 : index
      %swap3A_93 = vector.load %arg10[%swap3A, %swap3A_92] : memref<64x128xf32, #tpu.memory_space<vmem>>, vector<64x128xf32>
      tpu.vector_store %arg10[%swap3A, %swap3A_92], %add3A_91 {strides = array<i32>} : memref<64x128xf32, #tpu.memory_space<vmem>>, vector<64x128xf32>,
    } else {
    }
    return
  }
  func.func @transform_0(%arg0: i32) -> (i32, i32, i32) {
    %c0_i32 = arith.constant 0 : i32
    %c0_i32_0 = arith.constant 0 : i32
    %c0_i32_1 = arith.constant 0 : i32
    return %c0_i32, %arg0, %c0_i32_0 : i32, i32, i32
  }
  func.func @transform_1(%arg0: i32) -> (i32, i32, i32) {
    %c0_i32 = arith.constant 0 : i32
    %c0_i32_0 = arith.constant 0 : i32
    %c0_i32_1 = arith.constant 0 : i32
    return %arg0, %c0_i32, %c0_i32_0 : i32, i32, i32
  }
  func.func @transform_2(%arg0: i32) -> (i32, i32, i32) {
    %c0_i32 = arith.constant 0 : i32
    %c0_i32_0 = arith.constant 0 : i32
    %c0_i32_1 = arith.constant 0 : i32
    return %c0_i32, %arg0, %c0_i32_0 : i32, i32, i32
  }
  func.func @transform_3(%arg0: i32) -> (i32, i32) {
    %c0_i32 = arith.constant 0 : i32
    %c0_i32_0 = arith.constant 0 : i32
    %c0_i32_1 = arith.constant 0 : i32
    return %c0_i32, %c0_i32_0 : i32, i32
  }
  func.func @transform_4(%arg0: i32) -> (i32, i32) {
    %c0_i32 = arith.constant 0 : i32
    %c0_i32_0 = arith.constant 0 : i32
    %c0_i32_1 = arith.constant 0 : i32
    return %c0_i32, %c0_i32_0 : i32, i32
  }
  func.func @transform_5(%arg0: i32) -> (i32, i32) {
    %c0_i32 = arith.constant 0 : i32
    %c0_i32_0 = arith.constant 0 : i32
    %c0_i32_1 = arith.constant 0 : i32
    return %c0_i32, %c0_i32_0 : i32, i32
  }
  func.func @transform_6(%arg0: i32) -> (i32, i32, i32) {
    %c0_i32 = arith.constant 0 : i32
    %c0_i32_0 = arith.constant 0 : i32
    %c0_i32_1 = arith.constant 0 : i32
    return %arg0, %c0_i32, %c0_i32_0 : i32, i32, i32
  }
  func.func @transform_7(%arg0: i32) -> (i32, i32) {
    %c0_i32 = arith.constant 0 : i32
    %c0_i32_0 = arith.constant 0 : i32
    %c0_i32_1 = arith.constant 0 : i32
    return %c0_i32, %c0_i32_0 : i32, i32
  }
  func.func @transform_8(%arg0: i32) -> (i32, i32) {
    %c0_i32 = arith.constant 0 : i32
    %c0_i32_0 = arith.constant 0 : i32
    %c0_i32_1 = arith.constant 0 : i32
    return %c0_i32, %c0_i32_0 : i32, i32
  }
  func.func @transform_9(%arg0: i32) -> (i32, i32) {
    %c0_i32 = arith.constant 0 : i32
    %c0_i32_0 = arith.constant 0 : i32
    %c0_i32_1 = arith.constant 0 : i32
    return %c0_i32, %c0_i32_0 : i32, i32
  }
}

</mosaic_0001>

<sc_bundles>
// kernel: kernel.6.cloned.1.call-start
scs
__scs_entry_jumppad:
0x0: {  	(pc) =	sbr.rel $0x88, $3  }
0x1: {  	(tag) =	ssettag $0x0;
	lr =	simm.s32 $0x1  }
0x2: {  	[smem:$0x3F96] =	sst lr;
	_ =	strace $0xD0000000  }
0x3: {  	_ = 	snop  }
0x4: {  	_ = 	snop  }
0x5: {  	_ = 	snop  }
0x6: {  	_ = 	snop  }
0x7: {  	_ = 	snop  }
__scs_overlays_trampoline_lowered:
0x8: {  	[smem:$0x3FA5] =	sst s0  }
0x9: {  	[smem:$0x3FA6] =	sst s1  }
0xa: {  	[smem:$0x3FA7] =	sst s2  }
0xb: {  	[smem:$0x3FA8] =	sst s3  }
0xc: {  	[smem:$0x3FA9] =	sst s4  }
0xd: {  	[smem:$0x3FAA] =	sst s5  }
0xe: {  	[smem:$0x3FAB] =	sst s6  }
0xf: {  	[smem:$0x3FAC] =	sst s7  }
0x10: {  	[smem:$0x3FAD] =	sst s8  }
0x11: {  	[smem:$0x3FAE] =	sst s9;
	s0 =	simm.s32 @!p0 $0x0  }
0x12: {  	s1 =	sld [smem:$0x3F94];
	s0 =	simm.s32 @p0 $0x1  }
0x13: {  	[smem:$0x3FAF] =	sst s0;
	s0 =	simm.s32 @!p1 $0x0  }
0x14: {  	s2 =	sld [smem:$0x3F93];
	s0 =	simm.s32 @p1 $0x1  }
0x15: {  	[smem:$0x3FB0] =	sst s0;
	s0 =	simm.s32 @!p2 $0x0  }
0x16: {  	s3 =	sld [smem:$0x3FDB];
	s0 =	simm.s32 @p2 $0x1  }
0x17: {  	s4 =	simm.s32 $0x1BF5;
	[smem:$0x3FB2] =	sst s0  }
0x18: {  	s0 =	sld [smem:$0x3F95];
	_ =	swait.ge [sflag:s4], $0x0  }
0x19: {  	s7 =	sld [smem:$0x3F96]  }
0x1a: {  	s8 =	sadd.s32 $0xFFFFE003, lr  }
0x1b: {  	s9 =	sadd.s32 $0xFFFFFEF7, lr;
	s5 =	simm.s32 $0xFFFFFFFF;
	p2 =	slt.u32 s8, $0xFFFFF086  }
0x1c: {  	p1 =	slt.u32 s9, $0xF7A;
	s5 =	simm.s32 @!p2 $0x0  }
0x1d: {  	s5 =	simm.s32 @p1 $0x1;
	p0 =	seq.s32 s7, s2  }
0x1e: {  	s7 =	smul.u32 @!p0 $0xF7A, s2;
	p2 =	seq.s32 @!p0 s5, $0x0  }
0x1f: {  	s9 =	smul.u32 $0xF7A, s1;
	s8 =	simm.s32 @!p0 $0x1BF5;
	p2 =	por !p2, p0  }
0x20: {  	[sflag:s8] =	ssyncset.s32 @!p0 $0xFFFFF086;
	s6 =	sadd.s32 @!p0 s3, s7;
	s7 =	simm.s32 @!p0 $0x108  }
0x21: {  	s3 =	sadd.s32 s3, s9;
	s6 =	sadd.s32 @!p0 $0x88, s6;
	s7 =	simm.s32 @p2 $0x1082  }
0x22: {  	[simem:s7], [sflag:s8] =	dma.local @!p0 [hbm:s6], $0xF7A  }
0x23: {  	s9 =	sor.u32 $0xD0000000, s2;
	s6 =	simm.s32 $0x108;
	_ =	swait.ge @!p0 [sflag:s8], $0x0  }
0x24: {  	s3 =	sadd.s32 $0x88, s3;
	s6 =	simm.s32 @!p1 $0x1082;
	[sflag:s4] =	ssyncset.s32 $0xFFFFF086  }
0x25: {  	[simem:s6], [sflag:s4] =	dma.local [hbm:s3], $0xF7A  }
0x26: {  	[smem:$0x3F96] =	sst s1;
	(tag) =	ssettag s2;
	_ =	strace s9  }
0x27: {  	s1 =	sld [smem:$0x3FA6]  }
0x28: {  	s2 =	sld [smem:$0x3FA7]  }
0x29: {  	s4 =	sld [smem:$0x3FA9]  }
0x2a: {  	p0 =	seq.s32 s5, $0x0;
	s5 =	sld [smem:$0x3FAA]  }
0x2b: {  	s6 =	sld [smem:$0x3FAB]  }
0x2c: {  	s7 =	sld [smem:$0x3FAC]  }
0x2d: {  	s3 =	simm.s32 $0x108;
	s8 =	sld [smem:$0x3FAD]  }
0x2e: {  	s3 =	simm.s32 @!p0 $0x1082;
	s9 =	sld [smem:$0x3FAE]  }
0x2f: {  	lr =	sadd.s32 s0, s3;
	s0 =	sld [smem:$0x3FA5]  }
0x30: {  	s3 =	sld [smem:$0x3FA8]  }
0x31: {  	[smem:$0x3FB1] =	sst s10  }
0x32: {  	s10 =	sld [smem:$0x3FAF];
	_ =	sdelay $0x3  }
0x33: {  	p0 =	seq.s32 s10, $0x1;
	s10 =	sld [smem:$0x3FB1];
	_ =	sdelay $0x3  }
0x34: {  	[smem:$0x3FB1] =	sst s10  }
0x35: {  	s10 =	sld [smem:$0x3FB0];
	_ =	sdelay $0x3  }
0x36: {  	p1 =	seq.s32 s10, $0x1;
	s10 =	sld [smem:$0x3FB1];
	_ =	sdelay $0x3  }
0x37: {  	[smem:$0x3FB1] =	sst s10  }
0x38: {  	s10 =	sld [smem:$0x3FB2]  }
0x39: {  	_ = 	snop;
	(pc) =	sbr.ind lr, $3  }
0x3a: {  	_ = 	snop  }
0x3b: {  	_ = 	snop  }
0x3c: {  	p2 =	seq.s32 s10, $0x1;
	s10 =	sld [smem:$0x3FB1]  }
0x3d: {  	_ =	shalt  }
0x3e: {  	_ =	shalt  }
0x3f: {  	_ =	shalt  }
0x40: {  	_ =	shalt  }
0x41: {  	_ =	shalt  }
0x42: {  	_ =	shalt  }
0x43: {  	_ =	shalt  }
0x44: {  	_ =	shalt  }
0x45: {  	_ =	shalt  }
0x46: {  	_ =	shalt  }
0x47: {  	_ =	shalt  }
0x48: {  	_ =	shalt  }
0x49: {  	_ =	shalt  }
0x4a: {  	_ =	shalt  }
0x4b: {  	_ =	shalt  }
0x4c: {  	_ =	shalt  }
0x4d: {  	_ =	shalt  }
0x4e: {  	_ =	shalt  }
0x4f: {  	_ =	shalt  }
0x50: {  	_ =	shalt  }
0x51: {  	_ =	shalt  }
0x52: {  	_ =	shalt  }
0x53: {  	_ =	shalt  }
0x54: {  	_ =	shalt  }
0x55: {  	_ =	shalt  }
0x56: {  	_ =	shalt  }
0x57: {  	_ =	shalt  }
0x58: {  	_ =	shalt  }
0x59: {  	_ =	shalt  }
0x5a: {  	_ =	shalt  }
0x5b: {  	_ =	shalt  }
0x5c: {  	_ =	shalt  }
0x5d: {  	_ =	shalt  }
0x5e: {  	_ =	shalt  }
0x5f: {  	_ =	shalt  }
0x60: {  	_ =	shalt  }
0x61: {  	_ =	shalt  }
0x62: {  	_ =	shalt  }
0x63: {  	_ =	shalt  }
0x64: {  	_ =	shalt  }
0x65: {  	_ =	shalt  }
0x66: {  	_ =	shalt  }
0x67: {  	_ =	shalt  }
0x68: {  	_ =	shalt  }
0x69: {  	_ =	shalt  }
0x6a: {  	_ =	shalt  }
0x6b: {  	_ =	shalt  }
0x6c: {  	_ =	shalt  }
0x6d: {  	_ =	shalt  }
0x6e: {  	_ =	shalt  }
0x6f: {  	_ =	shalt  }
0x70: {  	_ =	shalt  }
0x71: {  	_ =	shalt  }
0x72: {  	_ =	shalt  }
0x73: {  	_ =	shalt  }
0x74: {  	_ =	shalt  }
0x75: {  	_ =	shalt  }
0x76: {  	_ =	shalt  }
0x77: {  	_ =	shalt  }
0x78: {  	_ =	shalt  }
0x79: {  	_ =	shalt  }
0x7a: {  	_ =	shalt  }
0x7b: {  	_ =	shalt  }
0x7c: {  	_ =	shalt  }
0x7d: {  	_ =	shalt  }
0x7e: {  	_ =	shalt  }
0x7f: {  	_ =	shalt  }
0x80: {  	_ =	shalt  }
0x81: {  	_ =	shalt  }
0x82: {  	_ =	shalt  }
0x83: {  	_ =	shalt  }
0x84: {  	_ =	shalt  }
0x85: {  	_ =	shalt  }
0x86: {  	_ =	shalt  }
0x87: {  	_ =	shalt  }
.Lfunc_end0:
.L_simem_size_0:
called_computation_lowered:
.L_overlay_start_0:
0x88: {  	s2 =	sld [smem:$0x3FD9]  }
0x89: {  	s3 =	sld [smem:$0x3FFE];
	_ =	sdelay $0x1  }
0x8a: {  	s1 =	srdreg.scid  }
0x8b: {  	s0 =	sand.u32 $0x1, s1  }
0x8c: {  	s17 =	sshll.u32 s0, $0xA;
	s2 =	sadd.s32 s3, s2  }
0x8d: {  	s2 =	sadd.s32 s2, s17  }
0x8e: {  	[smem:$0x3FBD] =	sst s2  }
0x8f: {  	_ = 	snop  }
0x90: {  	s2 =	sld [smem:$0x3FD0];
	(tm) =	ssettm $0x1  }
0x91: {  	s18 =	sld [smem:$0x3FFB];
	_ =	sdelay $0x3  }
0x92: {  	_ =	strace s18  }
0x93: {  	s3 =	sld [smem:$0x3FFC];
	_ =	sdelay $0x3  }
0x94: {  	_ =	strace s3  }
0x95: {  	s3 =	sld [smem:$0x3FFD];
	_ =	sdelay $0x3  }
0x96: {  	_ =	strace s3  }
0x97: {  	_ =	strace $0x8FFFFFFF  }
0x98: {  	s19 =	sld [smem:$0x3FDB];
	_ =	sdelay $0x1  }
0x99: {  	s4 =	simm.s32 $_scs_section_size  }
0x9a: {  	s5 =	simm.s32 $_size__tile_overlayer_lowered;
	s6 =	simm.s32 $_tile_overlayer_lowered  }
0x9b: {  	s22 =	simm.s32 $0x1BFF;
	s21 =	sshll.u32 s6, $0x1;
	s3 =	sadd.s32 s4, s19  }
0x9c: {  	s7 =	simm.s32 $0x0;
	s20 =	sshll.u32 s5, $0x1;
	s5 =	sadd.s32 s21, s3  }
0x9d: {  	[timem:s7], [sflag:s22] =	dma.local [hbm:s5], s20  }
0x9e: {  	_ =	swait.ge [sflag:s22], s20  }
0x9f: {  	s4 =	ssub.s32 $0x0, s20;
	[sflag:s22] =	ssyncset.done $0x0  }
0xa0: {  	[sflag:s22] =	ssyncadd.s32 s4;
	_ =	sdelay $0x1  }
0xa1: {  	s23 =	simm.s32 $0x1B8B  }
0xa2: {  	_ =	swait.ge [sflag:s23], $0x1  }
0xa3: {  	[sflag:s23] =	ssyncset.done $0x0  }
0xa4: {  	s25 =	simm.s32 $0x1B8E;
	s24 =	sld [smem:$0x3FFE];
	[sflag:s23] =	ssyncadd.s32 $0xFFFFFFFF  }
0xa5: {  	s26 =	simm.s32 $execute0_lowered;
	[smem:$0x3FD2] =	sst s25  }
0xa6: {  	s5 =	sshll.u32 s26, $0x1;
	_ =	strace $0x80000046;
	[dreg:$0x1] =	wrdreg $0xFFFFFFFF  }
0xa7: {  	s28 =	simm.s32 $_size_execute0_lowered;
	s3 =	sadd.s32 s3, s5;
	[dreg:$0x0] =	wrdreg $0x0  }
0xa8: {  	s5 =	sshll.u32 s28, $0x1;
	[dreg:$0x2] =	wrdreg s3  }
0xa9: {  	[dreg:$0x3] =	wrdreg s5  }
0xaa: {  	[dreg:$0x4] =	wrdreg $0xC0  }
0xab: {  	_ =	task [dreg:s7], $0x5FFFF  }
0xac: {  	[dreg:$0x1] =	wrdreg $0xFFFFFFFF  }
0xad: {  	[dreg:$0x0] =	wrdreg $0x60  }
0xae: {  	[dreg:$0x2] =	wrdreg s24  }
0xaf: {  	[dreg:$0x3] =	wrdreg s2  }
0xb0: {  	[dreg:$0x4] =	wrdreg $0x84800  }
0xb1: {  	[dreg:$0x5] =	wrdreg $0x122800  }
0xb2: {  	[dreg:$0x6] =	wrdreg $0x9  }
0xb3: {  	_ =	task.clear_ibuf [dreg:s7], $0x7FFFF;
	_ =	strace $0x90000046  }
0xb4: {  	s29 =	simm.s32 $0x9;
	_ =	strace $0x80000048  }
0xb5: {  	_ =	swait.ge [sflag:s29], $0x1  }
0xb6: {  	[sflag:s29] =	ssyncadd.s32 $0xFFFFFFFF  }
0xb7: {  	_ =	strace $0x90000048  }
0xb8: {  	_ =	sfence  }
0xb9: {  	s30 =	sld [smem:$0x0];
	_ =	sdelay $0x2  }
0xba: {  	s31 =	sshll.u32 s1, $0xD;
	s1 =	sshrl.u32 s1, $0x2  }
0xbb: {  	s3 =	sand.u32 $0x4000, s31;
	s1 =	sadd.s32 s1, s30  }
0xbc: {  	s0 =	sor.u32 s3, s0;
	s1 =	sshll.u32 s1, $0x11  }
0xbd: {  	s0 =	sor.u32 s1, s0  }
0xbe: {  	s0 =	sadd.s32 $0x8F2B, s0  }
0xbf: {  	[sflag:s0] =	ssyncadd.remote.s32 $0x1  }
0xc0: {  	_ =	sfence.sel $0xFFFF  }
0xc1: {  	[dreg:$0x0] =	wrdreg $0xFFFFFFFF;
	(pc) =	sbr.abs _section_cstart, $3  }
0xc2: {  	[dreg:$0x1] =	wrdreg $0xFFFFFFFF  }
0xc3: {  	_ =	task.clear_ibuf [dreg:s7], $0x2FFFF;
	_ =	strace $0x9FFFFFFF  }
0xc4: {  	(tm) =	ssettm $0x7FFFFFFF  }
0xc5: {  	_ =	shalt  }
tec
execute0_lowered:
.L_overlay_start_1:
0x0: {  	(tag) =	ssettag $0x1  }
0x1: {  	s3 =	rddreg [dreg:$0x0];
	s0 =	srdreg.scid  }
0x2: {  	s1 =	rddreg [dreg:$0x2];
	s2 =	simm.s32 $0x0;
	s24 =	stileid.u32  }
0x3: {  	s4 =	sand.u32 $0x1, s0;
	[smem:$0x7FF] =	sst s2;
	s5 =	sadd.s32 $0x47400, s3  }
0x4: {  	s6 =	sadd.s32 $0x46E00, s3;
	s9 =	sshll.u32 s24, $0xD;
	s11 =	sor.u32 $0x20, s24  }
0x5: {  	s14 =	sor.u32 $0x30, s24;
	s19 =	sor.u32 $0x40, s24;
	s17 =	sshll.u32 s24, $0x4  }
0x6: {  	p0 =	seq.s32 s24, $0xF;
	s0 =	ssub.s32 $0x2, s4;
	s8 =	smul.u32 $0x9E000, s4  }
0x7: {  	s12 =	sshll.u32 s11, $0xD;
	s15 =	sshll.u32 s14, $0xD;
	s20 =	sshll.u32 s19, $0xD  }
0x8: {  	s26 =	sshll.u32 s14, $0xA;
	s18 =	sadd.s32 s6, s17;
	s17 =	sadd.s32 $0x1800, s3  }
0x9: {  	s7 =	sshrl.u32 s0, $0x1;
	s25 =	sshrl.u32 s15, $0x3;
	[dreg:$0xa] =	wrdreg s18  }
0xa: {  	s18 =	sadd.s32 $0x3CA00, s3;
	s0 =	ssub.s32 s0, s7;
	s7 =	sor.u32 $0x10, s24  }
0xb: {  	s13 =	sadd.s32 s9, s8;
	s16 =	sadd.s32 s8, s12;
	s8 =	sadd.s32 s8, s20  }
0xc: {  	s10 =	sshll.u32 s7, $0xD;
	s13 =	sshrl.u32 s13, $0x3;
	s22 =	sshll.u32 s7, $0xA  }
0xd: {  	s23 =	sshrl.u32 s16, $0x3;
	s8 =	sshrl.u32 s8, $0x3;
	s13 =	sadd.s32 s5, s13  }
0xe: {  	s16 =	sshll.u32 s7, $0x4;
	[dreg:$0x5] =	wrdreg s13;
	s13 =	sadd.s32 s5, s22  }
0xf: {  	s21 =	sshrl.u32 s10, $0x3;
	[dreg:$0x6] =	wrdreg s13;
	s13 =	sadd.s32 s5, s23  }
0x10: {  	s21 =	sadd.s32 s5, s21;
	[dreg:$0x7] =	wrdreg s13;
	s13 =	sadd.s32 s5, s26  }
0x11: {  	s22 =	sadd.s32 s5, s25;
	s5 =	sadd.s32 s5, s8;
	[dreg:$0x8] =	wrdreg s13  }
0x12: {  	s29 =	sadd.s32 s10, s1;
	s10 =	sshll.u32 s11, $0x7;
	[dreg:$0x9] =	wrdreg s5  }
0x13: {  	s23 =	sshll.u32 s11, $0x4;
	s5 =	sadd.s32 s6, s16;
	s13 =	rddreg [dreg:$0x3]  }
0x14: {  	s25 =	sshll.u32 s14, $0x4;
	[dreg:$0xb] =	wrdreg s5;
	s5 =	sadd.s32 s6, s23  }
0x15: {  	s26 =	sshll.u32 s19, $0x4;
	[dreg:$0xc] =	wrdreg s5;
	s5 =	sadd.s32 s6, s25  }
0x16: {  	s11 =	smul.u32 $0x5000, s24;
	[dreg:$0xd] =	wrdreg s5;
	s5 =	sadd.s32 s6, s26  }
0x17: {  	s16 =	sadd.s32 $0x15800, s3;
	s3 =	sadd.s32 $0x46A00, s3;
	[dreg:$0xe] =	wrdreg s5  }
0x18: {  	s8 =	sadd.s32 s9, s1;
	_ =	strace $0x80000047;
	[dreg:$0xf] =	wrdreg s3  }
0x19: {  	s6 =	sshll.u32 s24, $0x7;
	s24 =	sadd.s32 $0x13C00, s21;
	[dreg:$0x10] =	wrdreg s8  }
0x1a: {  	s0 =	smax.u32 s0, $0x1;
	s25 =	sadd.s32 $0x13C00, s22;
	[dreg:$0x1c] =	wrdreg s24  }
0x1b: {  	s14 =	sshll.u32 s14, $0x7;
	s9 =	sshll.u32 s7, $0x7;
	[dreg:$0x1d] =	wrdreg s25  }
0x1c: {  	s28 =	sadd.s32 s6, s13;
	s6 =	sor.u32 $0x180, s11;
	[dreg:$0x1e] =	wrdreg s0  }
0x1d: {  	s19 =	sshll.u32 s19, $0x7;
	s7 =	sadd.s32 s9, s13;
	[dreg:$0x1f] =	wrdreg s6  }
0x1e: {  	s9 =	sadd.s32 s10, s13;
	s10 =	sadd.s32 s14, s13;
	[dreg:$0x13] =	wrdreg s7  }
0x1f: {  	s31 =	sadd.s32 s19, s13;
	s19 =	sadd.s32 $0x40, s10;
	[dreg:$0x17] =	wrdreg s10  }
0x20: {  	[smem:$0x7F8] =	sst s19  }
0x21: {  	s30 =	simm.s32 $0x6400;
	[dreg:$0x11] =	wrdreg s28  }
0x22: {  	p1 =	sne.s32 s4, $0x0;
	p2 =	sne.s32 @!p0 s4, $0x0;
	[dreg:$0x12] =	wrdreg s29  }
0x23: {  	s23 =	smul.u32 $0x50000, s4;
	s26 =	sadd.s32 s15, s1;
	[dreg:$0x15] =	wrdreg s9  }
0x24: {  	p2 =	por p2, p0;
	s14 =	sadd.s32 s20, s1;
	[dreg:$0x16] =	wrdreg s26  }
0x25: {  	s20 =	sshrl.u32 s11, $0x3;
	s15 =	sadd.s32 s11, s23;
	[dreg:$0x18] =	wrdreg s14  }
0x26: {  	s8 =	sadd.s32 s12, s1;
	s11 =	sadd.s32 $0x40, s28;
	[dreg:$0x19] =	wrdreg s31  }
0x27: {  	s3 =	sshrl.u32 s15, $0x3;
	s12 =	sadd.s32 $0x40, s7;
	[smem:$0x7F5] =	sst s11  }
0x28: {  	s15 =	sadd.s32 $0x40, s9;
	s7 =	simm.s32 $0x400;
	[smem:$0x7F6] =	sst s12  }
0x29: {  	s6 =	simm.s32 $0x80;
	s5 =	sadd.s32 s17, s3;
	[smem:$0x7F7] =	sst s15  }
0x2a: {  	s3 =	sadd.s32 s18, s20;
	s20 =	sadd.s32 $0x40, s31;
	[dreg:$0x14] =	wrdreg s8  }
0x2b: {  	s19 =	simm.s32 $0x2400;
	s10 =	simm.s32 $0x380;
	[smem:$0x7F9] =	sst s20  }
0x2c: {  	s0 =	simm.s32 $0x5;
	s11 =	simm.s32 $0x100;
	[dreg:$0x1a] =	wrdreg s5  }
0x2d: {  	s12 =	simm.s32 $0x300;
	s21 =	sadd.s32 $0x10, s5;
	[dreg:$0x1b] =	wrdreg s3  }
.Ltmp0:
0x2e: {  	s22 =	sadd.s32 $0x10, s3;
	[smem:$0x7FA] =	sst s21;
	(pc) =	sbr.rel .LBB2_1-.Ltmp0, $4  }
0x2f: {  	s24 =	sadd.s32 $0x20, s5;
	s25 =	sadd.s32 $0x20, s3;
	[smem:$0x7FB] =	sst s22  }
0x30: {  	s5 =	simm.s32 $0xA;
	s3 =	simm.s32 $0x180;
	[smem:$0x7FC] =	sst s24  }
0x31: {  	s20 =	simm.s32 $0x3;
	[smem:$0x7FD] =	sst s25;
	s21 =	simm.s32 $0x4400  }
0x32: {  	s25 =	simm.s32 $0x6;
	s24 =	simm.s32 $0x4;
	s22 =	simm.s32 $0x0  }
.LBB2_6:
0x33: {  	s4 =	simm.s32 $0x9  }
0x34: {  	_ =	swait.ge [sflag:s4], $0x80  }
0x35: {  	[sflag:s4] =	ssyncset.done $0x0  }
0x36: {  	[sflag:s4] =	ssyncadd.s32 $0xFFFFFF80  }
.LBB2_7:
0x37: {  	s4 =	stileid.u32;
	[bflag:$0x0] =	sbarrier.arrive $0xFFFF  }
0x38: {  	s4 =	sshll.u32 s4, $0x6;
	s8 =	rddreg [dreg:$0x10]  }
0x39: {  	s9 =	rddreg [dreg:$0x5];
	s4 =	sor.u32 $0x1C0A, s4;
	s8 =	sshrl.u32 s8, $0x3  }
0x3a: {  	[hbm:s9], [sflag:s4] =	dma.local [spmem:s8], $0x400  }
0x3b: {  	_ =	swait.ge [sflag:s5], $0x400  }
0x3c: {  	[sflag:s5] =	ssyncset.done $0x0;
	s29 =	rddreg [dreg:$0x12]  }
0x3d: {  	s9 =	rddreg [dreg:$0x1c];
	[sflag:s5] =	ssyncadd.s32 $0xFFFFFC00;
	s8 =	sshrl.u32 @p1 s29, $0x3  }
0x3e: {  	[hbm:s9], [sflag:s4] =	dma.local @p1 [spmem:s8], $0x400  }
0x3f: {  	s8 =	simm.s32 @p1 $0xA  }
0x40: {  	_ =	swait.ge @p1 [sflag:s8], $0x400  }
0x41: {  	[sflag:s8] =	ssyncset.done @p1 $0x0;
	s28 =	rddreg [dreg:$0x11]  }
0x42: {  	s14 =	rddreg [dreg:$0xa];
	[sflag:s8] =	ssyncadd.s32 @p1 $0xFFFFFC00;
	s9 =	sshrl.u32 @!p1 s28, $0x3  }
0x43: {  	[hbm:s14], [sflag:s4] =	dma.local @!p1 [spmem:s9], $0x10  }
0x44: {  	s9 =	simm.s32 @!p1 $0xA  }
0x45: {  	_ =	swait.ge @!p1 [sflag:s9], $0x10  }
0x46: {  	[sflag:s9] =	ssyncset.done @!p1 $0x0  }
0x47: {  	s14 =	sshrl.u32 @!p1 s29, $0x3;
	s15 =	rddreg [dreg:$0x6];
	[sflag:s9] =	ssyncadd.s32 @!p1 $0xFFFFFFF0  }
0x48: {  	[hbm:s15], [sflag:s4] =	dma.local @!p1 [spmem:s14], $0x400  }
0x49: {  	_ =	swait.ge @!p1 [sflag:s9], $0x400  }
0x4a: {  	[sflag:s9] =	ssyncset.done @!p1 $0x0;
	s14 =	rddreg [dreg:$0x13]  }
0x4b: {  	s15 =	rddreg [dreg:$0xb];
	[sflag:s9] =	ssyncadd.s32 @!p1 $0xFFFFFC00;
	s14 =	sshrl.u32 @!p1 s14, $0x3  }
0x4c: {  	[hbm:s15], [sflag:s4] =	dma.local @!p1 [spmem:s14], $0x10  }
0x4d: {  	_ =	swait.ge @!p1 [sflag:s9], $0x10  }
0x4e: {  	[sflag:s9] =	ssyncset.done @!p1 $0x0;
	s22 =	rddreg [dreg:$0x14]  }
0x4f: {  	s26 =	rddreg [dreg:$0x7];
	[sflag:s9] =	ssyncadd.s32 @!p1 $0xFFFFFFF0;
	s15 =	sshrl.u32 s22, $0x3  }
0x50: {  	[hbm:s26], [sflag:s4] =	dma.local [spmem:s15], $0x400  }
0x51: {  	_ =	swait.ge [sflag:s5], $0x400  }
0x52: {  	[sflag:s5] =	ssyncset.done $0x0;
	s26 =	rddreg [dreg:$0x16]  }
0x53: {  	s15 =	rddreg [dreg:$0x1d];
	[sflag:s5] =	ssyncadd.s32 $0xFFFFFC00;
	s14 =	sshrl.u32 @p1 s26, $0x3  }
0x54: {  	[hbm:s15], [sflag:s4] =	dma.local @p1 [spmem:s14], $0x400  }
0x55: {  	_ =	swait.ge @p1 [sflag:s8], $0x400  }
0x56: {  	[sflag:s8] =	ssyncset.done @p1 $0x0;
	s15 =	rddreg [dreg:$0x15]  }
0x57: {  	s14 =	rddreg [dreg:$0xc];
	[sflag:s8] =	ssyncadd.s32 @p1 $0xFFFFFC00;
	s8 =	sshrl.u32 @!p1 s15, $0x3  }
0x58: {  	[hbm:s14], [sflag:s4] =	dma.local @!p1 [spmem:s8], $0x10  }
0x59: {  	_ =	swait.ge @!p1 [sflag:s9], $0x10  }
0x5a: {  	[sflag:s9] =	ssyncset.done @!p1 $0x0  }
0x5b: {  	s8 =	sshrl.u32 @!p1 s26, $0x3;
	s14 =	rddreg [dreg:$0x8];
	[sflag:s9] =	ssyncadd.s32 @!p1 $0xFFFFFFF0  }
0x5c: {  	[hbm:s14], [sflag:s4] =	dma.local @!p1 [spmem:s8], $0x400  }
0x5d: {  	_ =	swait.ge @!p1 [sflag:s9], $0x400  }
0x5e: {  	[sflag:s9] =	ssyncset.done @!p1 $0x0;
	s8 =	rddreg [dreg:$0x17]  }
0x5f: {  	s14 =	rddreg [dreg:$0xd];
	[sflag:s9] =	ssyncadd.s32 @!p1 $0xFFFFFC00;
	s8 =	sshrl.u32 @!p1 s8, $0x3  }
0x60: {  	[hbm:s14], [sflag:s4] =	dma.local @!p1 [spmem:s8], $0x10  }
0x61: {  	_ =	swait.ge @!p1 [sflag:s9], $0x10  }
0x62: {  	[sflag:s9] =	ssyncset.done @!p1 $0x0;
	s14 =	rddreg [dreg:$0x18]  }
0x63: {  	[sflag:s9] =	ssyncadd.s32 @!p1 $0xFFFFFFF0;
	s8 =	sshrl.u32 @!p0 s14, $0x3;
	s9 =	rddreg [dreg:$0x9]  }
0x64: {  	[hbm:s9], [sflag:s4] =	dma.local @!p0 [spmem:s8], $0x400  }
0x65: {  	s8 =	simm.s32 @!p0 $0xA  }
0x66: {  	_ =	swait.ge @!p0 [sflag:s8], $0x400  }
0x67: {  	[sflag:s8] =	ssyncset.done @!p0 $0x0;
	s31 =	rddreg [dreg:$0x19]  }
0x68: {  	s9 =	rddreg [dreg:$0xe];
	[sflag:s8] =	ssyncadd.s32 @!p0 $0xFFFFFC00;
	s8 =	sshrl.u32 @!p2 s31, $0x3  }
0x69: {  	[hbm:s9], [sflag:s4] =	dma.local @!p2 [spmem:s8], $0x10  }
0x6a: {  	s4 =	simm.s32 @!p2 $0xA  }
0x6b: {  	_ =	swait.ge @!p2 [sflag:s4], $0x10  }
0x6c: {  	s9 =	smov.u32 s15;
	s15 =	sld [smem:$0x7F4];
	_ =	sdelay $0x2  }
0x6d: {  	s8 =	smov.u32 s22;
	s22 =	sadd.s32 $0x1, s15;
	s15 =	rddreg [dreg:$0x1e]  }
0x6e: {  	p3 =	sne.s32 s22, s15  }
.Ltmp1:
0x6f: {  	_ = 	snop;
	(pc) =	sbr.rel @!p3 .LBB2_8-.Ltmp1, $3  }
0x70: {  	_ =	sdelay $0x1  }
0x71: {  	[sflag:s4] =	ssyncset.done @!p2 $0x0  }
0x72: {  	[sflag:s4] =	ssyncadd.s32 @!p2 $0xFFFFFFF0  }
.LBB2_1:
0x73: {  	[smem:$0x7F4] =	sst s22  }
0x74: {  	s4 =	rddreg [dreg:$0x1];
	s15 =	simm.s32 $0x8400  }
0x75: {  	[tilespmem:s15], [sflag:$0xA] =	stream.linear.gather [hbm4b:s4+s2], $0x80, $0x38;
	[tilespmem:$0x124F8] =	vst v63  }
0x76: {  	_ =	swait.ge [sflag:s5], $0x80  }
0x77: {  	[sflag:s5] =	ssyncset.done $0x0  }
0x78: {  	s22 =	rddreg [dreg:$0xf];
	[sflag:s5] =	ssyncadd.s32 $0xFFFFFF80  }
0x79: {  	[tilespmem:s7], [sflag:$0xA] =	stream.linear.gather [hbm4b:s22+s2], $0x2000, $0x38;
	[tilespmem:$0x124F8] =	vst v63  }
0x7a: {  	_ =	swait.ge [sflag:s5], $0x2000  }
0x7b: {  	[sflag:s5] =	ssyncset.done $0x0  }
0x7c: {  	s15 =	rddreg [dreg:$0x10];
	[sflag:s5] =	ssyncadd.s32 $0xFFFFE000  }
0x7d: {  	[spmem:s15] =	stream.linear.scatter [tilespmem:s7], [sflag:$0xA], $0x2000, $0x38;
	[tilespmem:$0x124F8] =	vst v63  }
0x7e: {  	_ =	swait.ge [sflag:s5], $0x2000  }
0x7f: {  	s4 =	smov.u32 s14;
	[sflag:s5] =	ssyncset.done $0x0  }
0x80: {  	s14 =	simm.s32 @p1 $0x400;
	s15 =	simm.s32 @p1 $0xA;
	[sflag:s5] =	ssyncadd.s32 $0xFFFFE000  }
0x81: {  	[spmem:s29] =	stream.linear.scatter @p1 [tilespmem:s14], [sflag:$0xA], $0x2000, $0x38;
	[tilespmem:$0x124F8] =	vst v63  }
0x82: {  	_ =	swait.ge @p1 [sflag:s15], $0x2000  }
0x83: {  	[sflag:s15] =	ssyncset.done @p1 $0x0  }
0x84: {  	s22 =	simm.s32 @!p1 $0x400;
	[sflag:s15] =	ssyncadd.s32 @p1 $0xFFFFE000  }
0x85: {  	[spmem:s28] =	stream.linear.scatter @!p1 [tilespmem:s22], [sflag:$0xA], $0x40, $0x38;
	[tilespmem:$0x124F8] =	vst v63  }
0x86: {  	s28 =	simm.s32 @!p1 $0xA  }
0x87: {  	_ =	swait.ge @!p1 [sflag:s28], $0x40  }
0x88: {  	s14 =	sld [smem:$0x7F5]  }
0x89: {  	[sflag:s28] =	ssyncset.done @!p1 $0x0  }
0x8a: {  	[sflag:s28] =	ssyncadd.s32 @!p1 $0xFFFFFFC0  }
0x8b: {  	[spmem:s14] =	stream.linear.scatter @!p1 [tilespmem:s22], [sflag:$0xA], $0x40, $0x38;
	[tilespmem:$0x124F8] =	vst v63  }
0x8c: {  	_ =	swait.ge @!p1 [sflag:s28], $0x40  }
0x8d: {  	[sflag:s28] =	ssyncset.done @!p1 $0x0  }
0x8e: {  	[sflag:s28] =	ssyncadd.s32 @!p1 $0xFFFFFFC0  }
0x8f: {  	[spmem:s29] =	stream.linear.scatter @!p1 [tilespmem:s22], [sflag:$0xA], $0x2000, $0x38;
	[tilespmem:$0x124F8] =	vst v63  }
0x90: {  	_ =	swait.ge @!p1 [sflag:s28], $0x2000  }
0x91: {  	[sflag:s28] =	ssyncset.done @!p1 $0x0  }
0x92: {  	s14 =	rddreg [dreg:$0x13];
	[sflag:s28] =	ssyncadd.s32 @!p1 $0xFFFFE000  }
0x93: {  	[spmem:s14] =	stream.linear.scatter @!p1 [tilespmem:s22], [sflag:$0xA], $0x40, $0x38;
	[tilespmem:$0x124F8] =	vst v63  }
0x94: {  	_ =	swait.ge @!p1 [sflag:s28], $0x40  }
0x95: {  	s14 =	sld [smem:$0x7F6]  }
0x96: {  	[sflag:s28] =	ssyncset.done @!p1 $0x0  }
0x97: {  	[sflag:s28] =	ssyncadd.s32 @!p1 $0xFFFFFFC0  }
0x98: {  	[spmem:s14] =	stream.linear.scatter @!p1 [tilespmem:s22], [sflag:$0xA], $0x40, $0x38;
	[tilespmem:$0x124F8] =	vst v63  }
0x99: {  	_ =	swait.ge @!p1 [sflag:s28], $0x40  }
0x9a: {  	[sflag:s28] =	ssyncset.done @!p1 $0x0  }
0x9b: {  	[sflag:s28] =	ssyncadd.s32 @!p1 $0xFFFFFFC0  }
0x9c: {  	[spmem:s8] =	stream.linear.scatter [tilespmem:s7], [sflag:$0xA], $0x2000, $0x38;
	[tilespmem:$0x124F8] =	vst v63  }
0x9d: {  	_ =	swait.ge [sflag:s5], $0x2000  }
0x9e: {  	[sflag:s5] =	ssyncset.done $0x0  }
0x9f: {  	s8 =	simm.s32 @p1 $0x400;
	[sflag:s5] =	ssyncadd.s32 $0xFFFFE000  }
0xa0: {  	[spmem:s26] =	stream.linear.scatter @p1 [tilespmem:s8], [sflag:$0xA], $0x2000, $0x38;
	[tilespmem:$0x124F8] =	vst v63  }
0xa1: {  	_ =	swait.ge @p1 [sflag:s15], $0x2000  }
0xa2: {  	[sflag:s15] =	ssyncset.done @p1 $0x0  }
0xa3: {  	[sflag:s15] =	ssyncadd.s32 @p1 $0xFFFFE000  }
0xa4: {  	[spmem:s9] =	stream.linear.scatter @!p1 [tilespmem:s22], [sflag:$0xA], $0x40, $0x38;
	[tilespmem:$0x124F8] =	vst v63  }
0xa5: {  	_ =	swait.ge @!p1 [sflag:s28], $0x40  }
0xa6: {  	s8 =	sld [smem:$0x7F7]  }
0xa7: {  	[sflag:s28] =	ssyncset.done @!p1 $0x0  }
0xa8: {  	[sflag:s28] =	ssyncadd.s32 @!p1 $0xFFFFFFC0  }
0xa9: {  	[spmem:s8] =	stream.linear.scatter @!p1 [tilespmem:s22], [sflag:$0xA], $0x40, $0x38;
	[tilespmem:$0x124F8] =	vst v63  }
0xaa: {  	_ =	swait.ge @!p1 [sflag:s28], $0x40  }
0xab: {  	[sflag:s28] =	ssyncset.done @!p1 $0x0  }
0xac: {  	[sflag:s28] =	ssyncadd.s32 @!p1 $0xFFFFFFC0  }
0xad: {  	[spmem:s26] =	stream.linear.scatter @!p1 [tilespmem:s22], [sflag:$0xA], $0x2000, $0x38;
	[tilespmem:$0x124F8] =	vst v63  }
0xae: {  	_ =	swait.ge @!p1 [sflag:s28], $0x2000  }
0xaf: {  	[sflag:s28] =	ssyncset.done @!p1 $0x0  }
0xb0: {  	s8 =	rddreg [dreg:$0x17];
	[sflag:s28] =	ssyncadd.s32 @!p1 $0xFFFFE000  }
0xb1: {  	[spmem:s8] =	stream.linear.scatter @!p1 [tilespmem:s22], [sflag:$0xA], $0x40, $0x38;
	[tilespmem:$0x124F8] =	vst v63  }
0xb2: {  	_ =	swait.ge @!p1 [sflag:s28], $0x40  }
0xb3: {  	s8 =	sld [smem:$0x7F8]  }
0xb4: {  	[sflag:s28] =	ssyncset.done @!p1 $0x0  }
0xb5: {  	[sflag:s28] =	ssyncadd.s32 @!p1 $0xFFFFFFC0  }
0xb6: {  	[spmem:s8] =	stream.linear.scatter @!p1 [tilespmem:s22], [sflag:$0xA], $0x40, $0x38;
	[tilespmem:$0x124F8] =	vst v63  }
0xb7: {  	_ =	swait.ge @!p1 [sflag:s28], $0x40  }
0xb8: {  	[sflag:s28] =	ssyncset.done @!p1 $0x0  }
0xb9: {  	s14 =	simm.s32 @!p0 $0x400;
	[sflag:s28] =	ssyncadd.s32 @!p1 $0xFFFFFFC0  }
0xba: {  	[spmem:s4] =	stream.linear.scatter @!p0 [tilespmem:s14], [sflag:$0xA], $0x2000, $0x38;
	[tilespmem:$0x124F8] =	vst v63  }
0xbb: {  	s14 =	simm.s32 @!p0 $0xA  }
0xbc: {  	_ =	swait.ge @!p0 [sflag:s14], $0x2000  }
0xbd: {  	[sflag:s14] =	ssyncset.done @!p0 $0x0  }
0xbe: {  	s15 =	simm.s32 @!p2 $0xA;
	[sflag:s14] =	ssyncadd.s32 @!p0 $0xFFFFE000;
	s14 =	simm.s32 @!p2 $0x400  }
0xbf: {  	[spmem:s31] =	stream.linear.scatter @!p2 [tilespmem:s14], [sflag:$0xA], $0x40, $0x38;
	[tilespmem:$0x124F8] =	vst v63  }
0xc0: {  	_ =	swait.ge @!p2 [sflag:s15], $0x40  }
0xc1: {  	s4 =	sld [smem:$0x7F9]  }
0xc2: {  	[sflag:s15] =	ssyncset.done @!p2 $0x0  }
0xc3: {  	[sflag:s15] =	ssyncadd.s32 @!p2 $0xFFFFFFC0  }
0xc4: {  	[spmem:s4] =	stream.linear.scatter @!p2 [tilespmem:s14], [sflag:$0xA], $0x40, $0x38;
	[tilespmem:$0x124F8] =	vst v63  }
0xc5: {  	_ =	swait.ge @!p2 [sflag:s15], $0x40  }
0xc6: {  	[sflag:s15] =	ssyncset.done @!p2 $0x0  }
0xc7: {  	[sflag:s15] =	ssyncadd.s32 @!p2 $0xFFFFFFC0  }
0xc8: {  	[bflag:$0x0] =	sbarrier.arrive $0xFFFF  }
0xc9: {  	s22 =	rddreg [dreg:$0x1a]  }
0xca: {  	s26 =	rddreg [dreg:$0x1b]  }
0xcb: {  	[tilespmem:s2], [sflag:$0x1] =	stream.linear.gather [hbm4b:s22+s2], $0x80, $0x38;
	[tilespmem:$0x124F8] =	vst v63  }
0xcc: {  	s28 =	simm.s32 $0x200;
	s8 =	sld [smem:$0x7FA]  }
0xcd: {  	[tilespmem:s28], [sflag:$0x1] =	stream.linear.gather [hbm4b:s26+s2], $0x80, $0x38;
	[tilespmem:$0x124F8] =	vst v63  }
0xce: {  	s9 =	sld [smem:$0x7FB]  }
0xcf: {  	[tilespmem:s6], [sflag:$0x2] =	stream.linear.gather [hbm4b:s8+s2], $0x80, $0x38;
	[tilespmem:$0x124F8] =	vst v63  }
0xd0: {  	s14 =	simm.s32 $0x280;
	s15 =	sld [smem:$0x7FC]  }
0xd1: {  	[tilespmem:s14], [sflag:$0x2] =	stream.linear.gather [hbm4b:s9+s2], $0x80, $0x38;
	[tilespmem:$0x124F8] =	vst v63  }
0xd2: {  	s22 =	sld [smem:$0x7FD]  }
0xd3: {  	[tilespmem:s11], [sflag:$0x3] =	stream.linear.gather [hbm4b:s15+s2], $0x80, $0x38;
	[tilespmem:$0x124F8] =	vst v63  }
0xd4: {  	s26 =	simm.s32 $0x1  }
0xd5: {  	[tilespmem:s12], [sflag:$0x3] =	stream.linear.gather [hbm4b:s22+s2], $0x80, $0x38;
	[tilespmem:$0x124F8] =	vst v63  }
0xd6: {  	_ =	swait.ge [sflag:s26], $0x80  }
0xd7: {  	[sflag:s26] =	ssyncset.done $0x0  }
0xd8: {  	[sflag:s26] =	ssyncadd.s32 $0xFFFFFF80  }
0xd9: {  	_ =	swait.ge [sflag:s26], $0x80  }
0xda: {  	[sflag:s26] =	ssyncset.done $0x0  }
0xdb: {  	s28 =	simm.s32 $0x2;
	[sflag:s26] =	ssyncadd.s32 $0xFFFFFF80  }
0xdc: {  	[tilespmem:s7], [sflag:$0x5] =	stream.indirect.gather [hbm4b:s16+s6], $0x40, s2, s6, $0xb8;
	[tilespmem:$0x124F8] =	vst v63  }
0xdd: {  	_ =	swait.ge [sflag:s28], $0x80  }
0xde: {  	[sflag:s28] =	ssyncset.done $0x0  }
.Ltmp2:
0xdf: {  	[sflag:s28] =	ssyncadd.s32 $0xFFFFFF80;
	(pc) =	sbr.rel .LBB2_2-.Ltmp2, $4  }
0xe0: {  	_ =	swait.ge [sflag:s28], $0x80  }
0xe1: {  	s29 =	simm.s32 $0x27;
	[sflag:s28] =	ssyncset.done $0x0  }
0xe2: {  	s14 =	simm.s32 $0x0;
	s31 =	rddreg [dreg:$0x1f];
	[sflag:s28] =	ssyncadd.s32 $0xFFFFFF80  }
0xe3: {  	[tilespmem:s19], [sflag:$0x6] =	stream.indirect.gather [hbm4b:s16+s6], $0x40, s6, s6, $0xb8;
	[tilespmem:$0x124F8] =	vst v63  }
.LBB2_3:
.Ltmp3:
0xe4: {  	(pc) =	sbr.rel @p3 .LBB2_6-.Ltmp3, $3  }
0xe5: {  	_ =	sdelay $0x1  }
0xe6: {  	s4 =	simm.s32 $0x8400  }
0xe7: {  	[spmem:s13] =	stream.indirect.scatter.add.f32 [tilespmem:s4], [sflag:$0x9], $0x1, s10, s6, $0xb8;
	[tilespmem:$0x124F8] =	vst v63  }
.LBB2_4:
0xe8: {  	s29 =	sadd.s32 $0xFFFFFFFF, s29;
	s31 =	sadd.s32 $0x200, s31  }
.LBB2_2:
0xe9: {  	p3 =	seq.s32 @!p1 s29, $0x27  }
0xea: {  	p3 =	por p3, p1  }
0xeb: {  	s15 =	simm.s32 @!p3 $0x9  }
0xec: {  	s22 =	sadd.s32 s31, s23;
	_ =	swait.ge @!p3 [sflag:s15], $0x80  }
0xed: {  	s22 =	sshrl.u32 s22, $0x3;
	[sflag:s15] =	ssyncset.done @!p3 $0x0  }
0xee: {  	s9 =	sadd.s32 s17, s22;
	s22 =	sshrl.u32 s31, $0x3;
	[sflag:s15] =	ssyncadd.s32 @!p3 $0xFFFFFF80  }
0xef: {  	[tilespmem:s3], [sflag:$0x4] =	stream.linear.gather [hbm4b:s9+s2], $0x80, $0x38;
	[tilespmem:$0x124F8] =	vst v63  }
0xf0: {  	s15 =	sadd.s32 s18, s22  }
0xf1: {  	[tilespmem:s10], [sflag:$0x4] =	stream.linear.gather [hbm4b:s15+s2], $0x80, $0x38;
	[tilespmem:$0x124F8] =	vst v63  }
0xf2: {  	_ =	swait.ge [sflag:s0], $0x2000  }
0xf3: {  	[sflag:s0] =	ssyncset.done $0x0  }
0xf4: {  	[sflag:s0] =	ssyncadd.s32 $0xFFFFE000  }
0xf5: {  	_ =	swait.ge [sflag:s20], $0x80  }
0xf6: {  	[sflag:s20] =	ssyncset.done $0x0  }
0xf7: {  	[sflag:s20] =	ssyncadd.s32 $0xFFFFFF80  }
0xf8: {  	_ =	swait.ge [sflag:s20], $0x80  }
0xf9: {  	[sflag:s20] =	ssyncset.done $0x0  }
0xfa: {  	[sflag:s20] =	ssyncadd.s32 $0xFFFFFF80  }
0xfb: {  	[tilespmem:s21], [sflag:$0x7] =	stream.indirect.gather [hbm4b:s16+s6], $0x40, s11, s6, $0xb8;
	[tilespmem:$0x124F8] =	vst v63  }
0xfc: {  	s4 =	simm.s32 $0x200  }
0xfd: {  	[spmem:s1] =	stream.indirect.scatter.add.f32 [tilespmem:s7], [sflag:$0xA], $0x40, s4, s6, $0xb8;
	[tilespmem:$0x124F8] =	vst v63  }
0xfe: {  	_ =	swait.ge [sflag:s5], $0x2000  }
0xff: {  	s28 =	simm.s32 @!p1 $0x8400;
	s22 =	simm.s32 @!p1 $0x80;
	[sflag:s5] =	ssyncset.done $0x0  }
0x100: {  	p3 =	seq.s32 s29, $0x0;
	s15 =	simm.s32 @!p1 $0x200;
	[sflag:s5] =	ssyncadd.s32 $0xFFFFE000  }
0x101: {  	[spmem:s13] =	stream.indirect.scatter.add.f32 @!p1 [tilespmem:s28], [sflag:$0x9], $0x1, s15, s22, $0xb8;
	[tilespmem:$0x124F8] =	vst v63  }
0x102: {  	s26 =	sadd.s32 @!p3 $0x80, s31;
	s15 =	simm.s32 @!p1 $0x9  }
0x103: {  	s4 =	sadd.s32 @!p3 s23, s26;
	_ =	swait.ge @!p1 [sflag:s15], $0x80  }
0x104: {  	s4 =	sshrl.u32 @!p3 s4, $0x3;
	[sflag:s15] =	ssyncset.done @!p1 $0x0  }
0x105: {  	s8 =	simm.s32 @!p3 $0x0;
	s4 =	sadd.s32 @!p3 s17, s4;
	[sflag:s15] =	ssyncadd.s32 @!p1 $0xFFFFFF80  }
0x106: {  	[tilespmem:s8], [sflag:$0x1] =	stream.linear.gather @!p3 [hbm4b:s4+s8], $0x80, $0x38;
	[tilespmem:$0x124F8] =	vst v63  }
0x107: {  	s4 =	sshrl.u32 @!p3 s26, $0x3  }
0x108: {  	s26 =	simm.s32 @!p3 $0x200;
	s4 =	sadd.s32 @!p3 s18, s4  }
0x109: {  	[tilespmem:s26], [sflag:$0x1] =	stream.linear.gather @!p3 [hbm4b:s4+s8], $0x80, $0x38;
	[tilespmem:$0x124F8] =	vst v63  }
0x10a: {  	_ =	swait.ge [sflag:s25], $0x2000  }
0x10b: {  	[sflag:s25] =	ssyncset.done $0x0  }
0x10c: {  	[sflag:s25] =	ssyncadd.s32 $0xFFFFE000  }
0x10d: {  	_ =	swait.ge [sflag:s24], $0x80  }
0x10e: {  	[sflag:s24] =	ssyncset.done $0x0  }
0x10f: {  	[sflag:s24] =	ssyncadd.s32 $0xFFFFFF80  }
0x110: {  	_ =	swait.ge [sflag:s24], $0x80  }
0x111: {  	[sflag:s24] =	ssyncset.done $0x0  }
0x112: {  	[sflag:s24] =	ssyncadd.s32 $0xFFFFFF80  }
0x113: {  	[tilespmem:s30], [sflag:$0x8] =	stream.indirect.gather [hbm4b:s16+s6], $0x40, s3, s6, $0xb8;
	[tilespmem:$0x124F8] =	vst v63  }
0x114: {  	s26 =	simm.s32 $0x280  }
0x115: {  	[spmem:s1] =	stream.indirect.scatter.add.f32 [tilespmem:s19], [sflag:$0xA], $0x40, s26, s6, $0xb8;
	[tilespmem:$0x124F8] =	vst v63  }
0x116: {  	_ =	swait.ge [sflag:s5], $0x2000  }
0x117: {  	[sflag:s5] =	ssyncset.done $0x0  }
0x118: {  	p4 =	sne.s32 s29, $0x0;
	s4 =	simm.s32 @!p1 $0x280;
	[sflag:s5] =	ssyncadd.s32 $0xFFFFE000  }
0x119: {  	[spmem:s13] =	stream.indirect.scatter.add.f32 @!p1 [tilespmem:s28], [sflag:$0x9], $0x1, s4, s22, $0xb8;
	[tilespmem:$0x124F8] =	vst v63  }
0x11a: {  	s4 =	sadd.s32 @p4 $0x100, s31  }
0x11b: {  	s9 =	simm.s32 @p4 $0x80;
	_ =	swait.ge @!p1 [sflag:s15], $0x80;
	s8 =	sadd.s32 @p4 s23, s4  }
0x11c: {  	s26 =	simm.s32 @p4 $0x0;
	[sflag:s15] =	ssyncset.done @!p1 $0x0;
	s8 =	sshrl.u32 @p4 s8, $0x3  }
0x11d: {  	s4 =	sshrl.u32 @p4 s4, $0x3;
	[sflag:s15] =	ssyncadd.s32 @!p1 $0xFFFFFF80;
	s8 =	sadd.s32 @p4 s17, s8  }
0x11e: {  	[tilespmem:s9], [sflag:$0x2] =	stream.linear.gather @p4 [hbm4b:s8+s26], $0x80, $0x38;
	[tilespmem:$0x124F8] =	vst v63  }
0x11f: {  	s4 =	sadd.s32 @p4 s18, s4;
	s8 =	simm.s32 @p4 $0x280  }
0x120: {  	[tilespmem:s8], [sflag:$0x2] =	stream.linear.gather @p4 [hbm4b:s4+s26], $0x80, $0x38;
	[tilespmem:$0x124F8] =	vst v63  }
0x121: {  	s4 =	simm.s32 @p4 $0x7  }
0x122: {  	_ =	swait.ge @p4 [sflag:s4], $0x2000  }
0x123: {  	[sflag:s4] =	ssyncset.done @p4 $0x0  }
0x124: {  	[sflag:s4] =	ssyncadd.s32 @p4 $0xFFFFE000;
	s4 =	simm.s32 @p4 $0x1  }
0x125: {  	_ =	swait.ge @p4 [sflag:s4], $0x80  }
0x126: {  	[sflag:s4] =	ssyncset.done @p4 $0x0  }
0x127: {  	[sflag:s4] =	ssyncadd.s32 @p4 $0xFFFFFF80  }
0x128: {  	_ =	swait.ge @p4 [sflag:s4], $0x80  }
0x129: {  	[sflag:s4] =	ssyncset.done @p4 $0x0  }
0x12a: {  	[sflag:s4] =	ssyncadd.s32 @p4 $0xFFFFFF80;
	s4 =	simm.s32 @p4 $0x400  }
0x12b: {  	[tilespmem:s4], [sflag:$0x5] =	stream.indirect.gather @p4 [hbm4b:s16+s9], $0x40, s26, s9, $0xb8;
	[tilespmem:$0x124F8] =	vst v63  }
0x12c: {  	s4 =	simm.s32 @!p4 $0x7  }
0x12d: {  	_ =	swait.ge @!p4 [sflag:s4], $0x2000  }
0x12e: {  	[sflag:s4] =	ssyncset.done @!p4 $0x0  }
0x12f: {  	[sflag:s4] =	ssyncadd.s32 @!p4 $0xFFFFE000  }
0x130: {  	[spmem:s1] =	stream.indirect.scatter.add.f32 [tilespmem:s21], [sflag:$0xA], $0x40, s12, s6, $0xb8;
	[tilespmem:$0x124F8] =	vst v63  }
0x131: {  	_ =	swait.ge [sflag:s5], $0x2000  }
0x132: {  	[sflag:s5] =	ssyncset.done $0x0  }
0x133: {  	s4 =	simm.s32 @!p1 $0x300;
	[sflag:s5] =	ssyncadd.s32 $0xFFFFE000  }
0x134: {  	[spmem:s13] =	stream.indirect.scatter.add.f32 @!p1 [tilespmem:s28], [sflag:$0x9], $0x1, s4, s22, $0xb8;
	[tilespmem:$0x124F8] =	vst v63  }
0x135: {  	s4 =	sadd.s32 @p4 $0x180, s31  }
0x136: {  	_ =	swait.ge @!p1 [sflag:s15], $0x80;
	s8 =	sadd.s32 @p4 s23, s4  }
0x137: {  	s4 =	sshrl.u32 @p4 s4, $0x3;
	[sflag:s15] =	ssyncset.done @!p1 $0x0;
	s8 =	sshrl.u32 @p4 s8, $0x3  }
0x138: {  	[sflag:s15] =	ssyncadd.s32 @!p1 $0xFFFFFF80;
	s8 =	sadd.s32 @p4 s17, s8;
	s15 =	simm.s32 @p4 $0x100  }
0x139: {  	[tilespmem:s15], [sflag:$0x3] =	stream.linear.gather @p4 [hbm4b:s8+s26], $0x80, $0x38;
	[tilespmem:$0x124F8] =	vst v63  }
0x13a: {  	s4 =	sadd.s32 @p4 s18, s4;
	s8 =	simm.s32 @p4 $0x300  }
0x13b: {  	[tilespmem:s8], [sflag:$0x3] =	stream.linear.gather @p4 [hbm4b:s4+s26], $0x80, $0x38;
	[tilespmem:$0x124F8] =	vst v63  }
0x13c: {  	s4 =	simm.s32 @p4 $0x8  }
0x13d: {  	_ =	swait.ge @p4 [sflag:s4], $0x2000  }
0x13e: {  	[sflag:s4] =	ssyncset.done @p4 $0x0  }
0x13f: {  	[sflag:s4] =	ssyncadd.s32 @p4 $0xFFFFE000;
	s4 =	simm.s32 @p4 $0x2  }
0x140: {  	_ =	swait.ge @p4 [sflag:s4], $0x80  }
0x141: {  	[sflag:s4] =	ssyncset.done @p4 $0x0  }
0x142: {  	[sflag:s4] =	ssyncadd.s32 @p4 $0xFFFFFF80  }
0x143: {  	_ =	swait.ge @p4 [sflag:s4], $0x80  }
0x144: {  	[sflag:s4] =	ssyncset.done @p4 $0x0  }
0x145: {  	[sflag:s4] =	ssyncadd.s32 @p4 $0xFFFFFF80;
	s4 =	simm.s32 @p4 $0x2400  }
0x146: {  	[tilespmem:s4], [sflag:$0x6] =	stream.indirect.gather @p4 [hbm4b:s16+s9], $0x40, s9, s9, $0xb8;
	[tilespmem:$0x124F8] =	vst v63  }
0x147: {  	s4 =	simm.s32 @!p4 $0x8  }
0x148: {  	_ =	swait.ge @!p4 [sflag:s4], $0x2000  }
0x149: {  	[sflag:s4] =	ssyncset.done @!p4 $0x0  }
.Ltmp4:
0x14a: {  	[sflag:s4] =	ssyncadd.s32 @!p4 $0xFFFFE000;
	(pc) =	sbr.rel @!p1 .LBB2_3-.Ltmp4, $4  }
0x14b: {  	[spmem:s1] =	stream.indirect.scatter.add.f32 [tilespmem:s30], [sflag:$0xA], $0x40, s10, s6, $0xb8;
	[tilespmem:$0x124F8] =	vst v63  }
0x14c: {  	_ =	swait.ge [sflag:s5], $0x2000  }
0x14d: {  	[sflag:s5] =	ssyncset.done $0x0  }
0x14e: {  	s14 =	sadd.s32 $0x1, s14;
	[sflag:s5] =	ssyncadd.s32 $0xFFFFE000  }
.Ltmp5:
0x14f: {  	(pc) =	sbr.rel @!p3 .LBB2_4-.Ltmp5, $4  }
.Ltmp6:
0x150: {  	(pc) =	sbr.rel @p3 .LBB2_7-.Ltmp6, $4  }
0x151: {  	_ = 	snop  }
0x152: {  	_ = 	snop  }
0x153: {  	_ = 	snop  }
0x154: {  	_ = 	snop  }
.LBB2_8:
0x155: {  	_ =	sfence.sel $0x180000  }
0x156: {  	[bflag:$0x0] =	sbarrier.arrive $0xFFFF  }
0x157: {  	_ =	strace $0x90000047  }
0x158: {  	s0 =	stileid.u32;
	[bflag:$0x2] =	sbarrier.arrive $0xFFFF  }
0x159: {  	p0 =	sne.s32 s0, $0x0;
	s0 =	rddreg [dreg:$0x4]  }
0x15a: {  	s0 =	sadd.s32 @!p0 $0x100000, s0  }
0x15b: {  	[sflag:s0] =	ssyncadd.tile.s32 @!p0 $0x1;
	_ =	shalt  }
.Lfunc_end2:
_tile_overlayer_lowered:
.L_overlay_start_2:
0x15c: {  	(tag) =	ssettag $0x2  }
0x15d: {  	s0 =	rddreg [dreg:$0x0];
	s2 =	stileid.u32  }
0x15e: {  	s1 =	rddreg [dreg:$0x1];
	p0 =	sne.s32 s2, $0x0  }
0x15f: {  	s3 =	rddreg [dreg:$0x2];
	[bflag:$0x3] =	sbarrier.arrive $0xFFFF;
	s2 =	simm.s32 @!p0 $0x1C0A  }
0x160: {  	[timem:s3], [sflag:s2] =	dma.local @!p0 [hbm:s0], s1  }
0x161: {  	s0 =	simm.s32 @!p0 $0xA  }
0x162: {  	_ =	swait.ge @!p0 [sflag:s0], s1  }
0x163: {  	s1 =	ssub.s32 @!p0 $0x0, s1;
	[sflag:s0] =	ssyncset.done @!p0 $0x0  }
0x164: {  	[sflag:s0] =	ssyncadd.s32 @!p0 s1  }
0x165: {  	[bflag:$0x3] =	sbarrier.arrive $0xFFFF  }
0x166: {  	_ =	shalt  }

// kernel: kernel.9.cloned.1.call-start
scs
__scs_entry_jumppad:
0x0: {  	(pc) =	sbr.rel $0x88, $3  }
0x1: {  	(tag) =	ssettag $0x0;
	lr =	simm.s32 $0x1  }
0x2: {  	[smem:$0x3F96] =	sst lr;
	_ =	strace $0xD0000000  }
0x3: {  	_ = 	snop  }
0x4: {  	_ = 	snop  }
0x5: {  	_ = 	snop  }
0x6: {  	_ = 	snop  }
0x7: {  	_ = 	snop  }
__scs_overlays_trampoline_lowered:
0x8: {  	[smem:$0x3FA5] =	sst s0  }
0x9: {  	[smem:$0x3FA6] =	sst s1  }
0xa: {  	[smem:$0x3FA7] =	sst s2  }
0xb: {  	[smem:$0x3FA8] =	sst s3  }
0xc: {  	[smem:$0x3FA9] =	sst s4  }
0xd: {  	[smem:$0x3FAA] =	sst s5  }
0xe: {  	[smem:$0x3FAB] =	sst s6  }
0xf: {  	[smem:$0x3FAC] =	sst s7  }
0x10: {  	[smem:$0x3FAD] =	sst s8  }
0x11: {  	[smem:$0x3FAE] =	sst s9;
	s0 =	simm.s32 @!p0 $0x0  }
0x12: {  	s1 =	sld [smem:$0x3F94];
	s0 =	simm.s32 @p0 $0x1  }
0x13: {  	[smem:$0x3FAF] =	sst s0;
	s0 =	simm.s32 @!p1 $0x0  }
0x14: {  	s2 =	sld [smem:$0x3F93];
	s0 =	simm.s32 @p1 $0x1  }
0x15: {  	[smem:$0x3FB0] =	sst s0;
	s0 =	simm.s32 @!p2 $0x0  }
0x16: {  	s3 =	sld [smem:$0x3FDB];
	s0 =	simm.s32 @p2 $0x1  }
0x17: {  	s4 =	simm.s32 $0x1BF5;
	[smem:$0x3FB2] =	sst s0  }
0x18: {  	s0 =	sld [smem:$0x3F95];
	_ =	swait.ge [sflag:s4], $0x0  }
0x19: {  	s7 =	sld [smem:$0x3F96]  }
0x1a: {  	s8 =	sadd.s32 $0xFFFFE003, lr  }
0x1b: {  	s9 =	sadd.s32 $0xFFFFFEF7, lr;
	s5 =	simm.s32 $0xFFFFFFFF;
	p2 =	slt.u32 s8, $0xFFFFF086  }
0x1c: {  	p1 =	slt.u32 s9, $0xF7A;
	s5 =	simm.s32 @!p2 $0x0  }
0x1d: {  	s5 =	simm.s32 @p1 $0x1;
	p0 =	seq.s32 s7, s2  }
0x1e: {  	s7 =	smul.u32 @!p0 $0xF7A, s2;
	p2 =	seq.s32 @!p0 s5, $0x0  }
0x1f: {  	s9 =	smul.u32 $0xF7A, s1;
	s8 =	simm.s32 @!p0 $0x1BF5;
	p2 =	por !p2, p0  }
0x20: {  	[sflag:s8] =	ssyncset.s32 @!p0 $0xFFFFF086;
	s6 =	sadd.s32 @!p0 s3, s7;
	s7 =	simm.s32 @!p0 $0x108  }
0x21: {  	s3 =	sadd.s32 s3, s9;
	s6 =	sadd.s32 @!p0 $0x88, s6;
	s7 =	simm.s32 @p2 $0x1082  }
0x22: {  	[simem:s7], [sflag:s8] =	dma.local @!p0 [hbm:s6], $0xF7A  }
0x23: {  	s9 =	sor.u32 $0xD0000000, s2;
	s6 =	simm.s32 $0x108;
	_ =	swait.ge @!p0 [sflag:s8], $0x0  }
0x24: {  	s3 =	sadd.s32 $0x88, s3;
	s6 =	simm.s32 @!p1 $0x1082;
	[sflag:s4] =	ssyncset.s32 $0xFFFFF086  }
0x25: {  	[simem:s6], [sflag:s4] =	dma.local [hbm:s3], $0xF7A  }
0x26: {  	[smem:$0x3F96] =	sst s1;
	(tag) =	ssettag s2;
	_ =	strace s9  }
0x27: {  	s1 =	sld [smem:$0x3FA6]  }
0x28: {  	s2 =	sld [smem:$0x3FA7]  }
0x29: {  	s4 =	sld [smem:$0x3FA9]  }
0x2a: {  	p0 =	seq.s32 s5, $0x0;
	s5 =	sld [smem:$0x3FAA]  }
0x2b: {  	s6 =	sld [smem:$0x3FAB]  }
0x2c: {  	s7 =	sld [smem:$0x3FAC]  }
0x2d: {  	s3 =	simm.s32 $0x108;
	s8 =	sld [smem:$0x3FAD]  }
0x2e: {  	s3 =	simm.s32 @!p0 $0x1082;
	s9 =	sld [smem:$0x3FAE]  }
0x2f: {  	lr =	sadd.s32 s0, s3;
	s0 =	sld [smem:$0x3FA5]  }
0x30: {  	s3 =	sld [smem:$0x3FA8]  }
0x31: {  	[smem:$0x3FB1] =	sst s10  }
0x32: {  	s10 =	sld [smem:$0x3FAF];
	_ =	sdelay $0x3  }
0x33: {  	p0 =	seq.s32 s10, $0x1;
	s10 =	sld [smem:$0x3FB1];
	_ =	sdelay $0x3  }
0x34: {  	[smem:$0x3FB1] =	sst s10  }
0x35: {  	s10 =	sld [smem:$0x3FB0];
	_ =	sdelay $0x3  }
0x36: {  	p1 =	seq.s32 s10, $0x1;
	s10 =	sld [smem:$0x3FB1];
	_ =	sdelay $0x3  }
0x37: {  	[smem:$0x3FB1] =	sst s10  }
0x38: {  	s10 =	sld [smem:$0x3FB2]  }
0x39: {  	_ = 	snop;
	(pc) =	sbr.ind lr, $3  }
0x3a: {  	_ = 	snop  }
0x3b: {  	_ = 	snop  }
0x3c: {  	p2 =	seq.s32 s10, $0x1;
	s10 =	sld [smem:$0x3FB1]  }
0x3d: {  	_ =	shalt  }
0x3e: {  	_ =	shalt  }
0x3f: {  	_ =	shalt  }
0x40: {  	_ =	shalt  }
0x41: {  	_ =	shalt  }
0x42: {  	_ =	shalt  }
0x43: {  	_ =	shalt  }
0x44: {  	_ =	shalt  }
0x45: {  	_ =	shalt  }
0x46: {  	_ =	shalt  }
0x47: {  	_ =	shalt  }
0x48: {  	_ =	shalt  }
0x49: {  	_ =	shalt  }
0x4a: {  	_ =	shalt  }
0x4b: {  	_ =	shalt  }
0x4c: {  	_ =	shalt  }
0x4d: {  	_ =	shalt  }
0x4e: {  	_ =	shalt  }
0x4f: {  	_ =	shalt  }
0x50: {  	_ =	shalt  }
0x51: {  	_ =	shalt  }
0x52: {  	_ =	shalt  }
0x53: {  	_ =	shalt  }
0x54: {  	_ =	shalt  }
0x55: {  	_ =	shalt  }
0x56: {  	_ =	shalt  }
0x57: {  	_ =	shalt  }
0x58: {  	_ =	shalt  }
0x59: {  	_ =	shalt  }
0x5a: {  	_ =	shalt  }
0x5b: {  	_ =	shalt  }
0x5c: {  	_ =	shalt  }
0x5d: {  	_ =	shalt  }
0x5e: {  	_ =	shalt  }
0x5f: {  	_ =	shalt  }
0x60: {  	_ =	shalt  }
0x61: {  	_ =	shalt  }
0x62: {  	_ =	shalt  }
0x63: {  	_ =	shalt  }
0x64: {  	_ =	shalt  }
0x65: {  	_ =	shalt  }
0x66: {  	_ =	shalt  }
0x67: {  	_ =	shalt  }
0x68: {  	_ =	shalt  }
0x69: {  	_ =	shalt  }
0x6a: {  	_ =	shalt  }
0x6b: {  	_ =	shalt  }
0x6c: {  	_ =	shalt  }
0x6d: {  	_ =	shalt  }
0x6e: {  	_ =	shalt  }
0x6f: {  	_ =	shalt  }
0x70: {  	_ =	shalt  }
0x71: {  	_ =	shalt  }
0x72: {  	_ =	shalt  }
0x73: {  	_ =	shalt  }
0x74: {  	_ =	shalt  }
0x75: {  	_ =	shalt  }
0x76: {  	_ =	shalt  }
0x77: {  	_ =	shalt  }
0x78: {  	_ =	shalt  }
0x79: {  	_ =	shalt  }
0x7a: {  	_ =	shalt  }
0x7b: {  	_ =	shalt  }
0x7c: {  	_ =	shalt  }
0x7d: {  	_ =	shalt  }
0x7e: {  	_ =	shalt  }
0x7f: {  	_ =	shalt  }
0x80: {  	_ =	shalt  }
0x81: {  	_ =	shalt  }
0x82: {  	_ =	shalt  }
0x83: {  	_ =	shalt  }
0x84: {  	_ =	shalt  }
0x85: {  	_ =	shalt  }
0x86: {  	_ =	shalt  }
0x87: {  	_ =	shalt  }
.Lfunc_end0:
.L_simem_size_0:
called_computation.1_lowered:
.L_overlay_start_0:
0x88: {  	s2 =	sld [smem:$0x3FD9]  }
0x89: {  	s3 =	sld [smem:$0x3FFE];
	_ =	sdelay $0x1  }
0x8a: {  	s1 =	srdreg.scid  }
0x8b: {  	s0 =	sand.u32 $0x1, s1  }
0x8c: {  	s17 =	sshll.u32 s0, $0xA;
	s2 =	sadd.s32 s3, s2  }
0x8d: {  	s2 =	sadd.s32 s2, s17  }
0x8e: {  	[smem:$0x3FBD] =	sst s2  }
0x8f: {  	_ = 	snop  }
0x90: {  	s2 =	sld [smem:$0x3FD0];
	(tm) =	ssettm $0x1  }
0x91: {  	s18 =	sld [smem:$0x3FFB];
	_ =	sdelay $0x3  }
0x92: {  	_ =	strace s18  }
0x93: {  	s3 =	sld [smem:$0x3FFC];
	_ =	sdelay $0x3  }
0x94: {  	_ =	strace s3  }
0x95: {  	s3 =	sld [smem:$0x3FFD];
	_ =	sdelay $0x3  }
0x96: {  	_ =	strace s3  }
0x97: {  	_ =	strace $0x8FFFFFFF  }
0x98: {  	s19 =	sld [smem:$0x3FDB];
	_ =	sdelay $0x1  }
0x99: {  	s4 =	simm.s32 $_scs_section_size  }
0x9a: {  	s5 =	simm.s32 $_size__tile_overlayer_lowered;
	s6 =	simm.s32 $_tile_overlayer_lowered  }
0x9b: {  	s22 =	simm.s32 $0x1BFF;
	s21 =	sshll.u32 s6, $0x1;
	s3 =	sadd.s32 s4, s19  }
0x9c: {  	s7 =	simm.s32 $0x0;
	s20 =	sshll.u32 s5, $0x1;
	s5 =	sadd.s32 s21, s3  }
0x9d: {  	[timem:s7], [sflag:s22] =	dma.local [hbm:s5], s20  }
0x9e: {  	_ =	swait.ge [sflag:s22], s20  }
0x9f: {  	s4 =	ssub.s32 $0x0, s20;
	[sflag:s22] =	ssyncset.done $0x0  }
0xa0: {  	[sflag:s22] =	ssyncadd.s32 s4;
	_ =	sdelay $0x1  }
0xa1: {  	s23 =	simm.s32 $0x1B8B  }
0xa2: {  	_ =	swait.ge [sflag:s23], $0x1  }
0xa3: {  	[sflag:s23] =	ssyncset.done $0x0  }
0xa4: {  	s25 =	simm.s32 $0x1B8E;
	s24 =	sld [smem:$0x3FFE];
	[sflag:s23] =	ssyncadd.s32 $0xFFFFFFFF  }
0xa5: {  	s26 =	simm.s32 $execute0_lowered;
	[smem:$0x3FD2] =	sst s25  }
0xa6: {  	s5 =	sshll.u32 s26, $0x1;
	_ =	strace $0x80000049;
	[dreg:$0x1] =	wrdreg $0xFFFFFFFF  }
0xa7: {  	s28 =	simm.s32 $_size_execute0_lowered;
	s3 =	sadd.s32 s3, s5;
	[dreg:$0x0] =	wrdreg $0x0  }
0xa8: {  	s5 =	sshll.u32 s28, $0x1;
	[dreg:$0x2] =	wrdreg s3  }
0xa9: {  	[dreg:$0x3] =	wrdreg s5  }
0xaa: {  	[dreg:$0x4] =	wrdreg $0xC0  }
0xab: {  	_ =	task [dreg:s7], $0x5FFFF  }
0xac: {  	[dreg:$0x1] =	wrdreg $0xFFFFFFFF  }
0xad: {  	[dreg:$0x0] =	wrdreg $0x60  }
0xae: {  	[dreg:$0x2] =	wrdreg s24  }
0xaf: {  	[dreg:$0x3] =	wrdreg s2  }
0xb0: {  	[dreg:$0x4] =	wrdreg $0x84800  }
0xb1: {  	[dreg:$0x5] =	wrdreg $0x9  }
0xb2: {  	_ =	task.clear_ibuf [dreg:s7], $0x6FFFF;
	_ =	strace $0x90000049  }
0xb3: {  	s29 =	simm.s32 $0x9;
	_ =	strace $0x8000004B  }
0xb4: {  	_ =	swait.ge [sflag:s29], $0x1  }
0xb5: {  	[sflag:s29] =	ssyncadd.s32 $0xFFFFFFFF  }
0xb6: {  	_ =	strace $0x9000004B  }
0xb7: {  	_ =	sfence  }
0xb8: {  	s30 =	sld [smem:$0x0];
	_ =	sdelay $0x2  }
0xb9: {  	s31 =	sshll.u32 s1, $0xD;
	s1 =	sshrl.u32 s1, $0x2  }
0xba: {  	s3 =	sand.u32 $0x4000, s31;
	s1 =	sadd.s32 s1, s30  }
0xbb: {  	s0 =	sor.u32 s3, s0;
	s1 =	sshll.u32 s1, $0x11  }
0xbc: {  	s0 =	sor.u32 s1, s0  }
0xbd: {  	s0 =	sadd.s32 $0x8F2B, s0  }
0xbe: {  	[sflag:s0] =	ssyncadd.remote.s32 $0x1  }
0xbf: {  	_ =	sfence.sel $0xFFFF  }
0xc0: {  	[dreg:$0x0] =	wrdreg $0xFFFFFFFF;
	(pc) =	sbr.abs _section_cstart, $3  }
0xc1: {  	[dreg:$0x1] =	wrdreg $0xFFFFFFFF  }
0xc2: {  	_ =	task.clear_ibuf [dreg:s7], $0x2FFFF;
	_ =	strace $0x9FFFFFFF  }
0xc3: {  	(tm) =	ssettm $0x7FFFFFFF  }
tec
execute0_lowered:
.L_overlay_start_1:
0x0: {  	(tag) =	ssettag $0x1  }
0x1: {  	s0 =	rddreg [dreg:$0x0]  }
0x2: {  	s2 =	rddreg [dreg:$0x2];
	s3 =	simm.s32 $0x0;
	s1 =	srdreg.scid  }
0x3: {  	s9 =	stileid.u32;
	s28 =	simm.s32 $0x400;
	s29 =	simm.s32 $0x200  }
0x4: {  	s30 =	simm.s32 $0x80;
	s31 =	simm.s32 $0x280;
	[smem:$0x7FF] =	sst s3  }
0x5: {  	s4 =	sadd.s32 $0x15800, s0;
	s5 =	sadd.s32 $0x1800, s0;
	s1 =	sand.u32 $0x1, s1  }
0x6: {  	s6 =	sadd.s32 $0x3CA00, s0;
	s7 =	sadd.s32 $0x46A00, s0;
	s0 =	sadd.s32 $0x46E00, s0  }
0x7: {  	s26 =	sshll.u32 s9, $0xD;
	s13 =	smul.u32 $0x5000, s9;
	p0 =	seq.s32 s9, $0xF  }
0x8: {  	_ =	strace $0x8000004A;
	[dreg:$0x8] =	wrdreg s7;
	s25 =	ssub.s32 $0x2, s1  }
0x9: {  	s11 =	smul.u32 $0x50000, s1;
	s10 =	sadd.s32 s26, s2;
	s12 =	sor.u32 $0x20000, s26  }
0xa: {  	s14 =	sor.u32 $0x40000, s26;
	s15 =	sor.u32 $0x60000, s26;
	s17 =	sor.u32 $0x80000, s26  }
0xb: {  	s1 =	smul.u32 $0x9E000, s1;
	s8 =	sshrl.u32 s25, $0x1;
	s22 =	sadd.s32 s12, s2  }
0xc: {  	s23 =	sadd.s32 s14, s2;
	s24 =	sadd.s32 s15, s2;
	[dreg:$0x9] =	wrdreg s10  }
0xd: {  	s7 =	ssub.s32 s25, s8;
	s16 =	sadd.s32 s13, s11;
	s11 =	sadd.s32 s17, s2  }
0xe: {  	s13 =	sshrl.u32 s13, $0x3;
	s8 =	sadd.s32 s26, s1;
	s12 =	sadd.s32 s1, s12  }
0xf: {  	s14 =	sadd.s32 s1, s14;
	s25 =	sadd.s32 s1, s15;
	[dreg:$0xa] =	wrdreg s22  }
0x10: {  	s1 =	sadd.s32 s1, s17;
	s26 =	smul.u32 $0xA00, s9;
	[dreg:$0xb] =	wrdreg s23  }
0x11: {  	[dreg:$0xc] =	wrdreg s24;
	s18 =	sshrl.u32 s16, $0x3;
	s20 =	sadd.s32 s6, s13  }
0x12: {  	s8 =	sshrl.u32 s8, $0x3;
	s12 =	sshrl.u32 s12, $0x3;
	[dreg:$0xd] =	wrdreg s11  }
0x13: {  	s21 =	sshrl.u32 s14, $0x3;
	s8 =	sadd.s32 s0, s8;
	[dreg:$0xf] =	wrdreg s20  }
0x14: {  	s1 =	sshrl.u32 s1, $0x3;
	s19 =	sadd.s32 s0, s12;
	[dreg:$0x10] =	wrdreg s8  }
0x15: {  	s14 =	sor.u32 $0x180, s16;
	s17 =	sadd.s32 $0x10, s20;
	[dreg:$0x11] =	wrdreg s19  }
0x16: {  	s18 =	sadd.s32 s5, s18;
	s15 =	sshrl.u32 s14, $0x3;
	[dreg:$0x16] =	wrdreg s17  }
0x17: {  	s14 =	simm.s32 $0x180;
	s8 =	sadd.s32 s0, s21;
	[dreg:$0xe] =	wrdreg s18  }
0x18: {  	s19 =	sadd.s32 s26, s6;
	s12 =	sadd.s32 $0x10, s18;
	[dreg:$0x12] =	wrdreg s8  }
0x19: {  	s18 =	sadd.s32 $0x20, s18;
	s26 =	smax.u32 s7, $0x1;
	[dreg:$0x15] =	wrdreg s12  }
0x1a: {  	s6 =	simm.s32 $0x2400;
	s17 =	simm.s32 $0x3;
	[dreg:$0x17] =	wrdreg s18  }
0x1b: {  	s8 =	sshrl.u32 s25, $0x3;
	s25 =	sadd.s32 $0x20, s20;
	[dreg:$0x19] =	wrdreg s26  }
0x1c: {  	s26 =	simm.s32 $0x9;
	s18 =	simm.s32 $0x4400;
	s20 =	simm.s32 $0x6  }
0x1d: {  	s12 =	simm.s32 $0x6400;
	s8 =	sadd.s32 s0, s8;
	[dreg:$0x18] =	wrdreg s25  }
0x1e: {  	s0 =	sadd.s32 s0, s1;
	s1 =	sor.u32 $0x200, s16;
	[dreg:$0x13] =	wrdreg s8  }
0x1f: {  	[dreg:$0x14] =	wrdreg s0;
	s0 =	sshrl.u32 s1, $0x3;
	s8 =	sor.u32 $0x280, s16  }
0x20: {  	s16 =	sor.u32 $0x300, s16;
	s0 =	sadd.s32 s0, s5;
	s1 =	sshrl.u32 s8, $0x3  }
0x21: {  	[dreg:$0x4] =	wrdreg s0;
	s13 =	sadd.s32 s1, s5;
	s0 =	sadd.s32 s15, s5  }
0x22: {  	s1 =	sshrl.u32 s16, $0x3;
	s15 =	simm.s32 $0x380;
	[dreg:$0x5] =	wrdreg s13  }
0x23: {  	s16 =	simm.s32 $0x5;
	[dreg:$0x6] =	wrdreg s0;
	s21 =	sadd.s32 s1, s5  }
0x24: {  	s0 =	simm.s32 $0x100;
	s1 =	simm.s32 $0x300;
	s5 =	simm.s32 $0x2  }
0x25: {  	s13 =	simm.s32 $0x0;
	[dreg:$0x7] =	wrdreg s21;
	s21 =	simm.s32 $0x4  }
.LBB2_1:
0x26: {  	s7 =	rddreg [dreg:$0x1];
	s8 =	simm.s32 $0x8400  }
0x27: {  	[tilespmem:s8], [sflag:$0x9] =	stream.linear.gather [hbm4b:s7+s3], $0x80, $0x38;
	[tilespmem:$0x12280] =	vst v63  }
0x28: {  	_ =	swait.ge [sflag:s26], $0x80  }
0x29: {  	[sflag:s26] =	ssyncset.done $0x0  }
0x2a: {  	s9 =	rddreg [dreg:$0x8];
	[sflag:s26] =	ssyncadd.s32 $0xFFFFFF80  }
0x2b: {  	[tilespmem:s28], [sflag:$0x9] =	stream.linear.gather [hbm4b:s9+s3], $0x2000, $0x38;
	[tilespmem:$0x12280] =	vst v63  }
0x2c: {  	_ =	swait.ge [sflag:s26], $0x2000  }
0x2d: {  	[sflag:s26] =	ssyncset.done $0x0  }
0x2e: {  	[sflag:s26] =	ssyncadd.s32 $0xFFFFE000  }
0x2f: {  	[spmem:s10] =	stream.linear.scatter [tilespmem:s28], [sflag:$0x9], $0x2000, $0x38;
	[tilespmem:$0x12280] =	vst v63  }
0x30: {  	_ =	swait.ge [sflag:s26], $0x2000  }
0x31: {  	[sflag:s26] =	ssyncset.done $0x0  }
0x32: {  	[sflag:s26] =	ssyncadd.s32 $0xFFFFE000  }
0x33: {  	[spmem:s22] =	stream.linear.scatter [tilespmem:s28], [sflag:$0x9], $0x2000, $0x38;
	[tilespmem:$0x12280] =	vst v63  }
0x34: {  	_ =	swait.ge [sflag:s26], $0x2000  }
0x35: {  	[sflag:s26] =	ssyncset.done $0x0  }
0x36: {  	[sflag:s26] =	ssyncadd.s32 $0xFFFFE000  }
0x37: {  	[spmem:s23] =	stream.linear.scatter [tilespmem:s28], [sflag:$0x9], $0x2000, $0x38;
	[tilespmem:$0x12280] =	vst v63  }
0x38: {  	_ =	swait.ge [sflag:s26], $0x2000  }
0x39: {  	[sflag:s26] =	ssyncset.done $0x0  }
0x3a: {  	[sflag:s26] =	ssyncadd.s32 $0xFFFFE000  }
0x3b: {  	[spmem:s24] =	stream.linear.scatter [tilespmem:s28], [sflag:$0x9], $0x2000, $0x38;
	[tilespmem:$0x12280] =	vst v63  }
0x3c: {  	_ =	swait.ge [sflag:s26], $0x2000  }
0x3d: {  	[sflag:s26] =	ssyncset.done $0x0  }
0x3e: {  	s7 =	simm.s32 @!p0 $0x400;
	[sflag:s26] =	ssyncadd.s32 $0xFFFFE000  }
0x3f: {  	[spmem:s11] =	stream.linear.scatter @!p0 [tilespmem:s7], [sflag:$0x9], $0x2000, $0x38;
	[tilespmem:$0x12280] =	vst v63  }
0x40: {  	s7 =	simm.s32 @!p0 $0x9  }
0x41: {  	_ =	swait.ge @!p0 [sflag:s7], $0x2000  }
0x42: {  	[sflag:s7] =	ssyncset.done @!p0 $0x0  }
0x43: {  	[sflag:s7] =	ssyncadd.s32 @!p0 $0xFFFFE000  }
0x44: {  	[bflag:$0x0] =	sbarrier.arrive $0xFFFF  }
0x45: {  	s24 =	rddreg [dreg:$0xe]  }
0x46: {  	[tilespmem:s3], [sflag:$0x1] =	stream.linear.gather [hbm4b:s24+s3], $0x80, $0x38;
	[tilespmem:$0x12280] =	vst v63  }
0x47: {  	s25 =	rddreg [dreg:$0xf]  }
0x48: {  	[tilespmem:s29], [sflag:$0x1] =	stream.linear.gather [hbm4b:s25+s3], $0x80, $0x38;
	[tilespmem:$0x12280] =	vst v63  }
0x49: {  	s8 =	rddreg [dreg:$0x15]  }
0x4a: {  	[tilespmem:s30], [sflag:$0x2] =	stream.linear.gather [hbm4b:s8+s3], $0x80, $0x38;
	[tilespmem:$0x12280] =	vst v63  }
0x4b: {  	s9 =	rddreg [dreg:$0x16]  }
0x4c: {  	[tilespmem:s31], [sflag:$0x2] =	stream.linear.gather [hbm4b:s9+s3], $0x80, $0x38;
	[tilespmem:$0x12280] =	vst v63  }
0x4d: {  	s10 =	rddreg [dreg:$0x17]  }
0x4e: {  	[tilespmem:s0], [sflag:$0x3] =	stream.linear.gather [hbm4b:s10+s3], $0x80, $0x38;
	[tilespmem:$0x12280] =	vst v63  }
0x4f: {  	s22 =	simm.s32 $0x1;
	s11 =	rddreg [dreg:$0x18]  }
0x50: {  	[tilespmem:s1], [sflag:$0x3] =	stream.linear.gather [hbm4b:s11+s3], $0x80, $0x38;
	[tilespmem:$0x12280] =	vst v63  }
0x51: {  	_ =	swait.ge [sflag:s22], $0x80  }
0x52: {  	[sflag:s22] =	ssyncset.done $0x0  }
0x53: {  	[sflag:s22] =	ssyncadd.s32 $0xFFFFFF80  }
0x54: {  	_ =	swait.ge [sflag:s22], $0x80  }
0x55: {  	[sflag:s22] =	ssyncset.done $0x0  }
0x56: {  	[sflag:s22] =	ssyncadd.s32 $0xFFFFFF80  }
0x57: {  	[tilespmem:s28], [sflag:$0x5] =	stream.indirect.gather [hbm4b:s4+s30], $0x40, s3, s30, $0xb8;
	[tilespmem:$0x12280] =	vst v63  }
0x58: {  	_ =	swait.ge [sflag:s5], $0x80  }
0x59: {  	[sflag:s5] =	ssyncset.done $0x0  }
0x5a: {  	[sflag:s5] =	ssyncadd.s32 $0xFFFFFF80  }
0x5b: {  	_ =	swait.ge [sflag:s5], $0x80  }
0x5c: {  	[sflag:s5] =	ssyncset.done $0x0  }
0x5d: {  	s23 =	rddreg [dreg:$0x6];
	[sflag:s5] =	ssyncadd.s32 $0xFFFFFF80  }
0x5e: {  	[tilespmem:s6], [sflag:$0x6] =	stream.indirect.gather [hbm4b:s4+s30], $0x40, s30, s30, $0xb8;
	[tilespmem:$0x12280] =	vst v63  }
0x5f: {  	s24 =	sadd.s32 $0x0, s19;
	s7 =	sadd.s32 $0x0, s23  }
0x60: {  	[tilespmem:s14], [sflag:$0x4] =	stream.linear.gather [hbm4b:s7+s3], $0x80, $0x38;
	[tilespmem:$0x12280] =	vst v63  }
0x61: {  	s25 =	sadd.s32 $0x30, s24  }
0x62: {  	[tilespmem:s15], [sflag:$0x4] =	stream.linear.gather [hbm4b:s25+s3], $0x80, $0x38;
	[tilespmem:$0x12280] =	vst v63  }
0x63: {  	_ =	swait.ge [sflag:s16], $0x2000  }
0x64: {  	[sflag:s16] =	ssyncset.done $0x0  }
0x65: {  	[sflag:s16] =	ssyncadd.s32 $0xFFFFE000  }
0x66: {  	_ =	swait.ge [sflag:s17], $0x80  }
0x67: {  	[sflag:s17] =	ssyncset.done $0x0  }
0x68: {  	[sflag:s17] =	ssyncadd.s32 $0xFFFFFF80  }
0x69: {  	_ =	swait.ge [sflag:s17], $0x80  }
0x6a: {  	[sflag:s17] =	ssyncset.done $0x0  }
0x6b: {  	[sflag:s17] =	ssyncadd.s32 $0xFFFFFF80  }
0x6c: {  	[tilespmem:s18], [sflag:$0x7] =	stream.indirect.gather [hbm4b:s4+s30], $0x40, s0, s30, $0xb8;
	[tilespmem:$0x12280] =	vst v63  }
0x6d: {  	_ = 	snop  }
0x6e: {  	[spmem:s2] =	stream.indirect.scatter.add.f32 [tilespmem:s28], [sflag:$0x9], $0x40, s29, s30, $0xb8;
	[tilespmem:$0x12280] =	vst v63  }
0x6f: {  	p1 =	por $0x0, $0x0;
	_ =	swait.ge [sflag:s26], $0x2000  }
0x70: {  	s8 =	simm.s32 @!p1 $0x0;
	s7 =	rddreg [dreg:$0x4];
	[sflag:s26] =	ssyncset.done $0x0  }
0x71: {  	s22 =	sadd.s32 @!p1 $0x0, s19;
	[sflag:s26] =	ssyncadd.s32 $0xFFFFE000;
	s7 =	sadd.s32 @!p1 $0x0, s7  }
0x72: {  	[tilespmem:s8], [sflag:$0x1] =	stream.linear.gather @!p1 [hbm4b:s7+s8], $0x80, $0x38;
	[tilespmem:$0x12280] =	vst v63  }
0x73: {  	s7 =	sadd.s32 @!p1 $0x40, s22;
	s22 =	simm.s32 @!p1 $0x200  }
0x74: {  	[tilespmem:s22], [sflag:$0x1] =	stream.linear.gather @!p1 [hbm4b:s7+s8], $0x80, $0x38;
	[tilespmem:$0x12280] =	vst v63  }
0x75: {  	_ =	swait.ge [sflag:s20], $0x2000  }
0x76: {  	[sflag:s20] =	ssyncset.done $0x0  }
0x77: {  	[sflag:s20] =	ssyncadd.s32 $0xFFFFE000  }
0x78: {  	_ =	swait.ge [sflag:s21], $0x80  }
0x79: {  	[sflag:s21] =	ssyncset.done $0x0  }
0x7a: {  	[sflag:s21] =	ssyncadd.s32 $0xFFFFFF80  }
0x7b: {  	_ =	swait.ge [sflag:s21], $0x80  }
0x7c: {  	[sflag:s21] =	ssyncset.done $0x0  }
0x7d: {  	[sflag:s21] =	ssyncadd.s32 $0xFFFFFF80  }
0x7e: {  	[tilespmem:s12], [sflag:$0x8] =	stream.indirect.gather [hbm4b:s4+s30], $0x40, s14, s30, $0xb8;
	[tilespmem:$0x12280] =	vst v63  }
0x7f: {  	p1 =	por $0x1, $0x1  }
0x80: {  	[spmem:s2] =	stream.indirect.scatter.add.f32 [tilespmem:s6], [sflag:$0x9], $0x40, s31, s30, $0xb8;
	[tilespmem:$0x12280] =	vst v63  }
0x81: {  	s8 =	simm.s32 @p1 $0x0;
	_ =	swait.ge [sflag:s26], $0x2000  }
0x82: {  	s22 =	simm.s32 @p1 $0x80;
	s7 =	rddreg [dreg:$0x5];
	[sflag:s26] =	ssyncset.done $0x0  }
0x83: {  	s23 =	sadd.s32 @p1 $0x0, s19;
	[sflag:s26] =	ssyncadd.s32 $0xFFFFE000;
	s7 =	sadd.s32 @p1 $0x0, s7  }
0x84: {  	[tilespmem:s22], [sflag:$0x2] =	stream.linear.gather @p1 [hbm4b:s7+s8], $0x80, $0x38;
	[tilespmem:$0x12280] =	vst v63  }
0x85: {  	s24 =	sadd.s32 @p1 $0x50, s23;
	s7 =	simm.s32 @p1 $0x280  }
0x86: {  	[tilespmem:s7], [sflag:$0x2] =	stream.linear.gather @p1 [hbm4b:s24+s8], $0x80, $0x38;
	[tilespmem:$0x12280] =	vst v63  }
0x87: {  	s7 =	simm.s32 @p1 $0x7  }
0x88: {  	_ =	swait.ge @p1 [sflag:s7], $0x2000  }
0x89: {  	[sflag:s7] =	ssyncset.done @p1 $0x0  }
0x8a: {  	s24 =	simm.s32 @p1 $0x1;
	[sflag:s7] =	ssyncadd.s32 @p1 $0xFFFFE000  }
0x8b: {  	_ =	swait.ge @p1 [sflag:s24], $0x80  }
0x8c: {  	[sflag:s24] =	ssyncset.done @p1 $0x0  }
0x8d: {  	[sflag:s24] =	ssyncadd.s32 @p1 $0xFFFFFF80  }
0x8e: {  	_ =	swait.ge @p1 [sflag:s24], $0x80  }
0x8f: {  	[sflag:s24] =	ssyncset.done @p1 $0x0  }
0x90: {  	s7 =	simm.s32 @p1 $0x400;
	[sflag:s24] =	ssyncadd.s32 @p1 $0xFFFFFF80;
	s24 =	simm.s32 @!p1 $0x7  }
0x91: {  	[tilespmem:s7], [sflag:$0x5] =	stream.indirect.gather @p1 [hbm4b:s4+s22], $0x40, s8, s22, $0xb8;
	[tilespmem:$0x12280] =	vst v63  }
0x92: {  	_ =	swait.ge @!p1 [sflag:s24], $0x2000  }
0x93: {  	[sflag:s24] =	ssyncset.done @!p1 $0x0  }
0x94: {  	[sflag:s24] =	ssyncadd.s32 @!p1 $0xFFFFE000  }
0x95: {  	[spmem:s2] =	stream.indirect.scatter.add.f32 [tilespmem:s18], [sflag:$0x9], $0x40, s1, s30, $0xb8;
	[tilespmem:$0x12280] =	vst v63  }
0x96: {  	_ =	swait.ge [sflag:s26], $0x2000  }
0x97: {  	s7 =	rddreg [dreg:$0x7];
	[sflag:s26] =	ssyncset.done $0x0  }
0x98: {  	s24 =	simm.s32 @p1 $0x100;
	[sflag:s26] =	ssyncadd.s32 $0xFFFFE000;
	s7 =	sadd.s32 @p1 $0x0, s7  }
0x99: {  	[tilespmem:s24], [sflag:$0x3] =	stream.linear.gather @p1 [hbm4b:s7+s8], $0x80, $0x38;
	[tilespmem:$0x12280] =	vst v63  }
0x9a: {  	s7 =	sadd.s32 @p1 $0x60, s23;
	s23 =	simm.s32 @p1 $0x300  }
0x9b: {  	[tilespmem:s23], [sflag:$0x3] =	stream.linear.gather @p1 [hbm4b:s7+s8], $0x80, $0x38;
	[tilespmem:$0x12280] =	vst v63  }
0x9c: {  	s7 =	simm.s32 @p1 $0x8  }
0x9d: {  	_ =	swait.ge @p1 [sflag:s7], $0x2000  }
0x9e: {  	[sflag:s7] =	ssyncset.done @p1 $0x0  }
0x9f: {  	[sflag:s7] =	ssyncadd.s32 @p1 $0xFFFFE000;
	s7 =	simm.s32 @p1 $0x2  }
0xa0: {  	_ =	swait.ge @p1 [sflag:s7], $0x80  }
0xa1: {  	[sflag:s7] =	ssyncset.done @p1 $0x0  }
0xa2: {  	[sflag:s7] =	ssyncadd.s32 @p1 $0xFFFFFF80  }
0xa3: {  	_ =	swait.ge @p1 [sflag:s7], $0x80  }
0xa4: {  	[sflag:s7] =	ssyncset.done @p1 $0x0  }
0xa5: {  	[sflag:s7] =	ssyncadd.s32 @p1 $0xFFFFFF80;
	s7 =	simm.s32 @p1 $0x2400  }
0xa6: {  	[tilespmem:s7], [sflag:$0x6] =	stream.indirect.gather @p1 [hbm4b:s4+s22], $0x40, s22, s22, $0xb8;
	[tilespmem:$0x12280] =	vst v63  }
0xa7: {  	s7 =	simm.s32 @!p1 $0x8  }
0xa8: {  	_ =	swait.ge @!p1 [sflag:s7], $0x2000  }
0xa9: {  	[sflag:s7] =	ssyncset.done @!p1 $0x0  }
0xaa: {  	[sflag:s7] =	ssyncadd.s32 @!p1 $0xFFFFE000  }
0xab: {  	[spmem:s2] =	stream.indirect.scatter.add.f32 [tilespmem:s12], [sflag:$0x9], $0x40, s15, s30, $0xb8;
	[tilespmem:$0x12280] =	vst v63  }
0xac: {  	s23 =	simm.s32 $0x80;
	s22 =	simm.s32 $0x40;
	_ =	swait.ge [sflag:s26], $0x2000  }
.LBB2_2:
0xad: {  	s7 =	rddreg [dreg:$0x6];
	[sflag:s26] =	ssyncset.done $0x0  }
0xae: {  	s8 =	sadd.s32 s22, s19;
	[sflag:s26] =	ssyncadd.s32 $0xFFFFE000;
	s7 =	sadd.s32 s22, s7  }
0xaf: {  	[tilespmem:s14], [sflag:$0x4] =	stream.linear.gather [hbm4b:s7+s3], $0x80, $0x38;
	[tilespmem:$0x12280] =	vst v63  }
0xb0: {  	s25 =	sadd.s32 $0x30, s8  }
0xb1: {  	[tilespmem:s15], [sflag:$0x4] =	stream.linear.gather [hbm4b:s25+s3], $0x80, $0x38;
	[tilespmem:$0x12280] =	vst v63  }
0xb2: {  	_ =	swait.ge [sflag:s16], $0x2000  }
0xb3: {  	[sflag:s16] =	ssyncset.done $0x0  }
0xb4: {  	[sflag:s16] =	ssyncadd.s32 $0xFFFFE000  }
0xb5: {  	_ =	swait.ge [sflag:s17], $0x80  }
0xb6: {  	[sflag:s17] =	ssyncset.done $0x0  }
0xb7: {  	[sflag:s17] =	ssyncadd.s32 $0xFFFFFF80  }
0xb8: {  	_ =	swait.ge [sflag:s17], $0x80  }
0xb9: {  	[sflag:s17] =	ssyncset.done $0x0  }
0xba: {  	[sflag:s17] =	ssyncadd.s32 $0xFFFFFF80  }
0xbb: {  	[tilespmem:s18], [sflag:$0x7] =	stream.indirect.gather [hbm4b:s4+s30], $0x40, s0, s30, $0xb8;
	[tilespmem:$0x12280] =	vst v63  }
0xbc: {  	_ = 	snop  }
0xbd: {  	[spmem:s2] =	stream.indirect.scatter.add.f32 [tilespmem:s28], [sflag:$0x9], $0x40, s29, s30, $0xb8;
	[tilespmem:$0x12280] =	vst v63  }
0xbe: {  	p2 =	seq.s32 s22, $0x9C0;
	_ =	swait.ge [sflag:s26], $0x2000  }
0xbf: {  	s8 =	simm.s32 @!p2 $0x0;
	s7 =	rddreg [dreg:$0x4];
	[sflag:s26] =	ssyncset.done $0x0  }
0xc0: {  	s9 =	sadd.s32 @!p2 s22, s19;
	[sflag:s26] =	ssyncadd.s32 $0xFFFFE000;
	s7 =	sadd.s32 @!p2 s22, s7  }
0xc1: {  	[tilespmem:s8], [sflag:$0x1] =	stream.linear.gather @!p2 [hbm4b:s7+s8], $0x80, $0x38;
	[tilespmem:$0x12280] =	vst v63  }
0xc2: {  	s10 =	simm.s32 @!p2 $0x200;
	s9 =	sadd.s32 @!p2 $0x40, s9  }
0xc3: {  	[tilespmem:s10], [sflag:$0x1] =	stream.linear.gather @!p2 [hbm4b:s9+s8], $0x80, $0x38;
	[tilespmem:$0x12280] =	vst v63  }
0xc4: {  	_ =	swait.ge [sflag:s20], $0x2000  }
0xc5: {  	[sflag:s20] =	ssyncset.done $0x0  }
0xc6: {  	[sflag:s20] =	ssyncadd.s32 $0xFFFFE000  }
0xc7: {  	_ =	swait.ge [sflag:s21], $0x80  }
0xc8: {  	[sflag:s21] =	ssyncset.done $0x0  }
0xc9: {  	[sflag:s21] =	ssyncadd.s32 $0xFFFFFF80  }
0xca: {  	_ =	swait.ge [sflag:s21], $0x80  }
0xcb: {  	[sflag:s21] =	ssyncset.done $0x0  }
0xcc: {  	[sflag:s21] =	ssyncadd.s32 $0xFFFFFF80  }
0xcd: {  	[tilespmem:s12], [sflag:$0x8] =	stream.indirect.gather [hbm4b:s4+s30], $0x40, s14, s30, $0xb8;
	[tilespmem:$0x12280] =	vst v63  }
0xce: {  	p2 =	sne.s32 s22, $0x9C0  }
0xcf: {  	[spmem:s2] =	stream.indirect.scatter.add.f32 [tilespmem:s6], [sflag:$0x9], $0x40, s31, s30, $0xb8;
	[tilespmem:$0x12280] =	vst v63  }
0xd0: {  	s8 =	simm.s32 @p2 $0x0;
	_ =	swait.ge [sflag:s26], $0x2000  }
0xd1: {  	s7 =	simm.s32 @p2 $0x80;
	s9 =	rddreg [dreg:$0x5];
	[sflag:s26] =	ssyncset.done $0x0  }
0xd2: {  	s10 =	sadd.s32 @p2 s22, s19;
	[sflag:s26] =	ssyncadd.s32 $0xFFFFE000;
	s9 =	sadd.s32 @p2 s22, s9  }
0xd3: {  	[tilespmem:s7], [sflag:$0x2] =	stream.linear.gather @p2 [hbm4b:s9+s8], $0x80, $0x38;
	[tilespmem:$0x12280] =	vst v63  }
0xd4: {  	s11 =	simm.s32 @p2 $0x280;
	s25 =	simm.s32 @p2 $0x7;
	s9 =	sadd.s32 @p2 $0x50, s10  }
0xd5: {  	[tilespmem:s11], [sflag:$0x2] =	stream.linear.gather @p2 [hbm4b:s9+s8], $0x80, $0x38;
	[tilespmem:$0x12280] =	vst v63  }
0xd6: {  	_ =	swait.ge @p2 [sflag:s25], $0x2000  }
0xd7: {  	[sflag:s25] =	ssyncset.done @p2 $0x0  }
0xd8: {  	s9 =	simm.s32 @p2 $0x1;
	[sflag:s25] =	ssyncadd.s32 @p2 $0xFFFFE000  }
0xd9: {  	_ =	swait.ge @p2 [sflag:s9], $0x80  }
0xda: {  	[sflag:s9] =	ssyncset.done @p2 $0x0  }
0xdb: {  	[sflag:s9] =	ssyncadd.s32 @p2 $0xFFFFFF80  }
0xdc: {  	_ =	swait.ge @p2 [sflag:s9], $0x80  }
0xdd: {  	[sflag:s9] =	ssyncset.done @p2 $0x0  }
0xde: {  	s11 =	simm.s32 @p2 $0x400;
	[sflag:s9] =	ssyncadd.s32 @p2 $0xFFFFFF80;
	s9 =	simm.s32 @!p2 $0x7  }
0xdf: {  	[tilespmem:s11], [sflag:$0x5] =	stream.indirect.gather @p2 [hbm4b:s4+s7], $0x40, s8, s7, $0xb8;
	[tilespmem:$0x12280] =	vst v63  }
0xe0: {  	_ =	swait.ge @!p2 [sflag:s9], $0x2000  }
0xe1: {  	[sflag:s9] =	ssyncset.done @!p2 $0x0  }
0xe2: {  	[sflag:s9] =	ssyncadd.s32 @!p2 $0xFFFFE000  }
0xe3: {  	[spmem:s2] =	stream.indirect.scatter.add.f32 [tilespmem:s18], [sflag:$0x9], $0x40, s1, s30, $0xb8;
	[tilespmem:$0x12280] =	vst v63  }
0xe4: {  	_ =	swait.ge [sflag:s26], $0x2000  }
0xe5: {  	s9 =	rddreg [dreg:$0x7];
	[sflag:s26] =	ssyncset.done $0x0  }
0xe6: {  	s11 =	simm.s32 @p2 $0x100;
	[sflag:s26] =	ssyncadd.s32 $0xFFFFE000;
	s9 =	sadd.s32 @p2 s22, s9  }
0xe7: {  	[tilespmem:s11], [sflag:$0x3] =	stream.linear.gather @p2 [hbm4b:s9+s8], $0x80, $0x38;
	[tilespmem:$0x12280] =	vst v63  }
0xe8: {  	s10 =	sadd.s32 @p2 $0x60, s10;
	s25 =	simm.s32 @p2 $0x300;
	s9 =	simm.s32 @p2 $0x8  }
0xe9: {  	[tilespmem:s25], [sflag:$0x3] =	stream.linear.gather @p2 [hbm4b:s10+s8], $0x80, $0x38;
	[tilespmem:$0x12280] =	vst v63  }
0xea: {  	_ =	swait.ge @p2 [sflag:s9], $0x2000  }
0xeb: {  	[sflag:s9] =	ssyncset.done @p2 $0x0  }
0xec: {  	s8 =	simm.s32 @p2 $0x2;
	[sflag:s9] =	ssyncadd.s32 @p2 $0xFFFFE000  }
0xed: {  	_ =	swait.ge @p2 [sflag:s8], $0x80  }
0xee: {  	[sflag:s8] =	ssyncset.done @p2 $0x0  }
0xef: {  	[sflag:s8] =	ssyncadd.s32 @p2 $0xFFFFFF80  }
0xf0: {  	s24 =	smov.u32 s23;
	s23 =	sadd.s32 $0x40, s23;
	_ =	swait.ge @p2 [sflag:s8], $0x80  }
0xf1: {  	p1 =	sne.s32 s23, $0xA00;
	[sflag:s8] =	ssyncset.done @p2 $0x0  }
0xf2: {  	s9 =	simm.s32 @p2 $0x2400;
	[sflag:s8] =	ssyncadd.s32 @p2 $0xFFFFFF80;
	s8 =	simm.s32 @!p2 $0x8  }
0xf3: {  	[tilespmem:s9], [sflag:$0x6] =	stream.indirect.gather @p2 [hbm4b:s4+s7], $0x40, s7, s7, $0xb8;
	[tilespmem:$0x12280] =	vst v63  }
.Ltmp0:
0xf4: {  	_ =	swait.ge @!p2 [sflag:s8], $0x2000;
	(pc) =	sbr.rel @p1 .LBB2_2-.Ltmp0, $4  }
0xf5: {  	[sflag:s8] =	ssyncset.done @!p2 $0x0  }
0xf6: {  	[sflag:s8] =	ssyncadd.s32 @!p2 $0xFFFFE000  }
0xf7: {  	[spmem:s2] =	stream.indirect.scatter.add.f32 [tilespmem:s12], [sflag:$0x9], $0x40, s15, s30, $0xb8;
	[tilespmem:$0x12280] =	vst v63  }
0xf8: {  	s22 =	smov.u32 s24;
	_ =	swait.ge [sflag:s26], $0x2000  }
0xf9: {  	s7 =	rddreg [dreg:$0x6];
	[sflag:s26] =	ssyncset.done $0x0  }
0xfa: {  	s8 =	sadd.s32 s22, s19;
	[sflag:s26] =	ssyncadd.s32 $0xFFFFE000;
	s7 =	sadd.s32 s22, s7  }
0xfb: {  	[tilespmem:s14], [sflag:$0x4] =	stream.linear.gather [hbm4b:s7+s3], $0x80, $0x38;
	[tilespmem:$0x12280] =	vst v63  }
0xfc: {  	s11 =	sadd.s32 $0x30, s8  }
0xfd: {  	[tilespmem:s15], [sflag:$0x4] =	stream.linear.gather [hbm4b:s11+s3], $0x80, $0x38;
	[tilespmem:$0x12280] =	vst v63  }
0xfe: {  	_ =	swait.ge [sflag:s16], $0x2000  }
0xff: {  	[sflag:s16] =	ssyncset.done $0x0  }
0x100: {  	[sflag:s16] =	ssyncadd.s32 $0xFFFFE000  }
0x101: {  	_ =	swait.ge [sflag:s17], $0x80  }
0x102: {  	[sflag:s17] =	ssyncset.done $0x0  }
0x103: {  	[sflag:s17] =	ssyncadd.s32 $0xFFFFFF80  }
0x104: {  	_ =	swait.ge [sflag:s17], $0x80  }
0x105: {  	[sflag:s17] =	ssyncset.done $0x0  }
0x106: {  	[sflag:s17] =	ssyncadd.s32 $0xFFFFFF80  }
0x107: {  	[tilespmem:s18], [sflag:$0x7] =	stream.indirect.gather [hbm4b:s4+s30], $0x40, s0, s30, $0xb8;
	[tilespmem:$0x12280] =	vst v63  }
0x108: {  	_ = 	snop  }
0x109: {  	[spmem:s2] =	stream.indirect.scatter.add.f32 [tilespmem:s28], [sflag:$0x9], $0x40, s29, s30, $0xb8;
	[tilespmem:$0x12280] =	vst v63  }
0x10a: {  	p1 =	seq.s32 s22, $0x9C0;
	_ =	swait.ge [sflag:s26], $0x2000  }
0x10b: {  	s8 =	simm.s32 @!p1 $0x0;
	s7 =	rddreg [dreg:$0x4];
	[sflag:s26] =	ssyncset.done $0x0  }
0x10c: {  	s9 =	sadd.s32 @!p1 s22, s19;
	[sflag:s26] =	ssyncadd.s32 $0xFFFFE000;
	s7 =	sadd.s32 @!p1 s22, s7  }
0x10d: {  	[tilespmem:s8], [sflag:$0x1] =	stream.linear.gather @!p1 [hbm4b:s7+s8], $0x80, $0x38;
	[tilespmem:$0x12280] =	vst v63  }
0x10e: {  	s7 =	sadd.s32 @!p1 $0x40, s9;
	s9 =	simm.s32 @!p1 $0x200  }
0x10f: {  	[tilespmem:s9], [sflag:$0x1] =	stream.linear.gather @!p1 [hbm4b:s7+s8], $0x80, $0x38;
	[tilespmem:$0x12280] =	vst v63  }
0x110: {  	_ =	swait.ge [sflag:s20], $0x2000  }
0x111: {  	[sflag:s20] =	ssyncset.done $0x0  }
0x112: {  	[sflag:s20] =	ssyncadd.s32 $0xFFFFE000  }
0x113: {  	_ =	swait.ge [sflag:s21], $0x80  }
0x114: {  	[sflag:s21] =	ssyncset.done $0x0  }
0x115: {  	[sflag:s21] =	ssyncadd.s32 $0xFFFFFF80  }
0x116: {  	_ =	swait.ge [sflag:s21], $0x80  }
0x117: {  	[sflag:s21] =	ssyncset.done $0x0  }
0x118: {  	[sflag:s21] =	ssyncadd.s32 $0xFFFFFF80  }
0x119: {  	[tilespmem:s12], [sflag:$0x8] =	stream.indirect.gather [hbm4b:s4+s30], $0x40, s14, s30, $0xb8;
	[tilespmem:$0x12280] =	vst v63  }
0x11a: {  	p1 =	sne.s32 s22, $0x9C0  }
0x11b: {  	[spmem:s2] =	stream.indirect.scatter.add.f32 [tilespmem:s6], [sflag:$0x9], $0x40, s31, s30, $0xb8;
	[tilespmem:$0x12280] =	vst v63  }
0x11c: {  	s8 =	simm.s32 @p1 $0x0;
	_ =	swait.ge [sflag:s26], $0x2000  }
0x11d: {  	s9 =	simm.s32 @p1 $0x80;
	s7 =	rddreg [dreg:$0x5];
	[sflag:s26] =	ssyncset.done $0x0  }
0x11e: {  	s10 =	sadd.s32 @p1 s22, s19;
	[sflag:s26] =	ssyncadd.s32 $0xFFFFE000;
	s7 =	sadd.s32 @p1 s22, s7  }
0x11f: {  	[tilespmem:s9], [sflag:$0x2] =	stream.linear.gather @p1 [hbm4b:s7+s8], $0x80, $0x38;
	[tilespmem:$0x12280] =	vst v63  }
0x120: {  	s11 =	sadd.s32 @p1 $0x50, s10;
	s7 =	simm.s32 @p1 $0x280  }
0x121: {  	[tilespmem:s7], [sflag:$0x2] =	stream.linear.gather @p1 [hbm4b:s11+s8], $0x80, $0x38;
	[tilespmem:$0x12280] =	vst v63  }
0x122: {  	s7 =	simm.s32 @p1 $0x7  }
0x123: {  	_ =	swait.ge @p1 [sflag:s7], $0x2000  }
0x124: {  	[sflag:s7] =	ssyncset.done @p1 $0x0  }
0x125: {  	[sflag:s7] =	ssyncadd.s32 @p1 $0xFFFFE000;
	s7 =	simm.s32 @p1 $0x1  }
0x126: {  	_ =	swait.ge @p1 [sflag:s7], $0x80  }
0x127: {  	[sflag:s7] =	ssyncset.done @p1 $0x0  }
0x128: {  	[sflag:s7] =	ssyncadd.s32 @p1 $0xFFFFFF80  }
0x129: {  	_ =	swait.ge @p1 [sflag:s7], $0x80  }
0x12a: {  	[sflag:s7] =	ssyncset.done @p1 $0x0  }
0x12b: {  	[sflag:s7] =	ssyncadd.s32 @p1 $0xFFFFFF80;
	s7 =	simm.s32 @p1 $0x400  }
0x12c: {  	[tilespmem:s7], [sflag:$0x5] =	stream.indirect.gather @p1 [hbm4b:s4+s9], $0x40, s8, s9, $0xb8;
	[tilespmem:$0x12280] =	vst v63  }
0x12d: {  	s7 =	simm.s32 @!p1 $0x7  }
0x12e: {  	_ =	swait.ge @!p1 [sflag:s7], $0x2000  }
0x12f: {  	[sflag:s7] =	ssyncset.done @!p1 $0x0  }
0x130: {  	[sflag:s7] =	ssyncadd.s32 @!p1 $0xFFFFE000  }
0x131: {  	[spmem:s2] =	stream.indirect.scatter.add.f32 [tilespmem:s18], [sflag:$0x9], $0x40, s1, s30, $0xb8;
	[tilespmem:$0x12280] =	vst v63  }
0x132: {  	_ =	swait.ge [sflag:s26], $0x2000  }
0x133: {  	s7 =	rddreg [dreg:$0x7];
	[sflag:s26] =	ssyncset.done $0x0  }
0x134: {  	s11 =	simm.s32 @p1 $0x100;
	[sflag:s26] =	ssyncadd.s32 $0xFFFFE000;
	s7 =	sadd.s32 @p1 s22, s7  }
0x135: {  	[tilespmem:s11], [sflag:$0x3] =	stream.linear.gather @p1 [hbm4b:s7+s8], $0x80, $0x38;
	[tilespmem:$0x12280] =	vst v63  }
0x136: {  	s7 =	sadd.s32 @p1 $0x60, s10;
	s10 =	simm.s32 @p1 $0x300  }
0x137: {  	[tilespmem:s10], [sflag:$0x3] =	stream.linear.gather @p1 [hbm4b:s7+s8], $0x80, $0x38;
	[tilespmem:$0x12280] =	vst v63  }
0x138: {  	s7 =	simm.s32 @p1 $0x8  }
0x139: {  	_ =	swait.ge @p1 [sflag:s7], $0x2000  }
0x13a: {  	[sflag:s7] =	ssyncset.done @p1 $0x0  }
0x13b: {  	[sflag:s7] =	ssyncadd.s32 @p1 $0xFFFFE000;
	s7 =	simm.s32 @p1 $0x2  }
0x13c: {  	_ =	swait.ge @p1 [sflag:s7], $0x80  }
0x13d: {  	[sflag:s7] =	ssyncset.done @p1 $0x0  }
0x13e: {  	[sflag:s7] =	ssyncadd.s32 @p1 $0xFFFFFF80  }
0x13f: {  	_ =	swait.ge @p1 [sflag:s7], $0x80  }
0x140: {  	[sflag:s7] =	ssyncset.done @p1 $0x0  }
0x141: {  	[sflag:s7] =	ssyncadd.s32 @p1 $0xFFFFFF80;
	s7 =	simm.s32 @p1 $0x2400  }
0x142: {  	[tilespmem:s7], [sflag:$0x6] =	stream.indirect.gather @p1 [hbm4b:s4+s9], $0x40, s9, s9, $0xb8;
	[tilespmem:$0x12280] =	vst v63  }
0x143: {  	s7 =	simm.s32 @!p1 $0x8  }
0x144: {  	_ =	swait.ge @!p1 [sflag:s7], $0x2000  }
0x145: {  	[sflag:s7] =	ssyncset.done @!p1 $0x0  }
0x146: {  	[sflag:s7] =	ssyncadd.s32 @!p1 $0xFFFFE000  }
0x147: {  	[spmem:s2] =	stream.indirect.scatter.add.f32 [tilespmem:s12], [sflag:$0x9], $0x40, s15, s30, $0xb8;
	[tilespmem:$0x12280] =	vst v63  }
0x148: {  	_ =	swait.ge [sflag:s26], $0x2000  }
0x149: {  	[sflag:s26] =	ssyncset.done $0x0  }
0x14a: {  	[sflag:s26] =	ssyncadd.s32 $0xFFFFE000  }
0x14b: {  	s23 =	stileid.u32;
	[bflag:$0x0] =	sbarrier.arrive $0xFFFF  }
0x14c: {  	s7 =	sshll.u32 s23, $0x6;
	s10 =	rddreg [dreg:$0x9]  }
0x14d: {  	s7 =	sor.u32 $0x1C09, s7;
	s25 =	rddreg [dreg:$0x10];
	s24 =	sshrl.u32 s10, $0x3  }
0x14e: {  	[hbm:s25], [sflag:s7] =	dma.local [spmem:s24], $0x400  }
0x14f: {  	_ =	swait.ge [sflag:s26], $0x400  }
0x150: {  	[sflag:s26] =	ssyncset.done $0x0;
	s22 =	rddreg [dreg:$0xa]  }
0x151: {  	s23 =	rddreg [dreg:$0x11];
	[sflag:s26] =	ssyncadd.s32 $0xFFFFFC00;
	s11 =	sshrl.u32 s22, $0x3  }
0x152: {  	[hbm:s23], [sflag:s7] =	dma.local [spmem:s11], $0x400  }
0x153: {  	_ =	swait.ge [sflag:s26], $0x400  }
0x154: {  	[sflag:s26] =	ssyncset.done $0x0;
	s23 =	rddreg [dreg:$0xb]  }
0x155: {  	s25 =	rddreg [dreg:$0x12];
	[sflag:s26] =	ssyncadd.s32 $0xFFFFFC00;
	s24 =	sshrl.u32 s23, $0x3  }
0x156: {  	[hbm:s25], [sflag:s7] =	dma.local [spmem:s24], $0x400  }
0x157: {  	_ =	swait.ge [sflag:s26], $0x400  }
0x158: {  	[sflag:s26] =	ssyncset.done $0x0;
	s24 =	rddreg [dreg:$0xc]  }
0x159: {  	s11 =	rddreg [dreg:$0x13];
	[sflag:s26] =	ssyncadd.s32 $0xFFFFFC00;
	s9 =	sshrl.u32 s24, $0x3  }
0x15a: {  	[hbm:s11], [sflag:s7] =	dma.local [spmem:s9], $0x400  }
0x15b: {  	_ =	swait.ge [sflag:s26], $0x400  }
0x15c: {  	[sflag:s26] =	ssyncset.done $0x0;
	s11 =	rddreg [dreg:$0xd]  }
0x15d: {  	s9 =	rddreg [dreg:$0x14];
	[sflag:s26] =	ssyncadd.s32 $0xFFFFFC00;
	s8 =	sshrl.u32 @!p0 s11, $0x3  }
0x15e: {  	[hbm:s9], [sflag:s7] =	dma.local @!p0 [spmem:s8], $0x400  }
0x15f: {  	s7 =	simm.s32 @!p0 $0x9  }
0x160: {  	_ =	swait.ge @!p0 [sflag:s7], $0x400  }
0x161: {  	s13 =	sadd.s32 $0x1, s13;
	s25 =	rddreg [dreg:$0x19]  }
0x162: {  	p1 =	sne.s32 s13, s25  }
.Ltmp1:
0x163: {  	_ = 	snop;
	(pc) =	sbr.rel @p1 .LBB2_1-.Ltmp1, $3  }
0x164: {  	_ =	sdelay $0x1  }
0x165: {  	[sflag:s7] =	ssyncset.done @!p0 $0x0  }
0x166: {  	[sflag:s7] =	ssyncadd.s32 @!p0 $0xFFFFFC00  }
0x167: {  	_ =	sfence.sel $0x180000  }
0x168: {  	[bflag:$0x0] =	sbarrier.arrive $0xFFFF  }
0x169: {  	_ =	strace $0x9000004A  }
0x16a: {  	s0 =	stileid.u32;
	[bflag:$0x2] =	sbarrier.arrive $0xFFFF  }
0x16b: {  	p0 =	sne.s32 s0, $0x0;
	s0 =	rddreg [dreg:$0x3]  }
0x16c: {  	s0 =	sadd.s32 @!p0 $0x100000, s0  }
0x16d: {  	[sflag:s0] =	ssyncadd.tile.s32 @!p0 $0x1;
	_ =	shalt  }
.Lfunc_end2:
_tile_overlayer_lowered:
.L_overlay_start_2:
0x16e: {  	(tag) =	ssettag $0x2  }
0x16f: {  	s0 =	rddreg [dreg:$0x0];
	s2 =	stileid.u32  }
0x170: {  	s1 =	rddreg [dreg:$0x1];
	p0 =	sne.s32 s2, $0x0  }
0x171: {  	s3 =	rddreg [dreg:$0x2];
	[bflag:$0x3] =	sbarrier.arrive $0xFFFF;
	s2 =	simm.s32 @!p0 $0x1C09  }
0x172: {  	[timem:s3], [sflag:s2] =	dma.local @!p0 [hbm:s0], s1  }
0x173: {  	s0 =	simm.s32 @!p0 $0x9  }
0x174: {  	_ =	swait.ge @!p0 [sflag:s0], s1  }
0x175: {  	s1 =	ssub.s32 @!p0 $0x0, s1;
	[sflag:s0] =	ssyncset.done @!p0 $0x0  }
0x176: {  	[sflag:s0] =	ssyncadd.s32 @!p0 s1  }
0x177: {  	[bflag:$0x3] =	sbarrier.arrive $0xFFFF  }
0x178: {  	_ =	shalt  }

</sc_bundles>
